<compile_context>
chip_gen: v7x
topology: tpu7x:2x2x1
jax: 0.10.2.dev20260603
libtpu: 0.0.44.dev20260713+nightly
codegen_flags: <defaults>
</compile_context>

<pallas_src>
import functools

import jax
import jax.numpy as jnp
from jax import lax
from jax.experimental import pallas as pl
from jax.experimental.pallas import tpu as pltpu
from jax.experimental.pallas import tpu_sc as plsc

F32 = jnp.float32

_N = 10000
_E = 320000
_D = 128
_NS = 16
_CH = 128
_EPT = 20480
_EPAD = _NS * _EPT
_NCHUNK = _EPT // _CH
_G = 8
_NG = _NCHUNK // _G
_NPAD = 10240
_RPT = _NPAD // _NS

_O = (0, 2 * _N + 8, 4 * _N + 16, 5 * _N + 24)


def _sc_body(ta, gidx4, dst2, zrows, outf, outd, acc, giv, div, rows, degp,
             sg0, sg1, ss0, ss1, si):
    c = lax.axis_index("c")
    s = lax.axis_index("s")
    wid = c * _NS + s
    sg = (sg0, sg1)
    ss = (ss0, ss1)
    ones16 = jnp.ones((16,), F32)

    def drain(sem, b):
        pltpu.make_async_copy(ta.at[pl.ds(0, _CH)], rows.at[b], sem).wait()

    def zdeg(i, carry):
        degp[pl.ds(i * 16, 16)] = jnp.zeros((16,), F32)
        return carry

    lax.fori_loop(0, _NPAD // 16, zdeg, 0)

    for j in range(2):
        jj = 2 * c + j
        pltpu.sync_copy(zrows.at[pl.ds(s * _RPT, _RPT)],
                        acc.at[pl.ds(s * _RPT, _RPT)])
        plsc.subcore_barrier()

        pltpu.sync_copy(gidx4.at[jj, s, pl.ds(0, _G)], giv.at[0])
        pltpu.sync_copy(dst2.at[s, pl.ds(0, _G)], div.at[0])
        pltpu.async_copy(ta.at[giv.at[0, 0]], rows.at[0], sg[0])

        def group(grp, carry):
            p = grp % 2
            np_ = 1 - p
            nxt = ((grp + 1) % _NG) * _G
            for i in range(_G):
                b = i % 2
                nb = 1 - b
                if i == 0:
                    @pl.when(grp > 0)
                    def _():
                        drain(ss[nb], nb)
                else:
                    drain(ss[nb], nb)
                if i == 2:
                    pltpu.async_copy(gidx4.at[jj, s, pl.ds(nxt, _G)],
                                     giv.at[np_], si)
                    pltpu.async_copy(dst2.at[s, pl.ds(nxt, _G)],
                                     div.at[np_], si)
                if i < _G - 1:
                    pltpu.async_copy(ta.at[giv.at[p, i + 1]], rows.at[nb],
                                     sg[nb])
                else:
                    pltpu.make_async_copy(gidx4.at[jj, s, pl.ds(0, _G)],
                                          giv.at[0], si).wait()
                    pltpu.make_async_copy(gidx4.at[jj, s, pl.ds(0, _G)],
                                          giv.at[0], si).wait()
                    pltpu.async_copy(ta.at[giv.at[np_, 0]], rows.at[nb],
                                     sg[nb])
                if j == 0:
                    for l in range(_CH // 16):
                        plsc.addupdate_scatter(
                            degp, [div[p, i, pl.ds(l * 16, 16)]], ones16)
                drain(sg[b], b)
                pltpu.async_copy(rows.at[b], acc.at[div.at[p, i]], ss[b],
                                 add=True)
            return carry

        lax.fori_loop(0, _NG, group, 0)
        drain(sg[0], 0)
        drain(ss[(_NCHUNK - 1) % 2], (_NCHUNK - 1) % 2)

        plsc.subcore_barrier()
        pltpu.sync_copy(acc.at[pl.ds(s * _RPT, _RPT)],
                        outf.at[jj, pl.ds(s * _RPT, _RPT)])
        if j == 0:
            pltpu.sync_copy(degp, outd.at[wid])
        plsc.subcore_barrier()


def _make_sc_agg():
    return functools.partial(
        pl.kernel,
        mesh=plsc.VectorSubcoreMesh(core_axis_name="c", subcore_axis_name="s"),
        compiler_params=pltpu.CompilerParams(needs_layout_passes=False),
        out_type=[jax.ShapeDtypeStruct((4, _NPAD, _D), F32),
                  jax.ShapeDtypeStruct((2 * _NS, _NPAD), F32)],
        scratch_types=[
            pltpu.VMEM_SHARED((_NPAD, _D), F32),
            pltpu.VMEM((2, _G, _CH), jnp.int32),
            pltpu.VMEM((2, _G, _CH), jnp.int32),
            pltpu.VMEM((2, _CH, _D), F32),
            pltpu.VMEM((_NPAD,), F32),
            pltpu.SemaphoreType.DMA,
            pltpu.SemaphoreType.DMA,
            pltpu.SemaphoreType.DMA,
            pltpu.SemaphoreType.DMA,
            pltpu.SemaphoreType.DMA,
        ],
    )(_sc_body)


_R = 1024


def _tc_body(a1_3, a4_3, a2_3, a3_3, dp, xs, xu, wcs, wcu, wfs, wfu,
             bf, os_ref, ou_ref):
    a1, a4, a2, a3 = a1_3[0], a4_3[0], a2_3[0], a3_3[0]
    deg2 = jnp.sum(dp[0], axis=0)[:, None]
    inv = 2.0 / jnp.maximum(deg2, 2.0)
    s_in = jnp.concatenate([a1, a4], axis=1) * inv
    u_in = jnp.concatenate([a3, a2], axis=1) * inv
    hs = jnp.tanh(
        jnp.dot(s_in, wcs[...], preferred_element_type=F32) + xs[...])
    hu = jnp.maximum(
        jnp.dot(u_in, wcu[...], preferred_element_type=F32) + xu[...], 0.0)
    os_ref[...] = jnp.dot(jnp.concatenate([hs, hu], axis=1), wfs[...],
                          preferred_element_type=F32) + hs
    ou_ref[...] = jnp.dot(jnp.concatenate([jnp.abs(hs), hu], axis=1), wfu[...],
                          preferred_element_type=F32) + bf[...] + hu


def _acc_spec(job):
    return pl.BlockSpec((1, _R, _D), lambda i: (job, i, 0))


_tc_epilogue = pl.pallas_call(
    _tc_body,
    grid=(_NPAD // _R,),
    in_specs=[
        _acc_spec(0), _acc_spec(1), _acc_spec(2), _acc_spec(3),
        pl.BlockSpec((1, 2 * _NS, _R), lambda i: (i, 0, 0)),
        pl.BlockSpec((_R, _D), lambda i: (i, 0)),
        pl.BlockSpec((_R, _D), lambda i: (i, 0)),
        pl.BlockSpec((2 * _D, _D), lambda i: (0, 0)),
        pl.BlockSpec((2 * _D, _D), lambda i: (0, 0)),
        pl.BlockSpec((2 * _D, _D), lambda i: (0, 0)),
        pl.BlockSpec((2 * _D, _D), lambda i: (0, 0)),
        pl.BlockSpec((1, _D), lambda i: (0, 0)),
    ],
    out_specs=[
        pl.BlockSpec((_R, _D), lambda i: (i, 0)),
        pl.BlockSpec((_R, _D), lambda i: (i, 0)),
    ],
    out_shape=[
        jax.ShapeDtypeStruct((_NPAD, _D), F32),
        jax.ShapeDtypeStruct((_NPAD, _D), F32),
    ],
)


def kernel(x_signed, x_unsigned, edge_index, is_directed,
           W_ss, W_su, W_uu, W_us, Wf_s, Wf_u, bf_u):
    src = edge_index[0]
    dst = edge_index[1]
    dir_i = is_directed.astype(jnp.int32)

    zrow8 = jnp.zeros((8, _D), F32)
    t1 = jnp.concatenate([x_signed, -x_signed, zrow8], axis=0)
    t4 = jnp.concatenate([x_unsigned, -x_unsigned, zrow8], axis=0)
    t2 = jnp.concatenate([jnp.abs(x_signed), zrow8], axis=0)
    t3 = jnp.concatenate([x_unsigned, zrow8], axis=0)
    ta = jnp.concatenate([t1, t4, t2, t3], axis=0)

    npad = _EPAD - _E
    g_sd = jnp.concatenate(
        [src + _N * dir_i, jnp.full((npad,), 2 * _N, jnp.int32)])
    g_u = jnp.concatenate([src, jnp.full((npad,), _N, jnp.int32)])
    gidx = jnp.concatenate([
        g_sd + _O[0], g_sd + _O[1], g_u + _O[2], g_u + _O[3]])
    gidx4 = gidx.reshape(4, _NS, _NCHUNK, _CH)
    dstp = jnp.concatenate([dst, jnp.full((npad,), _N, jnp.int32)])
    dst2 = dstp.reshape(_NS, _NCHUNK, _CH)
    zrows = jnp.zeros((_NPAD, _D), F32)

    outf, outd = _make_sc_agg()(ta, gidx4, dst2, zrows)
    outd3 = outd.reshape(2 * _NS, _NPAD // _R, _R).transpose(1, 0, 2)
    zn = jnp.zeros((_NPAD - _N, _D), F32)

    new_s, new_u = _tc_epilogue(
        outf, outf, outf, outf, outd3,
        jnp.concatenate([x_signed, zn], axis=0),
        jnp.concatenate([x_unsigned, zn], axis=0),
        jnp.concatenate([W_ss, W_us], axis=0),
        jnp.concatenate([W_uu, W_su], axis=0),
        Wf_s, Wf_u, bf_u.reshape(1, _D))
    return (new_s[:_N], new_u[:_N])

# --- scband reference (transcript-rebuilt; emitter-appended) ---
"""Pipeline reference for scband-eignblock-17205638988402 (READ-ONLY COPY).

The authoritative reference and input builder live on the scoring server;
editing this copy changes nothing except your own understanding.
"""

import jax, jax.numpy as jnp
import numpy as np

N = 10000
E = 320000
D = 128


def setup_inputs(seed: int = 0) -> dict:
    key = jax.random.key(seed)
    ks = jax.random.split(key, 12)
    x_signed = jax.random.normal(ks[0], (N, D), dtype=jnp.float32)
    x_unsigned = jax.random.normal(ks[1], (N, D), dtype=jnp.float32)
    edge_index = jax.random.randint(ks[2], (2, E), 0, N, dtype=jnp.int32)
    is_directed = jax.random.randint(ks[3], (E,), 0, 2, dtype=jnp.int32) == 1
    scale = 1.0 / np.sqrt(D)
    W_ss = jax.random.normal(ks[4], (D, D), dtype=jnp.float32) * scale
    W_su = jax.random.normal(ks[5], (D, D), dtype=jnp.float32) * scale
    W_uu = jax.random.normal(ks[6], (D, D), dtype=jnp.float32) * scale
    W_us = jax.random.normal(ks[7], (D, D), dtype=jnp.float32) * scale
    scale2 = 1.0 / np.sqrt(2 * D)
    Wf_s = jax.random.normal(ks[8], (2 * D, D), dtype=jnp.float32) * scale2
    Wf_u = jax.random.normal(ks[9], (2 * D, D), dtype=jnp.float32) * scale2
    bf_u = jnp.zeros((D,), dtype=jnp.float32)
    return {
        "x_signed": x_signed,
        "x_unsigned": x_unsigned,
        "edge_index": edge_index,
        "is_directed": is_directed,
        "W_ss": W_ss,
        "W_su": W_su,
        "W_uu": W_uu,
        "W_us": W_us,
        "Wf_s": Wf_s,
        "Wf_u": Wf_u,
        "bf_u": bf_u,
    }


def reference(x_signed, x_unsigned, edge_index, is_directed, W_ss, W_su, W_uu, W_us, Wf_s, Wf_u, bf_u):
    src = edge_index[0]
    dst = edge_index[1]
    # orientation sign: directed edges flip the sign for orientation-equivariant (signed-out) convs
    sign = jnp.where(is_directed, -1.0, 1.0).astype(jnp.float32)
    unit = jnp.ones_like(sign)
    deg = jax.ops.segment_sum(unit, dst, num_segments=N)
    deg = jnp.clip(deg, 1.0)[:, None]

    def agg(feat, s):
        m = feat[src] * s[:, None]
        return jax.ops.segment_sum(m, dst, num_segments=N) / deg

    # signed -> signed conv (residual, in==out so identity skip)
    h_ss = agg(x_signed, sign) @ W_ss + x_signed
    # signed -> unsigned conv (orientation-invariant: use abs of signed features)
    h_su = agg(jnp.abs(x_signed), unit) @ W_su
    # unsigned -> unsigned conv (residual)
    h_uu = agg(x_unsigned, unit) @ W_uu + x_unsigned
    # unsigned -> signed conv (orientation-equivariant via per-edge sign)
    h_us = agg(x_unsigned, sign) @ W_us

    h_s = jnp.tanh(h_ss + h_us)
    h_u = jax.nn.relu(h_uu + h_su)

    # fusion: FusionLayer = linear over concatenated modalities, plus residual add
    new_s = jnp.concatenate([h_s, h_u], axis=-1) @ Wf_s + h_s
    new_u = jnp.concatenate([jnp.abs(h_s), h_u], axis=-1) @ Wf_u + bf_u + h_u
    return (new_s, new_u)

if __name__ == "__main__":
    import jax
    _d = setup_inputs()
    print(jax.jit(kernel)(*tuple(_d.values())))

</pallas_src>

<mosaic_0001>
#map = affine_map<(d0, d1) -> (0, 0)>
#map1 = affine_map<(d0, d1) -> (0, 0, 0, 0)>
#map2 = affine_map<(d0, d1) -> (0, 0, 0)>
module attributes {stable_mosaic.version = 14 : i64} {
  func.func @_sc_body(%arg0: i32, %arg1: i32, %arg2: memref<60032x128xf32, #tpu.memory_space<hbm>>, %arg3: memref<4x16x160x128xi32, #tpu.memory_space<hbm>>, %arg4: memref<16x160x128xi32, #tpu.memory_space<hbm>>, %arg5: memref<10240x128xf32, #tpu.memory_space<hbm>>, %arg6: memref<4x10240x128xf32, #tpu.memory_space<hbm>>, %arg7: memref<32x10240xf32, #tpu.memory_space<hbm>>, %arg8: memref<10240x128xf32, #tpu.memory_space<vmem_shared>>, %arg9: memref<2x8x128xi32, #tpu.memory_space<vmem>>, %arg10: memref<2x8x128xi32, #tpu.memory_space<vmem>>, %arg11: memref<2x128x128xf32, #tpu.memory_space<vmem>>, %arg12: memref<10240xf32, #tpu.memory_space<vmem>>, %arg13: memref<!tpu.dma_semaphore, #tpu.memory_space<semaphore_mem>>, %arg14: memref<!tpu.dma_semaphore, #tpu.memory_space<semaphore_mem>>, %arg15: memref<!tpu.dma_semaphore, #tpu.memory_space<semaphore_mem>>, %arg16: memref<!tpu.dma_semaphore, #tpu.memory_space<semaphore_mem>>, %arg17: memref<!tpu.dma_semaphore, #tpu.memory_space<semaphore_mem>>) attributes {dimension_semantics = [#tpu.dimension_semantics<core_parallel>, #tpu.dimension_semantics<subcore_parallel>], iteration_bounds = array<i64: 2, 16>, scalar_prefetch = 0 : i64, scratch_operands = 10 : i64, tpu.core_type = #tpu.core_type<sc_vector_subcore>, window_params = [{transform_indices = #map}, {transform_indices = #map1}, {transform_indices = #map2}, {transform_indices = #map}, {transform_indices = #map2}, {transform_indices = #map}]} {
    %mul3A = arith.constant 16 : i32
    %mul3A_0 = arith.muli %arg0, %mul3A : i32
    %add3A = arith.addi %mul3A_0, %arg1 : i32
    %broadcast_in_dim3A = arith.constant 1.000000e+00 : f32
    %broadcast_in_dim3A_1 = vector.broadcast %broadcast_in_dim3A : f32 to vector<16xf32>
    %scan3A = arith.constant 0 : i32
    %scan3A_2 = arith.constant 0 : i32
    %scan3A_3 = arith.constant 640 : i32
    %scan3A_4 = arith.addi %scan3A_2, %scan3A_3 : i32
    %scan3A_5 = arith.constant 1 : i32
    scf.for %scan3A_135 = %scan3A_2 to %scan3A_4 step %scan3A_5  : i32 {
      %broadcast_in_dim3A_136 = arith.constant 0.000000e+00 : f32
      %broadcast_in_dim3A_137 = vector.broadcast %broadcast_in_dim3A_136 : f32 to vector<16xf32>
      %mul3A_138 = arith.constant 16 : i32
      %mul3A_139 = arith.muli %scan3A_135, %mul3A_138 : i32
      %swap3A = arith.index_cast %mul3A_139 : i32 to index
      %swap3A_140 = tpu.vector_load %arg12[%swap3A] {strides = array<i32>} : memref<10240xf32, #tpu.memory_space<vmem>>, vector<16xf32>,
      tpu.vector_store %arg12[%swap3A], %broadcast_in_dim3A_137 {strides = array<i32>} : memref<10240xf32, #tpu.memory_space<vmem>>, vector<16xf32>,
    }
    %scan3A_6 = arith.constant 640 : i32
    %mul3A_7 = arith.constant 2 : i32
    %mul3A_8 = arith.muli %mul3A_7, %arg0 : i32
    %add3A_9 = arith.constant 0 : i32
    %add3A_10 = arith.addi %mul3A_8, %add3A_9 : i32
    %mul3A_11 = arith.constant 640 : i32
    %mul3A_12 = arith.muli %arg1, %mul3A_11 : i32
    %mul3A_13 = arith.constant 640 : i32
    %mul3A_14 = arith.muli %arg1, %mul3A_13 : i32
    "tpu.region"() ({
      %run_scoped3A_135 = tpu.sem_alloc : memref<!tpu.dma_semaphore, #tpu.memory_space<semaphore_mem>>
      %dma_start3A_136 = arith.constant 0 : i32
      %dma_start3A_137 = tpu.memref_slice %arg8[%mul3A_14, %dma_start3A_136] : memref<10240x128xf32, #tpu.memory_space<vmem_shared>> -> memref<640x128xf32, #tpu.memory_space<vmem_shared>>
      %dma_start3A_138 = arith.constant 0 : i32
      %dma_start3A_139 = tpu.memref_slice %arg5[%mul3A_12, %dma_start3A_138] : memref<10240x128xf32, #tpu.memory_space<hbm>> -> memref<640x128xf32, #tpu.memory_space<hbm>>
      tpu.enqueue_dma source(%dma_start3A_139 : memref<640x128xf32, #tpu.memory_space<hbm>>) target(%dma_start3A_137 : memref<640x128xf32, #tpu.memory_space<vmem_shared>>) target_semaphore(%run_scoped3A_135 : memref<!tpu.dma_semaphore, #tpu.memory_space<semaphore_mem>>)
      %dma_wait3A_140 = arith.constant 0 : i32
      %dma_wait3A_141 = tpu.memref_slice %arg8[%mul3A_14, %dma_wait3A_140] : memref<10240x128xf32, #tpu.memory_space<vmem_shared>> -> memref<640x128xf32, #tpu.memory_space<vmem_shared>>
      %dma_wait3A_142 = arith.constant 0 : i32
      %dma_wait3A_143 = tpu.memref_slice %arg5[%mul3A_12, %dma_wait3A_142] : memref<10240x128xf32, #tpu.memory_space<hbm>> -> memref<640x128xf32, #tpu.memory_space<hbm>>
      tpu.wait_dma2 semaphore(%run_scoped3A_135 : memref<!tpu.dma_semaphore, #tpu.memory_space<semaphore_mem>>) src(%dma_wait3A_143 : memref<640x128xf32, #tpu.memory_space<hbm>>) dst(%dma_wait3A_141 : memref<640x128xf32, #tpu.memory_space<vmem_shared>>)
      tpu.yield
    }) : () -> ()
    %barrier3A = arith.constant 0 : index
    tpu.barrier barrier_id(%barrier3A)
    %run_scoped3A = arith.constant 0 : i32
    "tpu.region"() ({
      %run_scoped3A_135 = tpu.sem_alloc : memref<!tpu.dma_semaphore, #tpu.memory_space<semaphore_mem>>
      %dma_start3A_136 = arith.constant 0 : i32
      %dma_start3A_137 = arith.constant 0 : i32
      %dma_start3A_138 = tpu.memref_slice %arg9[%run_scoped3A, %dma_start3A_136, %dma_start3A_137] : memref<2x8x128xi32, #tpu.memory_space<vmem>> -> memref<1x8x128xi32, #tpu.memory_space<vmem>>
      %dma_start3A_139 = tpu.memref_squeeze %dma_start3A_138 : memref<1x8x128xi32, #tpu.memory_space<vmem>> -> memref<8x128xi32, #tpu.memory_space<vmem>>
      %dma_start3A_140 = arith.constant 0 : i32
      %dma_start3A_141 = arith.constant 0 : i32
      %dma_start3A_142 = tpu.memref_slice %arg3[%add3A_10, %arg1, %dma_start3A_140, %dma_start3A_141] : memref<4x16x160x128xi32, #tpu.memory_space<hbm>> -> memref<1x1x8x128xi32, #tpu.memory_space<hbm>>
      %dma_start3A_143 = tpu.memref_squeeze %dma_start3A_142 : memref<1x1x8x128xi32, #tpu.memory_space<hbm>> -> memref<8x128xi32, #tpu.memory_space<hbm>>
      %dma_start3A_144 = arith.constant 0 : i32
      %dma_start3A_145 = arith.constant 0 : i32
      %dma_start3A_146 = tpu.memref_slice %arg9[%run_scoped3A, %dma_start3A_144, %dma_start3A_145] : memref<2x8x128xi32, #tpu.memory_space<vmem>> -> memref<1x8x128xi32, #tpu.memory_space<vmem>>
      %dma_start3A_147 = tpu.memref_squeeze %dma_start3A_146 : memref<1x8x128xi32, #tpu.memory_space<vmem>> -> memref<8x128xi32, #tpu.memory_space<vmem>>
      %dma_start3A_148 = arith.constant 0 : i32
      %dma_start3A_149 = arith.constant 0 : i32
      %dma_start3A_150 = tpu.memref_slice %arg3[%add3A_10, %arg1, %dma_start3A_148, %dma_start3A_149] : memref<4x16x160x128xi32, #tpu.memory_space<hbm>> -> memref<1x1x8x128xi32, #tpu.memory_space<hbm>>
      %dma_start3A_151 = tpu.memref_squeeze %dma_start3A_150 : memref<1x1x8x128xi32, #tpu.memory_space<hbm>> -> memref<8x128xi32, #tpu.memory_space<hbm>>
      tpu.enqueue_dma source(%dma_start3A_151 : memref<8x128xi32, #tpu.memory_space<hbm>>) target(%dma_start3A_147 : memref<8x128xi32, #tpu.memory_space<vmem>>) target_semaphore(%run_scoped3A_135 : memref<!tpu.dma_semaphore, #tpu.memory_space<semaphore_mem>>)
      %dma_wait3A_152 = arith.constant 0 : i32
      %dma_wait3A_153 = arith.constant 0 : i32
      %dma_wait3A_154 = tpu.memref_slice %arg9[%run_scoped3A, %dma_wait3A_152, %dma_wait3A_153] : memref<2x8x128xi32, #tpu.memory_space<vmem>> -> memref<1x8x128xi32, #tpu.memory_space<vmem>>
      %dma_wait3A_155 = tpu.memref_squeeze %dma_wait3A_154 : memref<1x8x128xi32, #tpu.memory_space<vmem>> -> memref<8x128xi32, #tpu.memory_space<vmem>>
      %dma_wait3A_156 = arith.constant 0 : i32
      %dma_wait3A_157 = arith.constant 0 : i32
      %dma_wait3A_158 = tpu.memref_slice %arg3[%add3A_10, %arg1, %dma_wait3A_156, %dma_wait3A_157] : memref<4x16x160x128xi32, #tpu.memory_space<hbm>> -> memref<1x1x8x128xi32, #tpu.memory_space<hbm>>
      %dma_wait3A_159 = tpu.memref_squeeze %dma_wait3A_158 : memref<1x1x8x128xi32, #tpu.memory_space<hbm>> -> memref<8x128xi32, #tpu.memory_space<hbm>>
      %dma_wait3A_160 = arith.constant 0 : i32
      %dma_wait3A_161 = arith.constant 0 : i32
      %dma_wait3A_162 = tpu.memref_slice %arg9[%run_scoped3A, %dma_wait3A_160, %dma_wait3A_161] : memref<2x8x128xi32, #tpu.memory_space<vmem>> -> memref<1x8x128xi32, #tpu.memory_space<vmem>>
      %dma_wait3A_163 = tpu.memref_squeeze %dma_wait3A_162 : memref<1x8x128xi32, #tpu.memory_space<vmem>> -> memref<8x128xi32, #tpu.memory_space<vmem>>
      %dma_wait3A_164 = arith.constant 0 : i32
      %dma_wait3A_165 = arith.constant 0 : i32
      %dma_wait3A_166 = tpu.memref_slice %arg3[%add3A_10, %arg1, %dma_wait3A_164, %dma_wait3A_165] : memref<4x16x160x128xi32, #tpu.memory_space<hbm>> -> memref<1x1x8x128xi32, #tpu.memory_space<hbm>>
      %dma_wait3A_167 = tpu.memref_squeeze %dma_wait3A_166 : memref<1x1x8x128xi32, #tpu.memory_space<hbm>> -> memref<8x128xi32, #tpu.memory_space<hbm>>
      tpu.wait_dma2 semaphore(%run_scoped3A_135 : memref<!tpu.dma_semaphore, #tpu.memory_space<semaphore_mem>>) src(%dma_wait3A_167 : memref<8x128xi32, #tpu.memory_space<hbm>>) dst(%dma_wait3A_163 : memref<8x128xi32, #tpu.memory_space<vmem>>)
      tpu.yield
    }) : () -> ()
    %run_scoped3A_15 = arith.constant 0 : i32
    "tpu.region"() ({
      %run_scoped3A_135 = tpu.sem_alloc : memref<!tpu.dma_semaphore, #tpu.memory_space<semaphore_mem>>
      %dma_start3A_136 = arith.constant 0 : i32
      %dma_start3A_137 = arith.constant 0 : i32
      %dma_start3A_138 = tpu.memref_slice %arg10[%run_scoped3A_15, %dma_start3A_136, %dma_start3A_137] : memref<2x8x128xi32, #tpu.memory_space<vmem>> -> memref<1x8x128xi32, #tpu.memory_space<vmem>>
      %dma_start3A_139 = tpu.memref_squeeze %dma_start3A_138 : memref<1x8x128xi32, #tpu.memory_space<vmem>> -> memref<8x128xi32, #tpu.memory_space<vmem>>
      %dma_start3A_140 = arith.constant 0 : i32
      %dma_start3A_141 = arith.constant 0 : i32
      %dma_start3A_142 = tpu.memref_slice %arg4[%arg1, %dma_start3A_140, %dma_start3A_141] : memref<16x160x128xi32, #tpu.memory_space<hbm>> -> memref<1x8x128xi32, #tpu.memory_space<hbm>>
      %dma_start3A_143 = tpu.memref_squeeze %dma_start3A_142 : memref<1x8x128xi32, #tpu.memory_space<hbm>> -> memref<8x128xi32, #tpu.memory_space<hbm>>
      %dma_start3A_144 = arith.constant 0 : i32
      %dma_start3A_145 = arith.constant 0 : i32
      %dma_start3A_146 = tpu.memref_slice %arg10[%run_scoped3A_15, %dma_start3A_144, %dma_start3A_145] : memref<2x8x128xi32, #tpu.memory_space<vmem>> -> memref<1x8x128xi32, #tpu.memory_space<vmem>>
      %dma_start3A_147 = tpu.memref_squeeze %dma_start3A_146 : memref<1x8x128xi32, #tpu.memory_space<vmem>> -> memref<8x128xi32, #tpu.memory_space<vmem>>
      %dma_start3A_148 = arith.constant 0 : i32
      %dma_start3A_149 = arith.constant 0 : i32
      %dma_start3A_150 = tpu.memref_slice %arg4[%arg1, %dma_start3A_148, %dma_start3A_149] : memref<16x160x128xi32, #tpu.memory_space<hbm>> -> memref<1x8x128xi32, #tpu.memory_space<hbm>>
      %dma_start3A_151 = tpu.memref_squeeze %dma_start3A_150 : memref<1x8x128xi32, #tpu.memory_space<hbm>> -> memref<8x128xi32, #tpu.memory_space<hbm>>
      tpu.enqueue_dma source(%dma_start3A_151 : memref<8x128xi32, #tpu.memory_space<hbm>>) target(%dma_start3A_147 : memref<8x128xi32, #tpu.memory_space<vmem>>) target_semaphore(%run_scoped3A_135 : memref<!tpu.dma_semaphore, #tpu.memory_space<semaphore_mem>>)
      %dma_wait3A_152 = arith.constant 0 : i32
      %dma_wait3A_153 = arith.constant 0 : i32
      %dma_wait3A_154 = tpu.memref_slice %arg10[%run_scoped3A_15, %dma_wait3A_152, %dma_wait3A_153] : memref<2x8x128xi32, #tpu.memory_space<vmem>> -> memref<1x8x128xi32, #tpu.memory_space<vmem>>
      %dma_wait3A_155 = tpu.memref_squeeze %dma_wait3A_154 : memref<1x8x128xi32, #tpu.memory_space<vmem>> -> memref<8x128xi32, #tpu.memory_space<vmem>>
      %dma_wait3A_156 = arith.constant 0 : i32
      %dma_wait3A_157 = arith.constant 0 : i32
      %dma_wait3A_158 = tpu.memref_slice %arg4[%arg1, %dma_wait3A_156, %dma_wait3A_157] : memref<16x160x128xi32, #tpu.memory_space<hbm>> -> memref<1x8x128xi32, #tpu.memory_space<hbm>>
      %dma_wait3A_159 = tpu.memref_squeeze %dma_wait3A_158 : memref<1x8x128xi32, #tpu.memory_space<hbm>> -> memref<8x128xi32, #tpu.memory_space<hbm>>
      %dma_wait3A_160 = arith.constant 0 : i32
      %dma_wait3A_161 = arith.constant 0 : i32
      %dma_wait3A_162 = tpu.memref_slice %arg10[%run_scoped3A_15, %dma_wait3A_160, %dma_wait3A_161] : memref<2x8x128xi32, #tpu.memory_space<vmem>> -> memref<1x8x128xi32, #tpu.memory_space<vmem>>
      %dma_wait3A_163 = tpu.memref_squeeze %dma_wait3A_162 : memref<1x8x128xi32, #tpu.memory_space<vmem>> -> memref<8x128xi32, #tpu.memory_space<vmem>>
      %dma_wait3A_164 = arith.constant 0 : i32
      %dma_wait3A_165 = arith.constant 0 : i32
      %dma_wait3A_166 = tpu.memref_slice %arg4[%arg1, %dma_wait3A_164, %dma_wait3A_165] : memref<16x160x128xi32, #tpu.memory_space<hbm>> -> memref<1x8x128xi32, #tpu.memory_space<hbm>>
      %dma_wait3A_167 = tpu.memref_squeeze %dma_wait3A_166 : memref<1x8x128xi32, #tpu.memory_space<hbm>> -> memref<8x128xi32, #tpu.memory_space<hbm>>
      tpu.wait_dma2 semaphore(%run_scoped3A_135 : memref<!tpu.dma_semaphore, #tpu.memory_space<semaphore_mem>>) src(%dma_wait3A_167 : memref<8x128xi32, #tpu.memory_space<hbm>>) dst(%dma_wait3A_163 : memref<8x128xi32, #tpu.memory_space<vmem>>)
      tpu.yield
    }) : () -> ()
    %dma_start3A = arith.constant 0 : i32
    %dma_start3A_16 = arith.constant 0 : i32
    %dma_start3A_17 = arith.constant 0 : i32
    %dma_start3A_18 = arith.constant 0 : i32
    %dma_start3A_19 = arith.constant 0 : i32
    %dma_start3A_20 = tpu.memref_slice %arg11[%dma_start3A_17, %dma_start3A_18, %dma_start3A_19] : memref<2x128x128xf32, #tpu.memory_space<vmem>> -> memref<1x128x128xf32, #tpu.memory_space<vmem>>
    %dma_start3A_21 = tpu.memref_squeeze %dma_start3A_20 : memref<1x128x128xf32, #tpu.memory_space<vmem>> -> memref<128x128xf32, #tpu.memory_space<vmem>>
    %dma_start3A_22 = arith.constant 0 : i32
    %dma_start3A_23 = tpu.memref_slice %arg9[%dma_start3A, %dma_start3A_16, %dma_start3A_22] : memref<2x8x128xi32, #tpu.memory_space<vmem>> -> memref<1x1x128xi32, #tpu.memory_space<vmem>>
    %dma_start3A_24 = tpu.memref_squeeze %dma_start3A_23 : memref<1x1x128xi32, #tpu.memory_space<vmem>> -> memref<128xi32, #tpu.memory_space<vmem>>
    %dma_start3A_25 = arith.constant 0 : i32
    %dma_start3A_26 = arith.constant 0 : i32
    %dma_start3A_27 = tpu.memref_slice %arg2[%dma_start3A_25, %dma_start3A_26] : memref<60032x128xf32, #tpu.memory_space<hbm>> -> memref<60032x128xf32, #tpu.memory_space<hbm>>
    tpu.enqueue_indirect_dma source(%dma_start3A_27 : memref<60032x128xf32, #tpu.memory_space<hbm>>) target(%dma_start3A_21 : memref<128x128xf32, #tpu.memory_space<vmem>>) offsets(%dma_start3A_24 : memref<128xi32, #tpu.memory_space<vmem>>) semaphore(%arg13 : memref<!tpu.dma_semaphore, #tpu.memory_space<semaphore_mem>>)
    %scan3A_28 = arith.constant 0 : i32
    %scan3A_29 = arith.constant 0 : i32
    %scan3A_30 = arith.constant 20 : i32
    %scan3A_31 = arith.addi %scan3A_29, %scan3A_30 : i32
    %scan3A_32 = arith.constant 1 : i32
    scf.for %scan3A_135 = %scan3A_29 to %scan3A_31 step %scan3A_32  : i32 {
      %jit3A = arith.constant 2 : i32
      %eq3A = arith.constant 0 : i32
      %eq3A_136 = arith.cmpi eq, %jit3A, %eq3A : i32
      %jit3A_137 = arith.constant 1 : i32
      %select_n3A = arith.select %eq3A_136, %jit3A_137, %jit3A : i32
      %rem3A = arith.remsi %scan3A_135, %select_n3A : i32
      %ne3A = arith.constant 0 : i32
      %ne3A_138 = arith.cmpi ne, %rem3A, %ne3A : i32
      %lt3A = arith.constant 0 : i32
      %lt3A_139 = arith.cmpi slt, %rem3A, %lt3A : i32
      %lt3A_140 = arith.constant 0 : i32
      %lt3A_141 = arith.cmpi slt, %select_n3A, %lt3A_140 : i32
      %ne3A_142 = arith.xori %lt3A_139, %lt3A_141 : i1
      %and3A = arith.andi %ne3A_142, %ne3A_138 : i1
      %add3A_143 = arith.addi %rem3A, %select_n3A : i32
      %select_n3A_144 = arith.select %and3A, %add3A_143, %rem3A : i32
      %sub3A = arith.constant 1 : i32
      %sub3A_145 = arith.subi %sub3A, %select_n3A_144 : i32
      %add3A_146 = arith.constant 1 : i32
      %add3A_147 = arith.addi %scan3A_135, %add3A_146 : i32
      %jit3A_148 = arith.constant 20 : i32
      %eq3A_149 = arith.constant 0 : i32
      %eq3A_150 = arith.cmpi eq, %jit3A_148, %eq3A_149 : i32
      %jit3A_151 = arith.constant 1 : i32
      %select_n3A_152 = arith.select %eq3A_150, %jit3A_151, %jit3A_148 : i32
      %rem3A_153 = arith.remsi %add3A_147, %select_n3A_152 : i32
      %ne3A_154 = arith.constant 0 : i32
      %ne3A_155 = arith.cmpi ne, %rem3A_153, %ne3A_154 : i32
      %lt3A_156 = arith.constant 0 : i32
      %lt3A_157 = arith.cmpi slt, %rem3A_153, %lt3A_156 : i32
      %lt3A_158 = arith.constant 0 : i32
      %lt3A_159 = arith.cmpi slt, %select_n3A_152, %lt3A_158 : i32
      %ne3A_160 = arith.xori %lt3A_157, %lt3A_159 : i1
      %and3A_161 = arith.andi %ne3A_160, %ne3A_155 : i1
      %add3A_162 = arith.addi %rem3A_153, %select_n3A_152 : i32
      %select_n3A_163 = arith.select %and3A_161, %add3A_162, %rem3A_153 : i32
      %mul3A_164 = arith.constant 8 : i32
      %mul3A_165 = arith.muli %select_n3A_163, %mul3A_164 : i32
      %gt3A = arith.constant 0 : i32
      %gt3A_166 = arith.cmpi sgt, %scan3A_135, %gt3A : i32
      %convert_element_type3A = arith.extui %gt3A_166 : i1 to i32
      %cond3A = arith.constant 0 : i32
      %cond3A_167 = arith.cmpi ne, %convert_element_type3A, %cond3A : i32
      scf.if %cond3A_167 {
        %dma_wait3A_966 = arith.constant 1 : i32
        %dma_wait3A_967 = arith.constant 0 : i32
        %dma_wait3A_968 = arith.constant 0 : i32
        %dma_wait3A_969 = tpu.memref_slice %arg11[%dma_wait3A_966, %dma_wait3A_967, %dma_wait3A_968] : memref<2x128x128xf32, #tpu.memory_space<vmem>> -> memref<1x128x128xf32, #tpu.memory_space<vmem>>
        %dma_wait3A_970 = tpu.memref_squeeze %dma_wait3A_969 : memref<1x128x128xf32, #tpu.memory_space<vmem>> -> memref<128x128xf32, #tpu.memory_space<vmem>>
        %dma_wait3A_971 = arith.constant 0 : i32
        %dma_wait3A_972 = arith.constant 0 : i32
        %dma_wait3A_973 = tpu.memref_slice %arg2[%dma_wait3A_971, %dma_wait3A_972] : memref<60032x128xf32, #tpu.memory_space<hbm>> -> memref<128x128xf32, #tpu.memory_space<hbm>>
        %dma_wait3A_974 = arith.constant 0 : i32
        %dma_wait3A_975 = arith.constant 0 : i32
        %dma_wait3A_976 = tpu.memref_slice %arg11[%dma_wait3A_966, %dma_wait3A_974, %dma_wait3A_975] : memref<2x128x128xf32, #tpu.memory_space<vmem>> -> memref<1x128x128xf32, #tpu.memory_space<vmem>>
        %dma_wait3A_977 = tpu.memref_squeeze %dma_wait3A_976 : memref<1x128x128xf32, #tpu.memory_space<vmem>> -> memref<128x128xf32, #tpu.memory_space<vmem>>
        %dma_wait3A_978 = arith.constant 0 : i32
        %dma_wait3A_979 = arith.constant 0 : i32
        %dma_wait3A_980 = tpu.memref_slice %arg2[%dma_wait3A_978, %dma_wait3A_979] : memref<60032x128xf32, #tpu.memory_space<hbm>> -> memref<128x128xf32, #tpu.memory_space<hbm>>
        tpu.wait_dma2 semaphore(%arg16 : memref<!tpu.dma_semaphore, #tpu.memory_space<semaphore_mem>>) src(%dma_wait3A_980 : memref<128x128xf32, #tpu.memory_space<hbm>>) dst(%dma_wait3A_977 : memref<128x128xf32, #tpu.memory_space<vmem>>)
      } else {
      }
      %dma_start3A_168 = arith.constant 1 : i32
      %dma_start3A_169 = arith.constant 1 : i32
      %dma_start3A_170 = arith.constant 0 : i32
      %dma_start3A_171 = arith.constant 0 : i32
      %dma_start3A_172 = tpu.memref_slice %arg11[%dma_start3A_169, %dma_start3A_170, %dma_start3A_171] : memref<2x128x128xf32, #tpu.memory_space<vmem>> -> memref<1x128x128xf32, #tpu.memory_space<vmem>>
      %dma_start3A_173 = tpu.memref_squeeze %dma_start3A_172 : memref<1x128x128xf32, #tpu.memory_space<vmem>> -> memref<128x128xf32, #tpu.memory_space<vmem>>
      %dma_start3A_174 = arith.constant 0 : i32
      %dma_start3A_175 = tpu.memref_slice %arg9[%select_n3A_144, %dma_start3A_168, %dma_start3A_174] : memref<2x8x128xi32, #tpu.memory_space<vmem>> -> memref<1x1x128xi32, #tpu.memory_space<vmem>>
      %dma_start3A_176 = tpu.memref_squeeze %dma_start3A_175 : memref<1x1x128xi32, #tpu.memory_space<vmem>> -> memref<128xi32, #tpu.memory_space<vmem>>
      %dma_start3A_177 = arith.constant 0 : i32
      %dma_start3A_178 = arith.constant 0 : i32
      %dma_start3A_179 = tpu.memref_slice %arg2[%dma_start3A_177, %dma_start3A_178] : memref<60032x128xf32, #tpu.memory_space<hbm>> -> memref<60032x128xf32, #tpu.memory_space<hbm>>
      tpu.enqueue_indirect_dma source(%dma_start3A_179 : memref<60032x128xf32, #tpu.memory_space<hbm>>) target(%dma_start3A_173 : memref<128x128xf32, #tpu.memory_space<vmem>>) offsets(%dma_start3A_176 : memref<128xi32, #tpu.memory_space<vmem>>) semaphore(%arg14 : memref<!tpu.dma_semaphore, #tpu.memory_space<semaphore_mem>>)
      %get3A = arith.constant 0 : i32
      %get3A_180 = arith.index_cast %select_n3A_144 : i32 to index
      %get3A_181 = arith.index_cast %get3A : i32 to index
      %get3A_182 = arith.constant 0 : index
      %get3A_183 = tpu.vector_load %arg10[%get3A_180, %get3A_181, %get3A_182] {strides = array<i32>} : memref<2x8x128xi32, #tpu.memory_space<vmem>>, vector<16xi32>,
      tpu.vector_store_idx %arg12[%get3A_183], %broadcast_in_dim3A_1 {add = true} : memref<10240xf32, #tpu.memory_space<vmem>>[vector<16xi32>], vector<16xf32>,
      %get3A_184 = arith.constant 0 : i32
      %get3A_185 = arith.index_cast %select_n3A_144 : i32 to index
      %get3A_186 = arith.index_cast %get3A_184 : i32 to index
      %get3A_187 = arith.constant 16 : index
      %get3A_188 = tpu.vector_load %arg10[%get3A_185, %get3A_186, %get3A_187] {strides = array<i32>} : memref<2x8x128xi32, #tpu.memory_space<vmem>>, vector<16xi32>,
      tpu.vector_store_idx %arg12[%get3A_188], %broadcast_in_dim3A_1 {add = true} : memref<10240xf32, #tpu.memory_space<vmem>>[vector<16xi32>], vector<16xf32>,
      %get3A_189 = arith.constant 0 : i32
      %get3A_190 = arith.index_cast %select_n3A_144 : i32 to index
      %get3A_191 = arith.index_cast %get3A_189 : i32 to index
      %get3A_192 = arith.constant 32 : index
      %get3A_193 = tpu.vector_load %arg10[%get3A_190, %get3A_191, %get3A_192] {strides = array<i32>} : memref<2x8x128xi32, #tpu.memory_space<vmem>>, vector<16xi32>,
      tpu.vector_store_idx %arg12[%get3A_193], %broadcast_in_dim3A_1 {add = true} : memref<10240xf32, #tpu.memory_space<vmem>>[vector<16xi32>], vector<16xf32>,
      %get3A_194 = arith.constant 0 : i32
      %get3A_195 = arith.index_cast %select_n3A_144 : i32 to index
      %get3A_196 = arith.index_cast %get3A_194 : i32 to index
      %get3A_197 = arith.constant 48 : index
      %get3A_198 = tpu.vector_load %arg10[%get3A_195, %get3A_196, %get3A_197] {strides = array<i32>} : memref<2x8x128xi32, #tpu.memory_space<vmem>>, vector<16xi32>,
      tpu.vector_store_idx %arg12[%get3A_198], %broadcast_in_dim3A_1 {add = true} : memref<10240xf32, #tpu.memory_space<vmem>>[vector<16xi32>], vector<16xf32>,
      %get3A_199 = arith.constant 0 : i32
      %get3A_200 = arith.index_cast %select_n3A_144 : i32 to index
      %get3A_201 = arith.index_cast %get3A_199 : i32 to index
      %get3A_202 = arith.constant 64 : index
      %get3A_203 = tpu.vector_load %arg10[%get3A_200, %get3A_201, %get3A_202] {strides = array<i32>} : memref<2x8x128xi32, #tpu.memory_space<vmem>>, vector<16xi32>,
      tpu.vector_store_idx %arg12[%get3A_203], %broadcast_in_dim3A_1 {add = true} : memref<10240xf32, #tpu.memory_space<vmem>>[vector<16xi32>], vector<16xf32>,
      %get3A_204 = arith.constant 0 : i32
      %get3A_205 = arith.index_cast %select_n3A_144 : i32 to index
      %get3A_206 = arith.index_cast %get3A_204 : i32 to index
      %get3A_207 = arith.constant 80 : index
      %get3A_208 = tpu.vector_load %arg10[%get3A_205, %get3A_206, %get3A_207] {strides = array<i32>} : memref<2x8x128xi32, #tpu.memory_space<vmem>>, vector<16xi32>,
      tpu.vector_store_idx %arg12[%get3A_208], %broadcast_in_dim3A_1 {add = true} : memref<10240xf32, #tpu.memory_space<vmem>>[vector<16xi32>], vector<16xf32>,
      %get3A_209 = arith.constant 0 : i32
      %get3A_210 = arith.index_cast %select_n3A_144 : i32 to index
      %get3A_211 = arith.index_cast %get3A_209 : i32 to index
      %get3A_212 = arith.constant 96 : index
      %get3A_213 = tpu.vector_load %arg10[%get3A_210, %get3A_211, %get3A_212] {strides = array<i32>} : memref<2x8x128xi32, #tpu.memory_space<vmem>>, vector<16xi32>,
      tpu.vector_store_idx %arg12[%get3A_213], %broadcast_in_dim3A_1 {add = true} : memref<10240xf32, #tpu.memory_space<vmem>>[vector<16xi32>], vector<16xf32>,
      %get3A_214 = arith.constant 0 : i32
      %get3A_215 = arith.index_cast %select_n3A_144 : i32 to index
      %get3A_216 = arith.index_cast %get3A_214 : i32 to index
      %get3A_217 = arith.constant 112 : index
      %get3A_218 = tpu.vector_load %arg10[%get3A_215, %get3A_216, %get3A_217] {strides = array<i32>} : memref<2x8x128xi32, #tpu.memory_space<vmem>>, vector<16xi32>,
      tpu.vector_store_idx %arg12[%get3A_218], %broadcast_in_dim3A_1 {add = true} : memref<10240xf32, #tpu.memory_space<vmem>>[vector<16xi32>], vector<16xf32>,
      %dma_wait3A_219 = arith.constant 0 : i32
      %dma_wait3A_220 = arith.constant 0 : i32
      %dma_wait3A_221 = arith.constant 0 : i32
      %dma_wait3A_222 = tpu.memref_slice %arg11[%dma_wait3A_219, %dma_wait3A_220, %dma_wait3A_221] : memref<2x128x128xf32, #tpu.memory_space<vmem>> -> memref<1x128x128xf32, #tpu.memory_space<vmem>>
      %dma_wait3A_223 = tpu.memref_squeeze %dma_wait3A_222 : memref<1x128x128xf32, #tpu.memory_space<vmem>> -> memref<128x128xf32, #tpu.memory_space<vmem>>
      %dma_wait3A_224 = arith.constant 0 : i32
      %dma_wait3A_225 = arith.constant 0 : i32
      %dma_wait3A_226 = tpu.memref_slice %arg2[%dma_wait3A_224, %dma_wait3A_225] : memref<60032x128xf32, #tpu.memory_space<hbm>> -> memref<128x128xf32, #tpu.memory_space<hbm>>
      %dma_wait3A_227 = arith.constant 0 : i32
      %dma_wait3A_228 = arith.constant 0 : i32
      %dma_wait3A_229 = tpu.memref_slice %arg11[%dma_wait3A_219, %dma_wait3A_227, %dma_wait3A_228] : memref<2x128x128xf32, #tpu.memory_space<vmem>> -> memref<1x128x128xf32, #tpu.memory_space<vmem>>
      %dma_wait3A_230 = tpu.memref_squeeze %dma_wait3A_229 : memref<1x128x128xf32, #tpu.memory_space<vmem>> -> memref<128x128xf32, #tpu.memory_space<vmem>>
      %dma_wait3A_231 = arith.constant 0 : i32
      %dma_wait3A_232 = arith.constant 0 : i32
      %dma_wait3A_233 = tpu.memref_slice %arg2[%dma_wait3A_231, %dma_wait3A_232] : memref<60032x128xf32, #tpu.memory_space<hbm>> -> memref<128x128xf32, #tpu.memory_space<hbm>>
      tpu.wait_dma2 semaphore(%arg13 : memref<!tpu.dma_semaphore, #tpu.memory_space<semaphore_mem>>) src(%dma_wait3A_233 : memref<128x128xf32, #tpu.memory_space<hbm>>) dst(%dma_wait3A_230 : memref<128x128xf32, #tpu.memory_space<vmem>>)
      %dma_start3A_234 = arith.constant 0 : i32
      %dma_start3A_235 = arith.constant 0 : i32
      %dma_start3A_236 = arith.constant 0 : i32
      %dma_start3A_237 = arith.constant 0 : i32
      %dma_start3A_238 = tpu.memref_slice %arg11[%dma_start3A_234, %dma_start3A_236, %dma_start3A_237] : memref<2x128x128xf32, #tpu.memory_space<vmem>> -> memref<1x128x128xf32, #tpu.memory_space<vmem>>
      %dma_start3A_239 = tpu.memref_squeeze %dma_start3A_238 : memref<1x128x128xf32, #tpu.memory_space<vmem>> -> memref<128x128xf32, #tpu.memory_space<vmem>>
      %dma_start3A_240 = arith.constant 0 : i32
      %dma_start3A_241 = tpu.memref_slice %arg10[%select_n3A_144, %dma_start3A_235, %dma_start3A_240] : memref<2x8x128xi32, #tpu.memory_space<vmem>> -> memref<1x1x128xi32, #tpu.memory_space<vmem>>
      %dma_start3A_242 = tpu.memref_squeeze %dma_start3A_241 : memref<1x1x128xi32, #tpu.memory_space<vmem>> -> memref<128xi32, #tpu.memory_space<vmem>>
      %dma_start3A_243 = arith.constant 0 : i32
      %dma_start3A_244 = arith.constant 0 : i32
      %dma_start3A_245 = tpu.memref_slice %arg8[%dma_start3A_243, %dma_start3A_244] : memref<10240x128xf32, #tpu.memory_space<vmem_shared>> -> memref<10240x128xf32, #tpu.memory_space<vmem_shared>>
      tpu.enqueue_indirect_dma source(%dma_start3A_239 : memref<128x128xf32, #tpu.memory_space<vmem>>) target(%dma_start3A_245 : memref<10240x128xf32, #tpu.memory_space<vmem_shared>>) offsets(%dma_start3A_242 : memref<128xi32, #tpu.memory_space<vmem>>) semaphore(%arg15 : memref<!tpu.dma_semaphore, #tpu.memory_space<semaphore_mem>>) {add = true}
      %dma_wait3A_246 = arith.constant 0 : i32
      %dma_wait3A_247 = arith.constant 0 : i32
      %dma_wait3A_248 = arith.constant 0 : i32
      %dma_wait3A_249 = tpu.memref_slice %arg11[%dma_wait3A_246, %dma_wait3A_247, %dma_wait3A_248] : memref<2x128x128xf32, #tpu.memory_space<vmem>> -> memref<1x128x128xf32, #tpu.memory_space<vmem>>
      %dma_wait3A_250 = tpu.memref_squeeze %dma_wait3A_249 : memref<1x128x128xf32, #tpu.memory_space<vmem>> -> memref<128x128xf32, #tpu.memory_space<vmem>>
      %dma_wait3A_251 = arith.constant 0 : i32
      %dma_wait3A_252 = arith.constant 0 : i32
      %dma_wait3A_253 = tpu.memref_slice %arg2[%dma_wait3A_251, %dma_wait3A_252] : memref<60032x128xf32, #tpu.memory_space<hbm>> -> memref<128x128xf32, #tpu.memory_space<hbm>>
      %dma_wait3A_254 = arith.constant 0 : i32
      %dma_wait3A_255 = arith.constant 0 : i32
      %dma_wait3A_256 = tpu.memref_slice %arg11[%dma_wait3A_246, %dma_wait3A_254, %dma_wait3A_255] : memref<2x128x128xf32, #tpu.memory_space<vmem>> -> memref<1x128x128xf32, #tpu.memory_space<vmem>>
      %dma_wait3A_257 = tpu.memref_squeeze %dma_wait3A_256 : memref<1x128x128xf32, #tpu.memory_space<vmem>> -> memref<128x128xf32, #tpu.memory_space<vmem>>
      %dma_wait3A_258 = arith.constant 0 : i32
      %dma_wait3A_259 = arith.constant 0 : i32
      %dma_wait3A_260 = tpu.memref_slice %arg2[%dma_wait3A_258, %dma_wait3A_259] : memref<60032x128xf32, #tpu.memory_space<hbm>> -> memref<128x128xf32, #tpu.memory_space<hbm>>
      tpu.wait_dma2 semaphore(%arg15 : memref<!tpu.dma_semaphore, #tpu.memory_space<semaphore_mem>>) src(%dma_wait3A_260 : memref<128x128xf32, #tpu.memory_space<hbm>>) dst(%dma_wait3A_257 : memref<128x128xf32, #tpu.memory_space<vmem>>)
      %dma_start3A_261 = arith.constant 2 : i32
      %dma_start3A_262 = arith.constant 0 : i32
      %dma_start3A_263 = arith.constant 0 : i32
      %dma_start3A_264 = arith.constant 0 : i32
      %dma_start3A_265 = tpu.memref_slice %arg11[%dma_start3A_262, %dma_start3A_263, %dma_start3A_264] : memref<2x128x128xf32, #tpu.memory_space<vmem>> -> memref<1x128x128xf32, #tpu.memory_space<vmem>>
      %dma_start3A_266 = tpu.memref_squeeze %dma_start3A_265 : memref<1x128x128xf32, #tpu.memory_space<vmem>> -> memref<128x128xf32, #tpu.memory_space<vmem>>
      %dma_start3A_267 = arith.constant 0 : i32
      %dma_start3A_268 = tpu.memref_slice %arg9[%select_n3A_144, %dma_start3A_261, %dma_start3A_267] : memref<2x8x128xi32, #tpu.memory_space<vmem>> -> memref<1x1x128xi32, #tpu.memory_space<vmem>>
      %dma_start3A_269 = tpu.memref_squeeze %dma_start3A_268 : memref<1x1x128xi32, #tpu.memory_space<vmem>> -> memref<128xi32, #tpu.memory_space<vmem>>
      %dma_start3A_270 = arith.constant 0 : i32
      %dma_start3A_271 = arith.constant 0 : i32
      %dma_start3A_272 = tpu.memref_slice %arg2[%dma_start3A_270, %dma_start3A_271] : memref<60032x128xf32, #tpu.memory_space<hbm>> -> memref<60032x128xf32, #tpu.memory_space<hbm>>
      tpu.enqueue_indirect_dma source(%dma_start3A_272 : memref<60032x128xf32, #tpu.memory_space<hbm>>) target(%dma_start3A_266 : memref<128x128xf32, #tpu.memory_space<vmem>>) offsets(%dma_start3A_269 : memref<128xi32, #tpu.memory_space<vmem>>) semaphore(%arg13 : memref<!tpu.dma_semaphore, #tpu.memory_space<semaphore_mem>>)
      %get3A_273 = arith.constant 1 : i32
      %get3A_274 = arith.index_cast %select_n3A_144 : i32 to index
      %get3A_275 = arith.index_cast %get3A_273 : i32 to index
      %get3A_276 = arith.constant 0 : index
      %get3A_277 = tpu.vector_load %arg10[%get3A_274, %get3A_275, %get3A_276] {strides = array<i32>} : memref<2x8x128xi32, #tpu.memory_space<vmem>>, vector<16xi32>,
      tpu.vector_store_idx %arg12[%get3A_277], %broadcast_in_dim3A_1 {add = true} : memref<10240xf32, #tpu.memory_space<vmem>>[vector<16xi32>], vector<16xf32>,
      %get3A_278 = arith.constant 1 : i32
      %get3A_279 = arith.index_cast %select_n3A_144 : i32 to index
      %get3A_280 = arith.index_cast %get3A_278 : i32 to index
      %get3A_281 = arith.constant 16 : index
      %get3A_282 = tpu.vector_load %arg10[%get3A_279, %get3A_280, %get3A_281] {strides = array<i32>} : memref<2x8x128xi32, #tpu.memory_space<vmem>>, vector<16xi32>,
      tpu.vector_store_idx %arg12[%get3A_282], %broadcast_in_dim3A_1 {add = true} : memref<10240xf32, #tpu.memory_space<vmem>>[vector<16xi32>], vector<16xf32>,
      %get3A_283 = arith.constant 1 : i32
      %get3A_284 = arith.index_cast %select_n3A_144 : i32 to index
      %get3A_285 = arith.index_cast %get3A_283 : i32 to index
      %get3A_286 = arith.constant 32 : index
      %get3A_287 = tpu.vector_load %arg10[%get3A_284, %get3A_285, %get3A_286] {strides = array<i32>} : memref<2x8x128xi32, #tpu.memory_space<vmem>>, vector<16xi32>,
      tpu.vector_store_idx %arg12[%get3A_287], %broadcast_in_dim3A_1 {add = true} : memref<10240xf32, #tpu.memory_space<vmem>>[vector<16xi32>], vector<16xf32>,
      %get3A_288 = arith.constant 1 : i32
      %get3A_289 = arith.index_cast %select_n3A_144 : i32 to index
      %get3A_290 = arith.index_cast %get3A_288 : i32 to index
      %get3A_291 = arith.constant 48 : index
      %get3A_292 = tpu.vector_load %arg10[%get3A_289, %get3A_290, %get3A_291] {strides = array<i32>} : memref<2x8x128xi32, #tpu.memory_space<vmem>>, vector<16xi32>,
      tpu.vector_store_idx %arg12[%get3A_292], %broadcast_in_dim3A_1 {add = true} : memref<10240xf32, #tpu.memory_space<vmem>>[vector<16xi32>], vector<16xf32>,
      %get3A_293 = arith.constant 1 : i32
      %get3A_294 = arith.index_cast %select_n3A_144 : i32 to index
      %get3A_295 = arith.index_cast %get3A_293 : i32 to index
      %get3A_296 = arith.constant 64 : index
      %get3A_297 = tpu.vector_load %arg10[%get3A_294, %get3A_295, %get3A_296] {strides = array<i32>} : memref<2x8x128xi32, #tpu.memory_space<vmem>>, vector<16xi32>,
      tpu.vector_store_idx %arg12[%get3A_297], %broadcast_in_dim3A_1 {add = true} : memref<10240xf32, #tpu.memory_space<vmem>>[vector<16xi32>], vector<16xf32>,
      %get3A_298 = arith.constant 1 : i32
      %get3A_299 = arith.index_cast %select_n3A_144 : i32 to index
      %get3A_300 = arith.index_cast %get3A_298 : i32 to index
      %get3A_301 = arith.constant 80 : index
      %get3A_302 = tpu.vector_load %arg10[%get3A_299, %get3A_300, %get3A_301] {strides = array<i32>} : memref<2x8x128xi32, #tpu.memory_space<vmem>>, vector<16xi32>,
      tpu.vector_store_idx %arg12[%get3A_302], %broadcast_in_dim3A_1 {add = true} : memref<10240xf32, #tpu.memory_space<vmem>>[vector<16xi32>], vector<16xf32>,
      %get3A_303 = arith.constant 1 : i32
      %get3A_304 = arith.index_cast %select_n3A_144 : i32 to index
      %get3A_305 = arith.index_cast %get3A_303 : i32 to index
      %get3A_306 = arith.constant 96 : index
      %get3A_307 = tpu.vector_load %arg10[%get3A_304, %get3A_305, %get3A_306] {strides = array<i32>} : memref<2x8x128xi32, #tpu.memory_space<vmem>>, vector<16xi32>,
      tpu.vector_store_idx %arg12[%get3A_307], %broadcast_in_dim3A_1 {add = true} : memref<10240xf32, #tpu.memory_space<vmem>>[vector<16xi32>], vector<16xf32>,
      %get3A_308 = arith.constant 1 : i32
      %get3A_309 = arith.index_cast %select_n3A_144 : i32 to index
      %get3A_310 = arith.index_cast %get3A_308 : i32 to index
      %get3A_311 = arith.constant 112 : index
      %get3A_312 = tpu.vector_load %arg10[%get3A_309, %get3A_310, %get3A_311] {strides = array<i32>} : memref<2x8x128xi32, #tpu.memory_space<vmem>>, vector<16xi32>,
      tpu.vector_store_idx %arg12[%get3A_312], %broadcast_in_dim3A_1 {add = true} : memref<10240xf32, #tpu.memory_space<vmem>>[vector<16xi32>], vector<16xf32>,
      %dma_wait3A_313 = arith.constant 1 : i32
      %dma_wait3A_314 = arith.constant 0 : i32
      %dma_wait3A_315 = arith.constant 0 : i32
      %dma_wait3A_316 = tpu.memref_slice %arg11[%dma_wait3A_313, %dma_wait3A_314, %dma_wait3A_315] : memref<2x128x128xf32, #tpu.memory_space<vmem>> -> memref<1x128x128xf32, #tpu.memory_space<vmem>>
      %dma_wait3A_317 = tpu.memref_squeeze %dma_wait3A_316 : memref<1x128x128xf32, #tpu.memory_space<vmem>> -> memref<128x128xf32, #tpu.memory_space<vmem>>
      %dma_wait3A_318 = arith.constant 0 : i32
      %dma_wait3A_319 = arith.constant 0 : i32
      %dma_wait3A_320 = tpu.memref_slice %arg2[%dma_wait3A_318, %dma_wait3A_319] : memref<60032x128xf32, #tpu.memory_space<hbm>> -> memref<128x128xf32, #tpu.memory_space<hbm>>
      %dma_wait3A_321 = arith.constant 0 : i32
      %dma_wait3A_322 = arith.constant 0 : i32
      %dma_wait3A_323 = tpu.memref_slice %arg11[%dma_wait3A_313, %dma_wait3A_321, %dma_wait3A_322] : memref<2x128x128xf32, #tpu.memory_space<vmem>> -> memref<1x128x128xf32, #tpu.memory_space<vmem>>
      %dma_wait3A_324 = tpu.memref_squeeze %dma_wait3A_323 : memref<1x128x128xf32, #tpu.memory_space<vmem>> -> memref<128x128xf32, #tpu.memory_space<vmem>>
      %dma_wait3A_325 = arith.constant 0 : i32
      %dma_wait3A_326 = arith.constant 0 : i32
      %dma_wait3A_327 = tpu.memref_slice %arg2[%dma_wait3A_325, %dma_wait3A_326] : memref<60032x128xf32, #tpu.memory_space<hbm>> -> memref<128x128xf32, #tpu.memory_space<hbm>>
      tpu.wait_dma2 semaphore(%arg14 : memref<!tpu.dma_semaphore, #tpu.memory_space<semaphore_mem>>) src(%dma_wait3A_327 : memref<128x128xf32, #tpu.memory_space<hbm>>) dst(%dma_wait3A_324 : memref<128x128xf32, #tpu.memory_space<vmem>>)
      %dma_start3A_328 = arith.constant 1 : i32
      %dma_start3A_329 = arith.constant 1 : i32
      %dma_start3A_330 = arith.constant 0 : i32
      %dma_start3A_331 = arith.constant 0 : i32
      %dma_start3A_332 = tpu.memref_slice %arg11[%dma_start3A_328, %dma_start3A_330, %dma_start3A_331] : memref<2x128x128xf32, #tpu.memory_space<vmem>> -> memref<1x128x128xf32, #tpu.memory_space<vmem>>
      %dma_start3A_333 = tpu.memref_squeeze %dma_start3A_332 : memref<1x128x128xf32, #tpu.memory_space<vmem>> -> memref<128x128xf32, #tpu.memory_space<vmem>>
      %dma_start3A_334 = arith.constant 0 : i32
      %dma_start3A_335 = tpu.memref_slice %arg10[%select_n3A_144, %dma_start3A_329, %dma_start3A_334] : memref<2x8x128xi32, #tpu.memory_space<vmem>> -> memref<1x1x128xi32, #tpu.memory_space<vmem>>
      %dma_start3A_336 = tpu.memref_squeeze %dma_start3A_335 : memref<1x1x128xi32, #tpu.memory_space<vmem>> -> memref<128xi32, #tpu.memory_space<vmem>>
      %dma_start3A_337 = arith.constant 0 : i32
      %dma_start3A_338 = arith.constant 0 : i32
      %dma_start3A_339 = tpu.memref_slice %arg8[%dma_start3A_337, %dma_start3A_338] : memref<10240x128xf32, #tpu.memory_space<vmem_shared>> -> memref<10240x128xf32, #tpu.memory_space<vmem_shared>>
      tpu.enqueue_indirect_dma source(%dma_start3A_333 : memref<128x128xf32, #tpu.memory_space<vmem>>) target(%dma_start3A_339 : memref<10240x128xf32, #tpu.memory_space<vmem_shared>>) offsets(%dma_start3A_336 : memref<128xi32, #tpu.memory_space<vmem>>) semaphore(%arg16 : memref<!tpu.dma_semaphore, #tpu.memory_space<semaphore_mem>>) {add = true}
      %dma_wait3A_340 = arith.constant 1 : i32
      %dma_wait3A_341 = arith.constant 0 : i32
      %dma_wait3A_342 = arith.constant 0 : i32
      %dma_wait3A_343 = tpu.memref_slice %arg11[%dma_wait3A_340, %dma_wait3A_341, %dma_wait3A_342] : memref<2x128x128xf32, #tpu.memory_space<vmem>> -> memref<1x128x128xf32, #tpu.memory_space<vmem>>
      %dma_wait3A_344 = tpu.memref_squeeze %dma_wait3A_343 : memref<1x128x128xf32, #tpu.memory_space<vmem>> -> memref<128x128xf32, #tpu.memory_space<vmem>>
      %dma_wait3A_345 = arith.constant 0 : i32
      %dma_wait3A_346 = arith.constant 0 : i32
      %dma_wait3A_347 = tpu.memref_slice %arg2[%dma_wait3A_345, %dma_wait3A_346] : memref<60032x128xf32, #tpu.memory_space<hbm>> -> memref<128x128xf32, #tpu.memory_space<hbm>>
      %dma_wait3A_348 = arith.constant 0 : i32
      %dma_wait3A_349 = arith.constant 0 : i32
      %dma_wait3A_350 = tpu.memref_slice %arg11[%dma_wait3A_340, %dma_wait3A_348, %dma_wait3A_349] : memref<2x128x128xf32, #tpu.memory_space<vmem>> -> memref<1x128x128xf32, #tpu.memory_space<vmem>>
      %dma_wait3A_351 = tpu.memref_squeeze %dma_wait3A_350 : memref<1x128x128xf32, #tpu.memory_space<vmem>> -> memref<128x128xf32, #tpu.memory_space<vmem>>
      %dma_wait3A_352 = arith.constant 0 : i32
      %dma_wait3A_353 = arith.constant 0 : i32
      %dma_wait3A_354 = tpu.memref_slice %arg2[%dma_wait3A_352, %dma_wait3A_353] : memref<60032x128xf32, #tpu.memory_space<hbm>> -> memref<128x128xf32, #tpu.memory_space<hbm>>
      tpu.wait_dma2 semaphore(%arg16 : memref<!tpu.dma_semaphore, #tpu.memory_space<semaphore_mem>>) src(%dma_wait3A_354 : memref<128x128xf32, #tpu.memory_space<hbm>>) dst(%dma_wait3A_351 : memref<128x128xf32, #tpu.memory_space<vmem>>)
      %dma_start3A_355 = arith.constant 0 : i32
      %dma_start3A_356 = arith.constant 0 : i32
      %dma_start3A_357 = tpu.memref_slice %arg9[%sub3A_145, %dma_start3A_355, %dma_start3A_356] : memref<2x8x128xi32, #tpu.memory_space<vmem>> -> memref<1x8x128xi32, #tpu.memory_space<vmem>>
      %dma_start3A_358 = tpu.memref_squeeze %dma_start3A_357 : memref<1x8x128xi32, #tpu.memory_space<vmem>> -> memref<8x128xi32, #tpu.memory_space<vmem>>
      %dma_start3A_359 = arith.constant 0 : i32
      %dma_start3A_360 = tpu.memref_slice %arg3[%add3A_10, %arg1, %mul3A_165, %dma_start3A_359] : memref<4x16x160x128xi32, #tpu.memory_space<hbm>> -> memref<1x1x8x128xi32, #tpu.memory_space<hbm>>
      %dma_start3A_361 = tpu.memref_squeeze %dma_start3A_360 : memref<1x1x8x128xi32, #tpu.memory_space<hbm>> -> memref<8x128xi32, #tpu.memory_space<hbm>>
      %dma_start3A_362 = arith.constant 0 : i32
      %dma_start3A_363 = arith.constant 0 : i32
      %dma_start3A_364 = tpu.memref_slice %arg9[%sub3A_145, %dma_start3A_362, %dma_start3A_363] : memref<2x8x128xi32, #tpu.memory_space<vmem>> -> memref<1x8x128xi32, #tpu.memory_space<vmem>>
      %dma_start3A_365 = tpu.memref_squeeze %dma_start3A_364 : memref<1x8x128xi32, #tpu.memory_space<vmem>> -> memref<8x128xi32, #tpu.memory_space<vmem>>
      %dma_start3A_366 = arith.constant 0 : i32
      %dma_start3A_367 = tpu.memref_slice %arg3[%add3A_10, %arg1, %mul3A_165, %dma_start3A_366] : memref<4x16x160x128xi32, #tpu.memory_space<hbm>> -> memref<1x1x8x128xi32, #tpu.memory_space<hbm>>
      %dma_start3A_368 = tpu.memref_squeeze %dma_start3A_367 : memref<1x1x8x128xi32, #tpu.memory_space<hbm>> -> memref<8x128xi32, #tpu.memory_space<hbm>>
      tpu.enqueue_dma source(%dma_start3A_368 : memref<8x128xi32, #tpu.memory_space<hbm>>) target(%dma_start3A_365 : memref<8x128xi32, #tpu.memory_space<vmem>>) target_semaphore(%arg17 : memref<!tpu.dma_semaphore, #tpu.memory_space<semaphore_mem>>)
      %dma_start3A_369 = arith.constant 0 : i32
      %dma_start3A_370 = arith.constant 0 : i32
      %dma_start3A_371 = tpu.memref_slice %arg10[%sub3A_145, %dma_start3A_369, %dma_start3A_370] : memref<2x8x128xi32, #tpu.memory_space<vmem>> -> memref<1x8x128xi32, #tpu.memory_space<vmem>>
      %dma_start3A_372 = tpu.memref_squeeze %dma_start3A_371 : memref<1x8x128xi32, #tpu.memory_space<vmem>> -> memref<8x128xi32, #tpu.memory_space<vmem>>
      %dma_start3A_373 = arith.constant 0 : i32
      %dma_start3A_374 = tpu.memref_slice %arg4[%arg1, %mul3A_165, %dma_start3A_373] : memref<16x160x128xi32, #tpu.memory_space<hbm>> -> memref<1x8x128xi32, #tpu.memory_space<hbm>>
      %dma_start3A_375 = tpu.memref_squeeze %dma_start3A_374 : memref<1x8x128xi32, #tpu.memory_space<hbm>> -> memref<8x128xi32, #tpu.memory_space<hbm>>
      %dma_start3A_376 = arith.constant 0 : i32
      %dma_start3A_377 = arith.constant 0 : i32
      %dma_start3A_378 = tpu.memref_slice %arg10[%sub3A_145, %dma_start3A_376, %dma_start3A_377] : memref<2x8x128xi32, #tpu.memory_space<vmem>> -> memref<1x8x128xi32, #tpu.memory_space<vmem>>
      %dma_start3A_379 = tpu.memref_squeeze %dma_start3A_378 : memref<1x8x128xi32, #tpu.memory_space<vmem>> -> memref<8x128xi32, #tpu.memory_space<vmem>>
      %dma_start3A_380 = arith.constant 0 : i32
      %dma_start3A_381 = tpu.memref_slice %arg4[%arg1, %mul3A_165, %dma_start3A_380] : memref<16x160x128xi32, #tpu.memory_space<hbm>> -> memref<1x8x128xi32, #tpu.memory_space<hbm>>
      %dma_start3A_382 = tpu.memref_squeeze %dma_start3A_381 : memref<1x8x128xi32, #tpu.memory_space<hbm>> -> memref<8x128xi32, #tpu.memory_space<hbm>>
      tpu.enqueue_dma source(%dma_start3A_382 : memref<8x128xi32, #tpu.memory_space<hbm>>) target(%dma_start3A_379 : memref<8x128xi32, #tpu.memory_space<vmem>>) target_semaphore(%arg17 : memref<!tpu.dma_semaphore, #tpu.memory_space<semaphore_mem>>)
      %dma_start3A_383 = arith.constant 3 : i32
      %dma_start3A_384 = arith.constant 1 : i32
      %dma_start3A_385 = arith.constant 0 : i32
      %dma_start3A_386 = arith.constant 0 : i32
      %dma_start3A_387 = tpu.memref_slice %arg11[%dma_start3A_384, %dma_start3A_385, %dma_start3A_386] : memref<2x128x128xf32, #tpu.memory_space<vmem>> -> memref<1x128x128xf32, #tpu.memory_space<vmem>>
      %dma_start3A_388 = tpu.memref_squeeze %dma_start3A_387 : memref<1x128x128xf32, #tpu.memory_space<vmem>> -> memref<128x128xf32, #tpu.memory_space<vmem>>
      %dma_start3A_389 = arith.constant 0 : i32
      %dma_start3A_390 = tpu.memref_slice %arg9[%select_n3A_144, %dma_start3A_383, %dma_start3A_389] : memref<2x8x128xi32, #tpu.memory_space<vmem>> -> memref<1x1x128xi32, #tpu.memory_space<vmem>>
      %dma_start3A_391 = tpu.memref_squeeze %dma_start3A_390 : memref<1x1x128xi32, #tpu.memory_space<vmem>> -> memref<128xi32, #tpu.memory_space<vmem>>
      %dma_start3A_392 = arith.constant 0 : i32
      %dma_start3A_393 = arith.constant 0 : i32
      %dma_start3A_394 = tpu.memref_slice %arg2[%dma_start3A_392, %dma_start3A_393] : memref<60032x128xf32, #tpu.memory_space<hbm>> -> memref<60032x128xf32, #tpu.memory_space<hbm>>
      tpu.enqueue_indirect_dma source(%dma_start3A_394 : memref<60032x128xf32, #tpu.memory_space<hbm>>) target(%dma_start3A_388 : memref<128x128xf32, #tpu.memory_space<vmem>>) offsets(%dma_start3A_391 : memref<128xi32, #tpu.memory_space<vmem>>) semaphore(%arg14 : memref<!tpu.dma_semaphore, #tpu.memory_space<semaphore_mem>>)
      %get3A_395 = arith.constant 2 : i32
      %get3A_396 = arith.index_cast %select_n3A_144 : i32 to index
      %get3A_397 = arith.index_cast %get3A_395 : i32 to index
      %get3A_398 = arith.constant 0 : index
      %get3A_399 = tpu.vector_load %arg10[%get3A_396, %get3A_397, %get3A_398] {strides = array<i32>} : memref<2x8x128xi32, #tpu.memory_space<vmem>>, vector<16xi32>,
      tpu.vector_store_idx %arg12[%get3A_399], %broadcast_in_dim3A_1 {add = true} : memref<10240xf32, #tpu.memory_space<vmem>>[vector<16xi32>], vector<16xf32>,
      %get3A_400 = arith.constant 2 : i32
      %get3A_401 = arith.index_cast %select_n3A_144 : i32 to index
      %get3A_402 = arith.index_cast %get3A_400 : i32 to index
      %get3A_403 = arith.constant 16 : index
      %get3A_404 = tpu.vector_load %arg10[%get3A_401, %get3A_402, %get3A_403] {strides = array<i32>} : memref<2x8x128xi32, #tpu.memory_space<vmem>>, vector<16xi32>,
      tpu.vector_store_idx %arg12[%get3A_404], %broadcast_in_dim3A_1 {add = true} : memref<10240xf32, #tpu.memory_space<vmem>>[vector<16xi32>], vector<16xf32>,
      %get3A_405 = arith.constant 2 : i32
      %get3A_406 = arith.index_cast %select_n3A_144 : i32 to index
      %get3A_407 = arith.index_cast %get3A_405 : i32 to index
      %get3A_408 = arith.constant 32 : index
      %get3A_409 = tpu.vector_load %arg10[%get3A_406, %get3A_407, %get3A_408] {strides = array<i32>} : memref<2x8x128xi32, #tpu.memory_space<vmem>>, vector<16xi32>,
      tpu.vector_store_idx %arg12[%get3A_409], %broadcast_in_dim3A_1 {add = true} : memref<10240xf32, #tpu.memory_space<vmem>>[vector<16xi32>], vector<16xf32>,
      %get3A_410 = arith.constant 2 : i32
      %get3A_411 = arith.index_cast %select_n3A_144 : i32 to index
      %get3A_412 = arith.index_cast %get3A_410 : i32 to index
      %get3A_413 = arith.constant 48 : index
      %get3A_414 = tpu.vector_load %arg10[%get3A_411, %get3A_412, %get3A_413] {strides = array<i32>} : memref<2x8x128xi32, #tpu.memory_space<vmem>>, vector<16xi32>,
      tpu.vector_store_idx %arg12[%get3A_414], %broadcast_in_dim3A_1 {add = true} : memref<10240xf32, #tpu.memory_space<vmem>>[vector<16xi32>], vector<16xf32>,
      %get3A_415 = arith.constant 2 : i32
      %get3A_416 = arith.index_cast %select_n3A_144 : i32 to index
      %get3A_417 = arith.index_cast %get3A_415 : i32 to index
      %get3A_418 = arith.constant 64 : index
      %get3A_419 = tpu.vector_load %arg10[%get3A_416, %get3A_417, %get3A_418] {strides = array<i32>} : memref<2x8x128xi32, #tpu.memory_space<vmem>>, vector<16xi32>,
      tpu.vector_store_idx %arg12[%get3A_419], %broadcast_in_dim3A_1 {add = true} : memref<10240xf32, #tpu.memory_space<vmem>>[vector<16xi32>], vector<16xf32>,
      %get3A_420 = arith.constant 2 : i32
      %get3A_421 = arith.index_cast %select_n3A_144 : i32 to index
      %get3A_422 = arith.index_cast %get3A_420 : i32 to index
      %get3A_423 = arith.constant 80 : index
      %get3A_424 = tpu.vector_load %arg10[%get3A_421, %get3A_422, %get3A_423] {strides = array<i32>} : memref<2x8x128xi32, #tpu.memory_space<vmem>>, vector<16xi32>,
      tpu.vector_store_idx %arg12[%get3A_424], %broadcast_in_dim3A_1 {add = true} : memref<10240xf32, #tpu.memory_space<vmem>>[vector<16xi32>], vector<16xf32>,
      %get3A_425 = arith.constant 2 : i32
      %get3A_426 = arith.index_cast %select_n3A_144 : i32 to index
      %get3A_427 = arith.index_cast %get3A_425 : i32 to index
      %get3A_428 = arith.constant 96 : index
      %get3A_429 = tpu.vector_load %arg10[%get3A_426, %get3A_427, %get3A_428] {strides = array<i32>} : memref<2x8x128xi32, #tpu.memory_space<vmem>>, vector<16xi32>,
      tpu.vector_store_idx %arg12[%get3A_429], %broadcast_in_dim3A_1 {add = true} : memref<10240xf32, #tpu.memory_space<vmem>>[vector<16xi32>], vector<16xf32>,
      %get3A_430 = arith.constant 2 : i32
      %get3A_431 = arith.index_cast %select_n3A_144 : i32 to index
      %get3A_432 = arith.index_cast %get3A_430 : i32 to index
      %get3A_433 = arith.constant 112 : index
      %get3A_434 = tpu.vector_load %arg10[%get3A_431, %get3A_432, %get3A_433] {strides = array<i32>} : memref<2x8x128xi32, #tpu.memory_space<vmem>>, vector<16xi32>,
      tpu.vector_store_idx %arg12[%get3A_434], %broadcast_in_dim3A_1 {add = true} : memref<10240xf32, #tpu.memory_space<vmem>>[vector<16xi32>], vector<16xf32>,
      %dma_wait3A_435 = arith.constant 0 : i32
      %dma_wait3A_436 = arith.constant 0 : i32
      %dma_wait3A_437 = arith.constant 0 : i32
      %dma_wait3A_438 = tpu.memref_slice %arg11[%dma_wait3A_435, %dma_wait3A_436, %dma_wait3A_437] : memref<2x128x128xf32, #tpu.memory_space<vmem>> -> memref<1x128x128xf32, #tpu.memory_space<vmem>>
      %dma_wait3A_439 = tpu.memref_squeeze %dma_wait3A_438 : memref<1x128x128xf32, #tpu.memory_space<vmem>> -> memref<128x128xf32, #tpu.memory_space<vmem>>
      %dma_wait3A_440 = arith.constant 0 : i32
      %dma_wait3A_441 = arith.constant 0 : i32
      %dma_wait3A_442 = tpu.memref_slice %arg2[%dma_wait3A_440, %dma_wait3A_441] : memref<60032x128xf32, #tpu.memory_space<hbm>> -> memref<128x128xf32, #tpu.memory_space<hbm>>
      %dma_wait3A_443 = arith.constant 0 : i32
      %dma_wait3A_444 = arith.constant 0 : i32
      %dma_wait3A_445 = tpu.memref_slice %arg11[%dma_wait3A_435, %dma_wait3A_443, %dma_wait3A_444] : memref<2x128x128xf32, #tpu.memory_space<vmem>> -> memref<1x128x128xf32, #tpu.memory_space<vmem>>
      %dma_wait3A_446 = tpu.memref_squeeze %dma_wait3A_445 : memref<1x128x128xf32, #tpu.memory_space<vmem>> -> memref<128x128xf32, #tpu.memory_space<vmem>>
      %dma_wait3A_447 = arith.constant 0 : i32
      %dma_wait3A_448 = arith.constant 0 : i32
      %dma_wait3A_449 = tpu.memref_slice %arg2[%dma_wait3A_447, %dma_wait3A_448] : memref<60032x128xf32, #tpu.memory_space<hbm>> -> memref<128x128xf32, #tpu.memory_space<hbm>>
      tpu.wait_dma2 semaphore(%arg13 : memref<!tpu.dma_semaphore, #tpu.memory_space<semaphore_mem>>) src(%dma_wait3A_449 : memref<128x128xf32, #tpu.memory_space<hbm>>) dst(%dma_wait3A_446 : memref<128x128xf32, #tpu.memory_space<vmem>>)
      %dma_start3A_450 = arith.constant 0 : i32
      %dma_start3A_451 = arith.constant 2 : i32
      %dma_start3A_452 = arith.constant 0 : i32
      %dma_start3A_453 = arith.constant 0 : i32
      %dma_start3A_454 = tpu.memref_slice %arg11[%dma_start3A_450, %dma_start3A_452, %dma_start3A_453] : memref<2x128x128xf32, #tpu.memory_space<vmem>> -> memref<1x128x128xf32, #tpu.memory_space<vmem>>
      %dma_start3A_455 = tpu.memref_squeeze %dma_start3A_454 : memref<1x128x128xf32, #tpu.memory_space<vmem>> -> memref<128x128xf32, #tpu.memory_space<vmem>>
      %dma_start3A_456 = arith.constant 0 : i32
      %dma_start3A_457 = tpu.memref_slice %arg10[%select_n3A_144, %dma_start3A_451, %dma_start3A_456] : memref<2x8x128xi32, #tpu.memory_space<vmem>> -> memref<1x1x128xi32, #tpu.memory_space<vmem>>
      %dma_start3A_458 = tpu.memref_squeeze %dma_start3A_457 : memref<1x1x128xi32, #tpu.memory_space<vmem>> -> memref<128xi32, #tpu.memory_space<vmem>>
      %dma_start3A_459 = arith.constant 0 : i32
      %dma_start3A_460 = arith.constant 0 : i32
      %dma_start3A_461 = tpu.memref_slice %arg8[%dma_start3A_459, %dma_start3A_460] : memref<10240x128xf32, #tpu.memory_space<vmem_shared>> -> memref<10240x128xf32, #tpu.memory_space<vmem_shared>>
      tpu.enqueue_indirect_dma source(%dma_start3A_455 : memref<128x128xf32, #tpu.memory_space<vmem>>) target(%dma_start3A_461 : memref<10240x128xf32, #tpu.memory_space<vmem_shared>>) offsets(%dma_start3A_458 : memref<128xi32, #tpu.memory_space<vmem>>) semaphore(%arg15 : memref<!tpu.dma_semaphore, #tpu.memory_space<semaphore_mem>>) {add = true}
      %dma_wait3A_462 = arith.constant 0 : i32
      %dma_wait3A_463 = arith.constant 0 : i32
      %dma_wait3A_464 = arith.constant 0 : i32
      %dma_wait3A_465 = tpu.memref_slice %arg11[%dma_wait3A_462, %dma_wait3A_463, %dma_wait3A_464] : memref<2x128x128xf32, #tpu.memory_space<vmem>> -> memref<1x128x128xf32, #tpu.memory_space<vmem>>
      %dma_wait3A_466 = tpu.memref_squeeze %dma_wait3A_465 : memref<1x128x128xf32, #tpu.memory_space<vmem>> -> memref<128x128xf32, #tpu.memory_space<vmem>>
      %dma_wait3A_467 = arith.constant 0 : i32
      %dma_wait3A_468 = arith.constant 0 : i32
      %dma_wait3A_469 = tpu.memref_slice %arg2[%dma_wait3A_467, %dma_wait3A_468] : memref<60032x128xf32, #tpu.memory_space<hbm>> -> memref<128x128xf32, #tpu.memory_space<hbm>>
      %dma_wait3A_470 = arith.constant 0 : i32
      %dma_wait3A_471 = arith.constant 0 : i32
      %dma_wait3A_472 = tpu.memref_slice %arg11[%dma_wait3A_462, %dma_wait3A_470, %dma_wait3A_471] : memref<2x128x128xf32, #tpu.memory_space<vmem>> -> memref<1x128x128xf32, #tpu.memory_space<vmem>>
      %dma_wait3A_473 = tpu.memref_squeeze %dma_wait3A_472 : memref<1x128x128xf32, #tpu.memory_space<vmem>> -> memref<128x128xf32, #tpu.memory_space<vmem>>
      %dma_wait3A_474 = arith.constant 0 : i32
      %dma_wait3A_475 = arith.constant 0 : i32
      %dma_wait3A_476 = tpu.memref_slice %arg2[%dma_wait3A_474, %dma_wait3A_475] : memref<60032x128xf32, #tpu.memory_space<hbm>> -> memref<128x128xf32, #tpu.memory_space<hbm>>
      tpu.wait_dma2 semaphore(%arg15 : memref<!tpu.dma_semaphore, #tpu.memory_space<semaphore_mem>>) src(%dma_wait3A_476 : memref<128x128xf32, #tpu.memory_space<hbm>>) dst(%dma_wait3A_473 : memref<128x128xf32, #tpu.memory_space<vmem>>)
      %dma_start3A_477 = arith.constant 4 : i32
      %dma_start3A_478 = arith.constant 0 : i32
      %dma_start3A_479 = arith.constant 0 : i32
      %dma_start3A_480 = arith.constant 0 : i32
      %dma_start3A_481 = tpu.memref_slice %arg11[%dma_start3A_478, %dma_start3A_479, %dma_start3A_480] : memref<2x128x128xf32, #tpu.memory_space<vmem>> -> memref<1x128x128xf32, #tpu.memory_space<vmem>>
      %dma_start3A_482 = tpu.memref_squeeze %dma_start3A_481 : memref<1x128x128xf32, #tpu.memory_space<vmem>> -> memref<128x128xf32, #tpu.memory_space<vmem>>
      %dma_start3A_483 = arith.constant 0 : i32
      %dma_start3A_484 = tpu.memref_slice %arg9[%select_n3A_144, %dma_start3A_477, %dma_start3A_483] : memref<2x8x128xi32, #tpu.memory_space<vmem>> -> memref<1x1x128xi32, #tpu.memory_space<vmem>>
      %dma_start3A_485 = tpu.memref_squeeze %dma_start3A_484 : memref<1x1x128xi32, #tpu.memory_space<vmem>> -> memref<128xi32, #tpu.memory_space<vmem>>
      %dma_start3A_486 = arith.constant 0 : i32
      %dma_start3A_487 = arith.constant 0 : i32
      %dma_start3A_488 = tpu.memref_slice %arg2[%dma_start3A_486, %dma_start3A_487] : memref<60032x128xf32, #tpu.memory_space<hbm>> -> memref<60032x128xf32, #tpu.memory_space<hbm>>
      tpu.enqueue_indirect_dma source(%dma_start3A_488 : memref<60032x128xf32, #tpu.memory_space<hbm>>) target(%dma_start3A_482 : memref<128x128xf32, #tpu.memory_space<vmem>>) offsets(%dma_start3A_485 : memref<128xi32, #tpu.memory_space<vmem>>) semaphore(%arg13 : memref<!tpu.dma_semaphore, #tpu.memory_space<semaphore_mem>>)
      %get3A_489 = arith.constant 3 : i32
      %get3A_490 = arith.index_cast %select_n3A_144 : i32 to index
      %get3A_491 = arith.index_cast %get3A_489 : i32 to index
      %get3A_492 = arith.constant 0 : index
      %get3A_493 = tpu.vector_load %arg10[%get3A_490, %get3A_491, %get3A_492] {strides = array<i32>} : memref<2x8x128xi32, #tpu.memory_space<vmem>>, vector<16xi32>,
      tpu.vector_store_idx %arg12[%get3A_493], %broadcast_in_dim3A_1 {add = true} : memref<10240xf32, #tpu.memory_space<vmem>>[vector<16xi32>], vector<16xf32>,
      %get3A_494 = arith.constant 3 : i32
      %get3A_495 = arith.index_cast %select_n3A_144 : i32 to index
      %get3A_496 = arith.index_cast %get3A_494 : i32 to index
      %get3A_497 = arith.constant 16 : index
      %get3A_498 = tpu.vector_load %arg10[%get3A_495, %get3A_496, %get3A_497] {strides = array<i32>} : memref<2x8x128xi32, #tpu.memory_space<vmem>>, vector<16xi32>,
      tpu.vector_store_idx %arg12[%get3A_498], %broadcast_in_dim3A_1 {add = true} : memref<10240xf32, #tpu.memory_space<vmem>>[vector<16xi32>], vector<16xf32>,
      %get3A_499 = arith.constant 3 : i32
      %get3A_500 = arith.index_cast %select_n3A_144 : i32 to index
      %get3A_501 = arith.index_cast %get3A_499 : i32 to index
      %get3A_502 = arith.constant 32 : index
      %get3A_503 = tpu.vector_load %arg10[%get3A_500, %get3A_501, %get3A_502] {strides = array<i32>} : memref<2x8x128xi32, #tpu.memory_space<vmem>>, vector<16xi32>,
      tpu.vector_store_idx %arg12[%get3A_503], %broadcast_in_dim3A_1 {add = true} : memref<10240xf32, #tpu.memory_space<vmem>>[vector<16xi32>], vector<16xf32>,
      %get3A_504 = arith.constant 3 : i32
      %get3A_505 = arith.index_cast %select_n3A_144 : i32 to index
      %get3A_506 = arith.index_cast %get3A_504 : i32 to index
      %get3A_507 = arith.constant 48 : index
      %get3A_508 = tpu.vector_load %arg10[%get3A_505, %get3A_506, %get3A_507] {strides = array<i32>} : memref<2x8x128xi32, #tpu.memory_space<vmem>>, vector<16xi32>,
      tpu.vector_store_idx %arg12[%get3A_508], %broadcast_in_dim3A_1 {add = true} : memref<10240xf32, #tpu.memory_space<vmem>>[vector<16xi32>], vector<16xf32>,
      %get3A_509 = arith.constant 3 : i32
      %get3A_510 = arith.index_cast %select_n3A_144 : i32 to index
      %get3A_511 = arith.index_cast %get3A_509 : i32 to index
      %get3A_512 = arith.constant 64 : index
      %get3A_513 = tpu.vector_load %arg10[%get3A_510, %get3A_511, %get3A_512] {strides = array<i32>} : memref<2x8x128xi32, #tpu.memory_space<vmem>>, vector<16xi32>,
      tpu.vector_store_idx %arg12[%get3A_513], %broadcast_in_dim3A_1 {add = true} : memref<10240xf32, #tpu.memory_space<vmem>>[vector<16xi32>], vector<16xf32>,
      %get3A_514 = arith.constant 3 : i32
      %get3A_515 = arith.index_cast %select_n3A_144 : i32 to index
      %get3A_516 = arith.index_cast %get3A_514 : i32 to index
      %get3A_517 = arith.constant 80 : index
      %get3A_518 = tpu.vector_load %arg10[%get3A_515, %get3A_516, %get3A_517] {strides = array<i32>} : memref<2x8x128xi32, #tpu.memory_space<vmem>>, vector<16xi32>,
      tpu.vector_store_idx %arg12[%get3A_518], %broadcast_in_dim3A_1 {add = true} : memref<10240xf32, #tpu.memory_space<vmem>>[vector<16xi32>], vector<16xf32>,
      %get3A_519 = arith.constant 3 : i32
      %get3A_520 = arith.index_cast %select_n3A_144 : i32 to index
      %get3A_521 = arith.index_cast %get3A_519 : i32 to index
      %get3A_522 = arith.constant 96 : index
      %get3A_523 = tpu.vector_load %arg10[%get3A_520, %get3A_521, %get3A_522] {strides = array<i32>} : memref<2x8x128xi32, #tpu.memory_space<vmem>>, vector<16xi32>,
      tpu.vector_store_idx %arg12[%get3A_523], %broadcast_in_dim3A_1 {add = true} : memref<10240xf32, #tpu.memory_space<vmem>>[vector<16xi32>], vector<16xf32>,
      %get3A_524 = arith.constant 3 : i32
      %get3A_525 = arith.index_cast %select_n3A_144 : i32 to index
      %get3A_526 = arith.index_cast %get3A_524 : i32 to index
      %get3A_527 = arith.constant 112 : index
      %get3A_528 = tpu.vector_load %arg10[%get3A_525, %get3A_526, %get3A_527] {strides = array<i32>} : memref<2x8x128xi32, #tpu.memory_space<vmem>>, vector<16xi32>,
      tpu.vector_store_idx %arg12[%get3A_528], %broadcast_in_dim3A_1 {add = true} : memref<10240xf32, #tpu.memory_space<vmem>>[vector<16xi32>], vector<16xf32>,
      %dma_wait3A_529 = arith.constant 1 : i32
      %dma_wait3A_530 = arith.constant 0 : i32
      %dma_wait3A_531 = arith.constant 0 : i32
      %dma_wait3A_532 = tpu.memref_slice %arg11[%dma_wait3A_529, %dma_wait3A_530, %dma_wait3A_531] : memref<2x128x128xf32, #tpu.memory_space<vmem>> -> memref<1x128x128xf32, #tpu.memory_space<vmem>>
      %dma_wait3A_533 = tpu.memref_squeeze %dma_wait3A_532 : memref<1x128x128xf32, #tpu.memory_space<vmem>> -> memref<128x128xf32, #tpu.memory_space<vmem>>
      %dma_wait3A_534 = arith.constant 0 : i32
      %dma_wait3A_535 = arith.constant 0 : i32
      %dma_wait3A_536 = tpu.memref_slice %arg2[%dma_wait3A_534, %dma_wait3A_535] : memref<60032x128xf32, #tpu.memory_space<hbm>> -> memref<128x128xf32, #tpu.memory_space<hbm>>
      %dma_wait3A_537 = arith.constant 0 : i32
      %dma_wait3A_538 = arith.constant 0 : i32
      %dma_wait3A_539 = tpu.memref_slice %arg11[%dma_wait3A_529, %dma_wait3A_537, %dma_wait3A_538] : memref<2x128x128xf32, #tpu.memory_space<vmem>> -> memref<1x128x128xf32, #tpu.memory_space<vmem>>
      %dma_wait3A_540 = tpu.memref_squeeze %dma_wait3A_539 : memref<1x128x128xf32, #tpu.memory_space<vmem>> -> memref<128x128xf32, #tpu.memory_space<vmem>>
      %dma_wait3A_541 = arith.constant 0 : i32
      %dma_wait3A_542 = arith.constant 0 : i32
      %dma_wait3A_543 = tpu.memref_slice %arg2[%dma_wait3A_541, %dma_wait3A_542] : memref<60032x128xf32, #tpu.memory_space<hbm>> -> memref<128x128xf32, #tpu.memory_space<hbm>>
      tpu.wait_dma2 semaphore(%arg14 : memref<!tpu.dma_semaphore, #tpu.memory_space<semaphore_mem>>) src(%dma_wait3A_543 : memref<128x128xf32, #tpu.memory_space<hbm>>) dst(%dma_wait3A_540 : memref<128x128xf32, #tpu.memory_space<vmem>>)
      %dma_start3A_544 = arith.constant 1 : i32
      %dma_start3A_545 = arith.constant 3 : i32
      %dma_start3A_546 = arith.constant 0 : i32
      %dma_start3A_547 = arith.constant 0 : i32
      %dma_start3A_548 = tpu.memref_slice %arg11[%dma_start3A_544, %dma_start3A_546, %dma_start3A_547] : memref<2x128x128xf32, #tpu.memory_space<vmem>> -> memref<1x128x128xf32, #tpu.memory_space<vmem>>
      %dma_start3A_549 = tpu.memref_squeeze %dma_start3A_548 : memref<1x128x128xf32, #tpu.memory_space<vmem>> -> memref<128x128xf32, #tpu.memory_space<vmem>>
      %dma_start3A_550 = arith.constant 0 : i32
      %dma_start3A_551 = tpu.memref_slice %arg10[%select_n3A_144, %dma_start3A_545, %dma_start3A_550] : memref<2x8x128xi32, #tpu.memory_space<vmem>> -> memref<1x1x128xi32, #tpu.memory_space<vmem>>
      %dma_start3A_552 = tpu.memref_squeeze %dma_start3A_551 : memref<1x1x128xi32, #tpu.memory_space<vmem>> -> memref<128xi32, #tpu.memory_space<vmem>>
      %dma_start3A_553 = arith.constant 0 : i32
      %dma_start3A_554 = arith.constant 0 : i32
      %dma_start3A_555 = tpu.memref_slice %arg8[%dma_start3A_553, %dma_start3A_554] : memref<10240x128xf32, #tpu.memory_space<vmem_shared>> -> memref<10240x128xf32, #tpu.memory_space<vmem_shared>>
      tpu.enqueue_indirect_dma source(%dma_start3A_549 : memref<128x128xf32, #tpu.memory_space<vmem>>) target(%dma_start3A_555 : memref<10240x128xf32, #tpu.memory_space<vmem_shared>>) offsets(%dma_start3A_552 : memref<128xi32, #tpu.memory_space<vmem>>) semaphore(%arg16 : memref<!tpu.dma_semaphore, #tpu.memory_space<semaphore_mem>>) {add = true}
      %dma_wait3A_556 = arith.constant 1 : i32
      %dma_wait3A_557 = arith.constant 0 : i32
      %dma_wait3A_558 = arith.constant 0 : i32
      %dma_wait3A_559 = tpu.memref_slice %arg11[%dma_wait3A_556, %dma_wait3A_557, %dma_wait3A_558] : memref<2x128x128xf32, #tpu.memory_space<vmem>> -> memref<1x128x128xf32, #tpu.memory_space<vmem>>
      %dma_wait3A_560 = tpu.memref_squeeze %dma_wait3A_559 : memref<1x128x128xf32, #tpu.memory_space<vmem>> -> memref<128x128xf32, #tpu.memory_space<vmem>>
      %dma_wait3A_561 = arith.constant 0 : i32
      %dma_wait3A_562 = arith.constant 0 : i32
      %dma_wait3A_563 = tpu.memref_slice %arg2[%dma_wait3A_561, %dma_wait3A_562] : memref<60032x128xf32, #tpu.memory_space<hbm>> -> memref<128x128xf32, #tpu.memory_space<hbm>>
      %dma_wait3A_564 = arith.constant 0 : i32
      %dma_wait3A_565 = arith.constant 0 : i32
      %dma_wait3A_566 = tpu.memref_slice %arg11[%dma_wait3A_556, %dma_wait3A_564, %dma_wait3A_565] : memref<2x128x128xf32, #tpu.memory_space<vmem>> -> memref<1x128x128xf32, #tpu.memory_space<vmem>>
      %dma_wait3A_567 = tpu.memref_squeeze %dma_wait3A_566 : memref<1x128x128xf32, #tpu.memory_space<vmem>> -> memref<128x128xf32, #tpu.memory_space<vmem>>
      %dma_wait3A_568 = arith.constant 0 : i32
      %dma_wait3A_569 = arith.constant 0 : i32
      %dma_wait3A_570 = tpu.memref_slice %arg2[%dma_wait3A_568, %dma_wait3A_569] : memref<60032x128xf32, #tpu.memory_space<hbm>> -> memref<128x128xf32, #tpu.memory_space<hbm>>
      tpu.wait_dma2 semaphore(%arg16 : memref<!tpu.dma_semaphore, #tpu.memory_space<semaphore_mem>>) src(%dma_wait3A_570 : memref<128x128xf32, #tpu.memory_space<hbm>>) dst(%dma_wait3A_567 : memref<128x128xf32, #tpu.memory_space<vmem>>)
      %dma_start3A_571 = arith.constant 5 : i32
      %dma_start3A_572 = arith.constant 1 : i32
      %dma_start3A_573 = arith.constant 0 : i32
      %dma_start3A_574 = arith.constant 0 : i32
      %dma_start3A_575 = tpu.memref_slice %arg11[%dma_start3A_572, %dma_start3A_573, %dma_start3A_574] : memref<2x128x128xf32, #tpu.memory_space<vmem>> -> memref<1x128x128xf32, #tpu.memory_space<vmem>>
      %dma_start3A_576 = tpu.memref_squeeze %dma_start3A_575 : memref<1x128x128xf32, #tpu.memory_space<vmem>> -> memref<128x128xf32, #tpu.memory_space<vmem>>
      %dma_start3A_577 = arith.constant 0 : i32
      %dma_start3A_578 = tpu.memref_slice %arg9[%select_n3A_144, %dma_start3A_571, %dma_start3A_577] : memref<2x8x128xi32, #tpu.memory_space<vmem>> -> memref<1x1x128xi32, #tpu.memory_space<vmem>>
      %dma_start3A_579 = tpu.memref_squeeze %dma_start3A_578 : memref<1x1x128xi32, #tpu.memory_space<vmem>> -> memref<128xi32, #tpu.memory_space<vmem>>
      %dma_start3A_580 = arith.constant 0 : i32
      %dma_start3A_581 = arith.constant 0 : i32
      %dma_start3A_582 = tpu.memref_slice %arg2[%dma_start3A_580, %dma_start3A_581] : memref<60032x128xf32, #tpu.memory_space<hbm>> -> memref<60032x128xf32, #tpu.memory_space<hbm>>
      tpu.enqueue_indirect_dma source(%dma_start3A_582 : memref<60032x128xf32, #tpu.memory_space<hbm>>) target(%dma_start3A_576 : memref<128x128xf32, #tpu.memory_space<vmem>>) offsets(%dma_start3A_579 : memref<128xi32, #tpu.memory_space<vmem>>) semaphore(%arg14 : memref<!tpu.dma_semaphore, #tpu.memory_space<semaphore_mem>>)
      %get3A_583 = arith.constant 4 : i32
      %get3A_584 = arith.index_cast %select_n3A_144 : i32 to index
      %get3A_585 = arith.index_cast %get3A_583 : i32 to index
      %get3A_586 = arith.constant 0 : index
      %get3A_587 = tpu.vector_load %arg10[%get3A_584, %get3A_585, %get3A_586] {strides = array<i32>} : memref<2x8x128xi32, #tpu.memory_space<vmem>>, vector<16xi32>,
      tpu.vector_store_idx %arg12[%get3A_587], %broadcast_in_dim3A_1 {add = true} : memref<10240xf32, #tpu.memory_space<vmem>>[vector<16xi32>], vector<16xf32>,
      %get3A_588 = arith.constant 4 : i32
      %get3A_589 = arith.index_cast %select_n3A_144 : i32 to index
      %get3A_590 = arith.index_cast %get3A_588 : i32 to index
      %get3A_591 = arith.constant 16 : index
      %get3A_592 = tpu.vector_load %arg10[%get3A_589, %get3A_590, %get3A_591] {strides = array<i32>} : memref<2x8x128xi32, #tpu.memory_space<vmem>>, vector<16xi32>,
      tpu.vector_store_idx %arg12[%get3A_592], %broadcast_in_dim3A_1 {add = true} : memref<10240xf32, #tpu.memory_space<vmem>>[vector<16xi32>], vector<16xf32>,
      %get3A_593 = arith.constant 4 : i32
      %get3A_594 = arith.index_cast %select_n3A_144 : i32 to index
      %get3A_595 = arith.index_cast %get3A_593 : i32 to index
      %get3A_596 = arith.constant 32 : index
      %get3A_597 = tpu.vector_load %arg10[%get3A_594, %get3A_595, %get3A_596] {strides = array<i32>} : memref<2x8x128xi32, #tpu.memory_space<vmem>>, vector<16xi32>,
      tpu.vector_store_idx %arg12[%get3A_597], %broadcast_in_dim3A_1 {add = true} : memref<10240xf32, #tpu.memory_space<vmem>>[vector<16xi32>], vector<16xf32>,
      %get3A_598 = arith.constant 4 : i32
      %get3A_599 = arith.index_cast %select_n3A_144 : i32 to index
      %get3A_600 = arith.index_cast %get3A_598 : i32 to index
      %get3A_601 = arith.constant 48 : index
      %get3A_602 = tpu.vector_load %arg10[%get3A_599, %get3A_600, %get3A_601] {strides = array<i32>} : memref<2x8x128xi32, #tpu.memory_space<vmem>>, vector<16xi32>,
      tpu.vector_store_idx %arg12[%get3A_602], %broadcast_in_dim3A_1 {add = true} : memref<10240xf32, #tpu.memory_space<vmem>>[vector<16xi32>], vector<16xf32>,
      %get3A_603 = arith.constant 4 : i32
      %get3A_604 = arith.index_cast %select_n3A_144 : i32 to index
      %get3A_605 = arith.index_cast %get3A_603 : i32 to index
      %get3A_606 = arith.constant 64 : index
      %get3A_607 = tpu.vector_load %arg10[%get3A_604, %get3A_605, %get3A_606] {strides = array<i32>} : memref<2x8x128xi32, #tpu.memory_space<vmem>>, vector<16xi32>,
      tpu.vector_store_idx %arg12[%get3A_607], %broadcast_in_dim3A_1 {add = true} : memref<10240xf32, #tpu.memory_space<vmem>>[vector<16xi32>], vector<16xf32>,
      %get3A_608 = arith.constant 4 : i32
      %get3A_609 = arith.index_cast %select_n3A_144 : i32 to index
      %get3A_610 = arith.index_cast %get3A_608 : i32 to index
      %get3A_611 = arith.constant 80 : index
      %get3A_612 = tpu.vector_load %arg10[%get3A_609, %get3A_610, %get3A_611] {strides = array<i32>} : memref<2x8x128xi32, #tpu.memory_space<vmem>>, vector<16xi32>,
      tpu.vector_store_idx %arg12[%get3A_612], %broadcast_in_dim3A_1 {add = true} : memref<10240xf32, #tpu.memory_space<vmem>>[vector<16xi32>], vector<16xf32>,
      %get3A_613 = arith.constant 4 : i32
      %get3A_614 = arith.index_cast %select_n3A_144 : i32 to index
      %get3A_615 = arith.index_cast %get3A_613 : i32 to index
      %get3A_616 = arith.constant 96 : index
      %get3A_617 = tpu.vector_load %arg10[%get3A_614, %get3A_615, %get3A_616] {strides = array<i32>} : memref<2x8x128xi32, #tpu.memory_space<vmem>>, vector<16xi32>,
      tpu.vector_store_idx %arg12[%get3A_617], %broadcast_in_dim3A_1 {add = true} : memref<10240xf32, #tpu.memory_space<vmem>>[vector<16xi32>], vector<16xf32>,
      %get3A_618 = arith.constant 4 : i32
      %get3A_619 = arith.index_cast %select_n3A_144 : i32 to index
      %get3A_620 = arith.index_cast %get3A_618 : i32 to index
      %get3A_621 = arith.constant 112 : index
      %get3A_622 = tpu.vector_load %arg10[%get3A_619, %get3A_620, %get3A_621] {strides = array<i32>} : memref<2x8x128xi32, #tpu.memory_space<vmem>>, vector<16xi32>,
      tpu.vector_store_idx %arg12[%get3A_622], %broadcast_in_dim3A_1 {add = true} : memref<10240xf32, #tpu.memory_space<vmem>>[vector<16xi32>], vector<16xf32>,
      %dma_wait3A_623 = arith.constant 0 : i32
      %dma_wait3A_624 = arith.constant 0 : i32
      %dma_wait3A_625 = arith.constant 0 : i32
      %dma_wait3A_626 = tpu.memref_slice %arg11[%dma_wait3A_623, %dma_wait3A_624, %dma_wait3A_625] : memref<2x128x128xf32, #tpu.memory_space<vmem>> -> memref<1x128x128xf32, #tpu.memory_space<vmem>>
      %dma_wait3A_627 = tpu.memref_squeeze %dma_wait3A_626 : memref<1x128x128xf32, #tpu.memory_space<vmem>> -> memref<128x128xf32, #tpu.memory_space<vmem>>
      %dma_wait3A_628 = arith.constant 0 : i32
      %dma_wait3A_629 = arith.constant 0 : i32
      %dma_wait3A_630 = tpu.memref_slice %arg2[%dma_wait3A_628, %dma_wait3A_629] : memref<60032x128xf32, #tpu.memory_space<hbm>> -> memref<128x128xf32, #tpu.memory_space<hbm>>
      %dma_wait3A_631 = arith.constant 0 : i32
      %dma_wait3A_632 = arith.constant 0 : i32
      %dma_wait3A_633 = tpu.memref_slice %arg11[%dma_wait3A_623, %dma_wait3A_631, %dma_wait3A_632] : memref<2x128x128xf32, #tpu.memory_space<vmem>> -> memref<1x128x128xf32, #tpu.memory_space<vmem>>
      %dma_wait3A_634 = tpu.memref_squeeze %dma_wait3A_633 : memref<1x128x128xf32, #tpu.memory_space<vmem>> -> memref<128x128xf32, #tpu.memory_space<vmem>>
      %dma_wait3A_635 = arith.constant 0 : i32
      %dma_wait3A_636 = arith.constant 0 : i32
      %dma_wait3A_637 = tpu.memref_slice %arg2[%dma_wait3A_635, %dma_wait3A_636] : memref<60032x128xf32, #tpu.memory_space<hbm>> -> memref<128x128xf32, #tpu.memory_space<hbm>>
      tpu.wait_dma2 semaphore(%arg13 : memref<!tpu.dma_semaphore, #tpu.memory_space<semaphore_mem>>) src(%dma_wait3A_637 : memref<128x128xf32, #tpu.memory_space<hbm>>) dst(%dma_wait3A_634 : memref<128x128xf32, #tpu.memory_space<vmem>>)
      %dma_start3A_638 = arith.constant 0 : i32
      %dma_start3A_639 = arith.constant 4 : i32
      %dma_start3A_640 = arith.constant 0 : i32
      %dma_start3A_641 = arith.constant 0 : i32
      %dma_start3A_642 = tpu.memref_slice %arg11[%dma_start3A_638, %dma_start3A_640, %dma_start3A_641] : memref<2x128x128xf32, #tpu.memory_space<vmem>> -> memref<1x128x128xf32, #tpu.memory_space<vmem>>
      %dma_start3A_643 = tpu.memref_squeeze %dma_start3A_642 : memref<1x128x128xf32, #tpu.memory_space<vmem>> -> memref<128x128xf32, #tpu.memory_space<vmem>>
      %dma_start3A_644 = arith.constant 0 : i32
      %dma_start3A_645 = tpu.memref_slice %arg10[%select_n3A_144, %dma_start3A_639, %dma_start3A_644] : memref<2x8x128xi32, #tpu.memory_space<vmem>> -> memref<1x1x128xi32, #tpu.memory_space<vmem>>
      %dma_start3A_646 = tpu.memref_squeeze %dma_start3A_645 : memref<1x1x128xi32, #tpu.memory_space<vmem>> -> memref<128xi32, #tpu.memory_space<vmem>>
      %dma_start3A_647 = arith.constant 0 : i32
      %dma_start3A_648 = arith.constant 0 : i32
      %dma_start3A_649 = tpu.memref_slice %arg8[%dma_start3A_647, %dma_start3A_648] : memref<10240x128xf32, #tpu.memory_space<vmem_shared>> -> memref<10240x128xf32, #tpu.memory_space<vmem_shared>>
      tpu.enqueue_indirect_dma source(%dma_start3A_643 : memref<128x128xf32, #tpu.memory_space<vmem>>) target(%dma_start3A_649 : memref<10240x128xf32, #tpu.memory_space<vmem_shared>>) offsets(%dma_start3A_646 : memref<128xi32, #tpu.memory_space<vmem>>) semaphore(%arg15 : memref<!tpu.dma_semaphore, #tpu.memory_space<semaphore_mem>>) {add = true}
      %dma_wait3A_650 = arith.constant 0 : i32
      %dma_wait3A_651 = arith.constant 0 : i32
      %dma_wait3A_652 = arith.constant 0 : i32
      %dma_wait3A_653 = tpu.memref_slice %arg11[%dma_wait3A_650, %dma_wait3A_651, %dma_wait3A_652] : memref<2x128x128xf32, #tpu.memory_space<vmem>> -> memref<1x128x128xf32, #tpu.memory_space<vmem>>
      %dma_wait3A_654 = tpu.memref_squeeze %dma_wait3A_653 : memref<1x128x128xf32, #tpu.memory_space<vmem>> -> memref<128x128xf32, #tpu.memory_space<vmem>>
      %dma_wait3A_655 = arith.constant 0 : i32
      %dma_wait3A_656 = arith.constant 0 : i32
      %dma_wait3A_657 = tpu.memref_slice %arg2[%dma_wait3A_655, %dma_wait3A_656] : memref<60032x128xf32, #tpu.memory_space<hbm>> -> memref<128x128xf32, #tpu.memory_space<hbm>>
      %dma_wait3A_658 = arith.constant 0 : i32
      %dma_wait3A_659 = arith.constant 0 : i32
      %dma_wait3A_660 = tpu.memref_slice %arg11[%dma_wait3A_650, %dma_wait3A_658, %dma_wait3A_659] : memref<2x128x128xf32, #tpu.memory_space<vmem>> -> memref<1x128x128xf32, #tpu.memory_space<vmem>>
      %dma_wait3A_661 = tpu.memref_squeeze %dma_wait3A_660 : memref<1x128x128xf32, #tpu.memory_space<vmem>> -> memref<128x128xf32, #tpu.memory_space<vmem>>
      %dma_wait3A_662 = arith.constant 0 : i32
      %dma_wait3A_663 = arith.constant 0 : i32
      %dma_wait3A_664 = tpu.memref_slice %arg2[%dma_wait3A_662, %dma_wait3A_663] : memref<60032x128xf32, #tpu.memory_space<hbm>> -> memref<128x128xf32, #tpu.memory_space<hbm>>
      tpu.wait_dma2 semaphore(%arg15 : memref<!tpu.dma_semaphore, #tpu.memory_space<semaphore_mem>>) src(%dma_wait3A_664 : memref<128x128xf32, #tpu.memory_space<hbm>>) dst(%dma_wait3A_661 : memref<128x128xf32, #tpu.memory_space<vmem>>)
      %dma_start3A_665 = arith.constant 6 : i32
      %dma_start3A_666 = arith.constant 0 : i32
      %dma_start3A_667 = arith.constant 0 : i32
      %dma_start3A_668 = arith.constant 0 : i32
      %dma_start3A_669 = tpu.memref_slice %arg11[%dma_start3A_666, %dma_start3A_667, %dma_start3A_668] : memref<2x128x128xf32, #tpu.memory_space<vmem>> -> memref<1x128x128xf32, #tpu.memory_space<vmem>>
      %dma_start3A_670 = tpu.memref_squeeze %dma_start3A_669 : memref<1x128x128xf32, #tpu.memory_space<vmem>> -> memref<128x128xf32, #tpu.memory_space<vmem>>
      %dma_start3A_671 = arith.constant 0 : i32
      %dma_start3A_672 = tpu.memref_slice %arg9[%select_n3A_144, %dma_start3A_665, %dma_start3A_671] : memref<2x8x128xi32, #tpu.memory_space<vmem>> -> memref<1x1x128xi32, #tpu.memory_space<vmem>>
      %dma_start3A_673 = tpu.memref_squeeze %dma_start3A_672 : memref<1x1x128xi32, #tpu.memory_space<vmem>> -> memref<128xi32, #tpu.memory_space<vmem>>
      %dma_start3A_674 = arith.constant 0 : i32
      %dma_start3A_675 = arith.constant 0 : i32
      %dma_start3A_676 = tpu.memref_slice %arg2[%dma_start3A_674, %dma_start3A_675] : memref<60032x128xf32, #tpu.memory_space<hbm>> -> memref<60032x128xf32, #tpu.memory_space<hbm>>
      tpu.enqueue_indirect_dma source(%dma_start3A_676 : memref<60032x128xf32, #tpu.memory_space<hbm>>) target(%dma_start3A_670 : memref<128x128xf32, #tpu.memory_space<vmem>>) offsets(%dma_start3A_673 : memref<128xi32, #tpu.memory_space<vmem>>) semaphore(%arg13 : memref<!tpu.dma_semaphore, #tpu.memory_space<semaphore_mem>>)
      %get3A_677 = arith.constant 5 : i32
      %get3A_678 = arith.index_cast %select_n3A_144 : i32 to index
      %get3A_679 = arith.index_cast %get3A_677 : i32 to index
      %get3A_680 = arith.constant 0 : index
      %get3A_681 = tpu.vector_load %arg10[%get3A_678, %get3A_679, %get3A_680] {strides = array<i32>} : memref<2x8x128xi32, #tpu.memory_space<vmem>>, vector<16xi32>,
      tpu.vector_store_idx %arg12[%get3A_681], %broadcast_in_dim3A_1 {add = true} : memref<10240xf32, #tpu.memory_space<vmem>>[vector<16xi32>], vector<16xf32>,
      %get3A_682 = arith.constant 5 : i32
      %get3A_683 = arith.index_cast %select_n3A_144 : i32 to index
      %get3A_684 = arith.index_cast %get3A_682 : i32 to index
      %get3A_685 = arith.constant 16 : index
      %get3A_686 = tpu.vector_load %arg10[%get3A_683, %get3A_684, %get3A_685] {strides = array<i32>} : memref<2x8x128xi32, #tpu.memory_space<vmem>>, vector<16xi32>,
      tpu.vector_store_idx %arg12[%get3A_686], %broadcast_in_dim3A_1 {add = true} : memref<10240xf32, #tpu.memory_space<vmem>>[vector<16xi32>], vector<16xf32>,
      %get3A_687 = arith.constant 5 : i32
      %get3A_688 = arith.index_cast %select_n3A_144 : i32 to index
      %get3A_689 = arith.index_cast %get3A_687 : i32 to index
      %get3A_690 = arith.constant 32 : index
      %get3A_691 = tpu.vector_load %arg10[%get3A_688, %get3A_689, %get3A_690] {strides = array<i32>} : memref<2x8x128xi32, #tpu.memory_space<vmem>>, vector<16xi32>,
      tpu.vector_store_idx %arg12[%get3A_691], %broadcast_in_dim3A_1 {add = true} : memref<10240xf32, #tpu.memory_space<vmem>>[vector<16xi32>], vector<16xf32>,
      %get3A_692 = arith.constant 5 : i32
      %get3A_693 = arith.index_cast %select_n3A_144 : i32 to index
      %get3A_694 = arith.index_cast %get3A_692 : i32 to index
      %get3A_695 = arith.constant 48 : index
      %get3A_696 = tpu.vector_load %arg10[%get3A_693, %get3A_694, %get3A_695] {strides = array<i32>} : memref<2x8x128xi32, #tpu.memory_space<vmem>>, vector<16xi32>,
      tpu.vector_store_idx %arg12[%get3A_696], %broadcast_in_dim3A_1 {add = true} : memref<10240xf32, #tpu.memory_space<vmem>>[vector<16xi32>], vector<16xf32>,
      %get3A_697 = arith.constant 5 : i32
      %get3A_698 = arith.index_cast %select_n3A_144 : i32 to index
      %get3A_699 = arith.index_cast %get3A_697 : i32 to index
      %get3A_700 = arith.constant 64 : index
      %get3A_701 = tpu.vector_load %arg10[%get3A_698, %get3A_699, %get3A_700] {strides = array<i32>} : memref<2x8x128xi32, #tpu.memory_space<vmem>>, vector<16xi32>,
      tpu.vector_store_idx %arg12[%get3A_701], %broadcast_in_dim3A_1 {add = true} : memref<10240xf32, #tpu.memory_space<vmem>>[vector<16xi32>], vector<16xf32>,
      %get3A_702 = arith.constant 5 : i32
      %get3A_703 = arith.index_cast %select_n3A_144 : i32 to index
      %get3A_704 = arith.index_cast %get3A_702 : i32 to index
      %get3A_705 = arith.constant 80 : index
      %get3A_706 = tpu.vector_load %arg10[%get3A_703, %get3A_704, %get3A_705] {strides = array<i32>} : memref<2x8x128xi32, #tpu.memory_space<vmem>>, vector<16xi32>,
      tpu.vector_store_idx %arg12[%get3A_706], %broadcast_in_dim3A_1 {add = true} : memref<10240xf32, #tpu.memory_space<vmem>>[vector<16xi32>], vector<16xf32>,
      %get3A_707 = arith.constant 5 : i32
      %get3A_708 = arith.index_cast %select_n3A_144 : i32 to index
      %get3A_709 = arith.index_cast %get3A_707 : i32 to index
      %get3A_710 = arith.constant 96 : index
      %get3A_711 = tpu.vector_load %arg10[%get3A_708, %get3A_709, %get3A_710] {strides = array<i32>} : memref<2x8x128xi32, #tpu.memory_space<vmem>>, vector<16xi32>,
      tpu.vector_store_idx %arg12[%get3A_711], %broadcast_in_dim3A_1 {add = true} : memref<10240xf32, #tpu.memory_space<vmem>>[vector<16xi32>], vector<16xf32>,
      %get3A_712 = arith.constant 5 : i32
      %get3A_713 = arith.index_cast %select_n3A_144 : i32 to index
      %get3A_714 = arith.index_cast %get3A_712 : i32 to index
      %get3A_715 = arith.constant 112 : index
      %get3A_716 = tpu.vector_load %arg10[%get3A_713, %get3A_714, %get3A_715] {strides = array<i32>} : memref<2x8x128xi32, #tpu.memory_space<vmem>>, vector<16xi32>,
      tpu.vector_store_idx %arg12[%get3A_716], %broadcast_in_dim3A_1 {add = true} : memref<10240xf32, #tpu.memory_space<vmem>>[vector<16xi32>], vector<16xf32>,
      %dma_wait3A_717 = arith.constant 1 : i32
      %dma_wait3A_718 = arith.constant 0 : i32
      %dma_wait3A_719 = arith.constant 0 : i32
      %dma_wait3A_720 = tpu.memref_slice %arg11[%dma_wait3A_717, %dma_wait3A_718, %dma_wait3A_719] : memref<2x128x128xf32, #tpu.memory_space<vmem>> -> memref<1x128x128xf32, #tpu.memory_space<vmem>>
      %dma_wait3A_721 = tpu.memref_squeeze %dma_wait3A_720 : memref<1x128x128xf32, #tpu.memory_space<vmem>> -> memref<128x128xf32, #tpu.memory_space<vmem>>
      %dma_wait3A_722 = arith.constant 0 : i32
      %dma_wait3A_723 = arith.constant 0 : i32
      %dma_wait3A_724 = tpu.memref_slice %arg2[%dma_wait3A_722, %dma_wait3A_723] : memref<60032x128xf32, #tpu.memory_space<hbm>> -> memref<128x128xf32, #tpu.memory_space<hbm>>
      %dma_wait3A_725 = arith.constant 0 : i32
      %dma_wait3A_726 = arith.constant 0 : i32
      %dma_wait3A_727 = tpu.memref_slice %arg11[%dma_wait3A_717, %dma_wait3A_725, %dma_wait3A_726] : memref<2x128x128xf32, #tpu.memory_space<vmem>> -> memref<1x128x128xf32, #tpu.memory_space<vmem>>
      %dma_wait3A_728 = tpu.memref_squeeze %dma_wait3A_727 : memref<1x128x128xf32, #tpu.memory_space<vmem>> -> memref<128x128xf32, #tpu.memory_space<vmem>>
      %dma_wait3A_729 = arith.constant 0 : i32
      %dma_wait3A_730 = arith.constant 0 : i32
      %dma_wait3A_731 = tpu.memref_slice %arg2[%dma_wait3A_729, %dma_wait3A_730] : memref<60032x128xf32, #tpu.memory_space<hbm>> -> memref<128x128xf32, #tpu.memory_space<hbm>>
      tpu.wait_dma2 semaphore(%arg14 : memref<!tpu.dma_semaphore, #tpu.memory_space<semaphore_mem>>) src(%dma_wait3A_731 : memref<128x128xf32, #tpu.memory_space<hbm>>) dst(%dma_wait3A_728 : memref<128x128xf32, #tpu.memory_space<vmem>>)
      %dma_start3A_732 = arith.constant 1 : i32
      %dma_start3A_733 = arith.constant 5 : i32
      %dma_start3A_734 = arith.constant 0 : i32
      %dma_start3A_735 = arith.constant 0 : i32
      %dma_start3A_736 = tpu.memref_slice %arg11[%dma_start3A_732, %dma_start3A_734, %dma_start3A_735] : memref<2x128x128xf32, #tpu.memory_space<vmem>> -> memref<1x128x128xf32, #tpu.memory_space<vmem>>
      %dma_start3A_737 = tpu.memref_squeeze %dma_start3A_736 : memref<1x128x128xf32, #tpu.memory_space<vmem>> -> memref<128x128xf32, #tpu.memory_space<vmem>>
      %dma_start3A_738 = arith.constant 0 : i32
      %dma_start3A_739 = tpu.memref_slice %arg10[%select_n3A_144, %dma_start3A_733, %dma_start3A_738] : memref<2x8x128xi32, #tpu.memory_space<vmem>> -> memref<1x1x128xi32, #tpu.memory_space<vmem>>
      %dma_start3A_740 = tpu.memref_squeeze %dma_start3A_739 : memref<1x1x128xi32, #tpu.memory_space<vmem>> -> memref<128xi32, #tpu.memory_space<vmem>>
      %dma_start3A_741 = arith.constant 0 : i32
      %dma_start3A_742 = arith.constant 0 : i32
      %dma_start3A_743 = tpu.memref_slice %arg8[%dma_start3A_741, %dma_start3A_742] : memref<10240x128xf32, #tpu.memory_space<vmem_shared>> -> memref<10240x128xf32, #tpu.memory_space<vmem_shared>>
      tpu.enqueue_indirect_dma source(%dma_start3A_737 : memref<128x128xf32, #tpu.memory_space<vmem>>) target(%dma_start3A_743 : memref<10240x128xf32, #tpu.memory_space<vmem_shared>>) offsets(%dma_start3A_740 : memref<128xi32, #tpu.memory_space<vmem>>) semaphore(%arg16 : memref<!tpu.dma_semaphore, #tpu.memory_space<semaphore_mem>>) {add = true}
      %dma_wait3A_744 = arith.constant 1 : i32
      %dma_wait3A_745 = arith.constant 0 : i32
      %dma_wait3A_746 = arith.constant 0 : i32
      %dma_wait3A_747 = tpu.memref_slice %arg11[%dma_wait3A_744, %dma_wait3A_745, %dma_wait3A_746] : memref<2x128x128xf32, #tpu.memory_space<vmem>> -> memref<1x128x128xf32, #tpu.memory_space<vmem>>
      %dma_wait3A_748 = tpu.memref_squeeze %dma_wait3A_747 : memref<1x128x128xf32, #tpu.memory_space<vmem>> -> memref<128x128xf32, #tpu.memory_space<vmem>>
      %dma_wait3A_749 = arith.constant 0 : i32
      %dma_wait3A_750 = arith.constant 0 : i32
      %dma_wait3A_751 = tpu.memref_slice %arg2[%dma_wait3A_749, %dma_wait3A_750] : memref<60032x128xf32, #tpu.memory_space<hbm>> -> memref<128x128xf32, #tpu.memory_space<hbm>>
      %dma_wait3A_752 = arith.constant 0 : i32
      %dma_wait3A_753 = arith.constant 0 : i32
      %dma_wait3A_754 = tpu.memref_slice %arg11[%dma_wait3A_744, %dma_wait3A_752, %dma_wait3A_753] : memref<2x128x128xf32, #tpu.memory_space<vmem>> -> memref<1x128x128xf32, #tpu.memory_space<vmem>>
      %dma_wait3A_755 = tpu.memref_squeeze %dma_wait3A_754 : memref<1x128x128xf32, #tpu.memory_space<vmem>> -> memref<128x128xf32, #tpu.memory_space<vmem>>
      %dma_wait3A_756 = arith.constant 0 : i32
      %dma_wait3A_757 = arith.constant 0 : i32
      %dma_wait3A_758 = tpu.memref_slice %arg2[%dma_wait3A_756, %dma_wait3A_757] : memref<60032x128xf32, #tpu.memory_space<hbm>> -> memref<128x128xf32, #tpu.memory_space<hbm>>
      tpu.wait_dma2 semaphore(%arg16 : memref<!tpu.dma_semaphore, #tpu.memory_space<semaphore_mem>>) src(%dma_wait3A_758 : memref<128x128xf32, #tpu.memory_space<hbm>>) dst(%dma_wait3A_755 : memref<128x128xf32, #tpu.memory_space<vmem>>)
      %dma_start3A_759 = arith.constant 7 : i32
      %dma_start3A_760 = arith.constant 1 : i32
      %dma_start3A_761 = arith.constant 0 : i32
      %dma_start3A_762 = arith.constant 0 : i32
      %dma_start3A_763 = tpu.memref_slice %arg11[%dma_start3A_760, %dma_start3A_761, %dma_start3A_762] : memref<2x128x128xf32, #tpu.memory_space<vmem>> -> memref<1x128x128xf32, #tpu.memory_space<vmem>>
      %dma_start3A_764 = tpu.memref_squeeze %dma_start3A_763 : memref<1x128x128xf32, #tpu.memory_space<vmem>> -> memref<128x128xf32, #tpu.memory_space<vmem>>
      %dma_start3A_765 = arith.constant 0 : i32
      %dma_start3A_766 = tpu.memref_slice %arg9[%select_n3A_144, %dma_start3A_759, %dma_start3A_765] : memref<2x8x128xi32, #tpu.memory_space<vmem>> -> memref<1x1x128xi32, #tpu.memory_space<vmem>>
      %dma_start3A_767 = tpu.memref_squeeze %dma_start3A_766 : memref<1x1x128xi32, #tpu.memory_space<vmem>> -> memref<128xi32, #tpu.memory_space<vmem>>
      %dma_start3A_768 = arith.constant 0 : i32
      %dma_start3A_769 = arith.constant 0 : i32
      %dma_start3A_770 = tpu.memref_slice %arg2[%dma_start3A_768, %dma_start3A_769] : memref<60032x128xf32, #tpu.memory_space<hbm>> -> memref<60032x128xf32, #tpu.memory_space<hbm>>
      tpu.enqueue_indirect_dma source(%dma_start3A_770 : memref<60032x128xf32, #tpu.memory_space<hbm>>) target(%dma_start3A_764 : memref<128x128xf32, #tpu.memory_space<vmem>>) offsets(%dma_start3A_767 : memref<128xi32, #tpu.memory_space<vmem>>) semaphore(%arg14 : memref<!tpu.dma_semaphore, #tpu.memory_space<semaphore_mem>>)
      %get3A_771 = arith.constant 6 : i32
      %get3A_772 = arith.index_cast %select_n3A_144 : i32 to index
      %get3A_773 = arith.index_cast %get3A_771 : i32 to index
      %get3A_774 = arith.constant 0 : index
      %get3A_775 = tpu.vector_load %arg10[%get3A_772, %get3A_773, %get3A_774] {strides = array<i32>} : memref<2x8x128xi32, #tpu.memory_space<vmem>>, vector<16xi32>,
      tpu.vector_store_idx %arg12[%get3A_775], %broadcast_in_dim3A_1 {add = true} : memref<10240xf32, #tpu.memory_space<vmem>>[vector<16xi32>], vector<16xf32>,
      %get3A_776 = arith.constant 6 : i32
      %get3A_777 = arith.index_cast %select_n3A_144 : i32 to index
      %get3A_778 = arith.index_cast %get3A_776 : i32 to index
      %get3A_779 = arith.constant 16 : index
      %get3A_780 = tpu.vector_load %arg10[%get3A_777, %get3A_778, %get3A_779] {strides = array<i32>} : memref<2x8x128xi32, #tpu.memory_space<vmem>>, vector<16xi32>,
      tpu.vector_store_idx %arg12[%get3A_780], %broadcast_in_dim3A_1 {add = true} : memref<10240xf32, #tpu.memory_space<vmem>>[vector<16xi32>], vector<16xf32>,
      %get3A_781 = arith.constant 6 : i32
      %get3A_782 = arith.index_cast %select_n3A_144 : i32 to index
      %get3A_783 = arith.index_cast %get3A_781 : i32 to index
      %get3A_784 = arith.constant 32 : index
      %get3A_785 = tpu.vector_load %arg10[%get3A_782, %get3A_783, %get3A_784] {strides = array<i32>} : memref<2x8x128xi32, #tpu.memory_space<vmem>>, vector<16xi32>,
      tpu.vector_store_idx %arg12[%get3A_785], %broadcast_in_dim3A_1 {add = true} : memref<10240xf32, #tpu.memory_space<vmem>>[vector<16xi32>], vector<16xf32>,
      %get3A_786 = arith.constant 6 : i32
      %get3A_787 = arith.index_cast %select_n3A_144 : i32 to index
      %get3A_788 = arith.index_cast %get3A_786 : i32 to index
      %get3A_789 = arith.constant 48 : index
      %get3A_790 = tpu.vector_load %arg10[%get3A_787, %get3A_788, %get3A_789] {strides = array<i32>} : memref<2x8x128xi32, #tpu.memory_space<vmem>>, vector<16xi32>,
      tpu.vector_store_idx %arg12[%get3A_790], %broadcast_in_dim3A_1 {add = true} : memref<10240xf32, #tpu.memory_space<vmem>>[vector<16xi32>], vector<16xf32>,
      %get3A_791 = arith.constant 6 : i32
      %get3A_792 = arith.index_cast %select_n3A_144 : i32 to index
      %get3A_793 = arith.index_cast %get3A_791 : i32 to index
      %get3A_794 = arith.constant 64 : index
      %get3A_795 = tpu.vector_load %arg10[%get3A_792, %get3A_793, %get3A_794] {strides = array<i32>} : memref<2x8x128xi32, #tpu.memory_space<vmem>>, vector<16xi32>,
      tpu.vector_store_idx %arg12[%get3A_795], %broadcast_in_dim3A_1 {add = true} : memref<10240xf32, #tpu.memory_space<vmem>>[vector<16xi32>], vector<16xf32>,
      %get3A_796 = arith.constant 6 : i32
      %get3A_797 = arith.index_cast %select_n3A_144 : i32 to index
      %get3A_798 = arith.index_cast %get3A_796 : i32 to index
      %get3A_799 = arith.constant 80 : index
      %get3A_800 = tpu.vector_load %arg10[%get3A_797, %get3A_798, %get3A_799] {strides = array<i32>} : memref<2x8x128xi32, #tpu.memory_space<vmem>>, vector<16xi32>,
      tpu.vector_store_idx %arg12[%get3A_800], %broadcast_in_dim3A_1 {add = true} : memref<10240xf32, #tpu.memory_space<vmem>>[vector<16xi32>], vector<16xf32>,
      %get3A_801 = arith.constant 6 : i32
      %get3A_802 = arith.index_cast %select_n3A_144 : i32 to index
      %get3A_803 = arith.index_cast %get3A_801 : i32 to index
      %get3A_804 = arith.constant 96 : index
      %get3A_805 = tpu.vector_load %arg10[%get3A_802, %get3A_803, %get3A_804] {strides = array<i32>} : memref<2x8x128xi32, #tpu.memory_space<vmem>>, vector<16xi32>,
      tpu.vector_store_idx %arg12[%get3A_805], %broadcast_in_dim3A_1 {add = true} : memref<10240xf32, #tpu.memory_space<vmem>>[vector<16xi32>], vector<16xf32>,
      %get3A_806 = arith.constant 6 : i32
      %get3A_807 = arith.index_cast %select_n3A_144 : i32 to index
      %get3A_808 = arith.index_cast %get3A_806 : i32 to index
      %get3A_809 = arith.constant 112 : index
      %get3A_810 = tpu.vector_load %arg10[%get3A_807, %get3A_808, %get3A_809] {strides = array<i32>} : memref<2x8x128xi32, #tpu.memory_space<vmem>>, vector<16xi32>,
      tpu.vector_store_idx %arg12[%get3A_810], %broadcast_in_dim3A_1 {add = true} : memref<10240xf32, #tpu.memory_space<vmem>>[vector<16xi32>], vector<16xf32>,
      %dma_wait3A_811 = arith.constant 0 : i32
      %dma_wait3A_812 = arith.constant 0 : i32
      %dma_wait3A_813 = arith.constant 0 : i32
      %dma_wait3A_814 = tpu.memref_slice %arg11[%dma_wait3A_811, %dma_wait3A_812, %dma_wait3A_813] : memref<2x128x128xf32, #tpu.memory_space<vmem>> -> memref<1x128x128xf32, #tpu.memory_space<vmem>>
      %dma_wait3A_815 = tpu.memref_squeeze %dma_wait3A_814 : memref<1x128x128xf32, #tpu.memory_space<vmem>> -> memref<128x128xf32, #tpu.memory_space<vmem>>
      %dma_wait3A_816 = arith.constant 0 : i32
      %dma_wait3A_817 = arith.constant 0 : i32
      %dma_wait3A_818 = tpu.memref_slice %arg2[%dma_wait3A_816, %dma_wait3A_817] : memref<60032x128xf32, #tpu.memory_space<hbm>> -> memref<128x128xf32, #tpu.memory_space<hbm>>
      %dma_wait3A_819 = arith.constant 0 : i32
      %dma_wait3A_820 = arith.constant 0 : i32
      %dma_wait3A_821 = tpu.memref_slice %arg11[%dma_wait3A_811, %dma_wait3A_819, %dma_wait3A_820] : memref<2x128x128xf32, #tpu.memory_space<vmem>> -> memref<1x128x128xf32, #tpu.memory_space<vmem>>
      %dma_wait3A_822 = tpu.memref_squeeze %dma_wait3A_821 : memref<1x128x128xf32, #tpu.memory_space<vmem>> -> memref<128x128xf32, #tpu.memory_space<vmem>>
      %dma_wait3A_823 = arith.constant 0 : i32
      %dma_wait3A_824 = arith.constant 0 : i32
      %dma_wait3A_825 = tpu.memref_slice %arg2[%dma_wait3A_823, %dma_wait3A_824] : memref<60032x128xf32, #tpu.memory_space<hbm>> -> memref<128x128xf32, #tpu.memory_space<hbm>>
      tpu.wait_dma2 semaphore(%arg13 : memref<!tpu.dma_semaphore, #tpu.memory_space<semaphore_mem>>) src(%dma_wait3A_825 : memref<128x128xf32, #tpu.memory_space<hbm>>) dst(%dma_wait3A_822 : memref<128x128xf32, #tpu.memory_space<vmem>>)
      %dma_start3A_826 = arith.constant 0 : i32
      %dma_start3A_827 = arith.constant 6 : i32
      %dma_start3A_828 = arith.constant 0 : i32
      %dma_start3A_829 = arith.constant 0 : i32
      %dma_start3A_830 = tpu.memref_slice %arg11[%dma_start3A_826, %dma_start3A_828, %dma_start3A_829] : memref<2x128x128xf32, #tpu.memory_space<vmem>> -> memref<1x128x128xf32, #tpu.memory_space<vmem>>
      %dma_start3A_831 = tpu.memref_squeeze %dma_start3A_830 : memref<1x128x128xf32, #tpu.memory_space<vmem>> -> memref<128x128xf32, #tpu.memory_space<vmem>>
      %dma_start3A_832 = arith.constant 0 : i32
      %dma_start3A_833 = tpu.memref_slice %arg10[%select_n3A_144, %dma_start3A_827, %dma_start3A_832] : memref<2x8x128xi32, #tpu.memory_space<vmem>> -> memref<1x1x128xi32, #tpu.memory_space<vmem>>
      %dma_start3A_834 = tpu.memref_squeeze %dma_start3A_833 : memref<1x1x128xi32, #tpu.memory_space<vmem>> -> memref<128xi32, #tpu.memory_space<vmem>>
      %dma_start3A_835 = arith.constant 0 : i32
      %dma_start3A_836 = arith.constant 0 : i32
      %dma_start3A_837 = tpu.memref_slice %arg8[%dma_start3A_835, %dma_start3A_836] : memref<10240x128xf32, #tpu.memory_space<vmem_shared>> -> memref<10240x128xf32, #tpu.memory_space<vmem_shared>>
      tpu.enqueue_indirect_dma source(%dma_start3A_831 : memref<128x128xf32, #tpu.memory_space<vmem>>) target(%dma_start3A_837 : memref<10240x128xf32, #tpu.memory_space<vmem_shared>>) offsets(%dma_start3A_834 : memref<128xi32, #tpu.memory_space<vmem>>) semaphore(%arg15 : memref<!tpu.dma_semaphore, #tpu.memory_space<semaphore_mem>>) {add = true}
      %dma_wait3A_838 = arith.constant 0 : i32
      %dma_wait3A_839 = arith.constant 0 : i32
      %dma_wait3A_840 = arith.constant 0 : i32
      %dma_wait3A_841 = tpu.memref_slice %arg11[%dma_wait3A_838, %dma_wait3A_839, %dma_wait3A_840] : memref<2x128x128xf32, #tpu.memory_space<vmem>> -> memref<1x128x128xf32, #tpu.memory_space<vmem>>
      %dma_wait3A_842 = tpu.memref_squeeze %dma_wait3A_841 : memref<1x128x128xf32, #tpu.memory_space<vmem>> -> memref<128x128xf32, #tpu.memory_space<vmem>>
      %dma_wait3A_843 = arith.constant 0 : i32
      %dma_wait3A_844 = arith.constant 0 : i32
      %dma_wait3A_845 = tpu.memref_slice %arg2[%dma_wait3A_843, %dma_wait3A_844] : memref<60032x128xf32, #tpu.memory_space<hbm>> -> memref<128x128xf32, #tpu.memory_space<hbm>>
      %dma_wait3A_846 = arith.constant 0 : i32
      %dma_wait3A_847 = arith.constant 0 : i32
      %dma_wait3A_848 = tpu.memref_slice %arg11[%dma_wait3A_838, %dma_wait3A_846, %dma_wait3A_847] : memref<2x128x128xf32, #tpu.memory_space<vmem>> -> memref<1x128x128xf32, #tpu.memory_space<vmem>>
      %dma_wait3A_849 = tpu.memref_squeeze %dma_wait3A_848 : memref<1x128x128xf32, #tpu.memory_space<vmem>> -> memref<128x128xf32, #tpu.memory_space<vmem>>
      %dma_wait3A_850 = arith.constant 0 : i32
      %dma_wait3A_851 = arith.constant 0 : i32
      %dma_wait3A_852 = tpu.memref_slice %arg2[%dma_wait3A_850, %dma_wait3A_851] : memref<60032x128xf32, #tpu.memory_space<hbm>> -> memref<128x128xf32, #tpu.memory_space<hbm>>
      tpu.wait_dma2 semaphore(%arg15 : memref<!tpu.dma_semaphore, #tpu.memory_space<semaphore_mem>>) src(%dma_wait3A_852 : memref<128x128xf32, #tpu.memory_space<hbm>>) dst(%dma_wait3A_849 : memref<128x128xf32, #tpu.memory_space<vmem>>)
      %dma_wait3A_853 = arith.constant 0 : i32
      %dma_wait3A_854 = arith.constant 0 : i32
      %dma_wait3A_855 = arith.constant 0 : i32
      %dma_wait3A_856 = tpu.memref_slice %arg9[%dma_wait3A_853, %dma_wait3A_854, %dma_wait3A_855] : memref<2x8x128xi32, #tpu.memory_space<vmem>> -> memref<1x8x128xi32, #tpu.memory_space<vmem>>
      %dma_wait3A_857 = tpu.memref_squeeze %dma_wait3A_856 : memref<1x8x128xi32, #tpu.memory_space<vmem>> -> memref<8x128xi32, #tpu.memory_space<vmem>>
      %dma_wait3A_858 = arith.constant 0 : i32
      %dma_wait3A_859 = arith.constant 0 : i32
      %dma_wait3A_860 = tpu.memref_slice %arg3[%add3A_10, %arg1, %dma_wait3A_858, %dma_wait3A_859] : memref<4x16x160x128xi32, #tpu.memory_space<hbm>> -> memref<1x1x8x128xi32, #tpu.memory_space<hbm>>
      %dma_wait3A_861 = tpu.memref_squeeze %dma_wait3A_860 : memref<1x1x8x128xi32, #tpu.memory_space<hbm>> -> memref<8x128xi32, #tpu.memory_space<hbm>>
      %dma_wait3A_862 = arith.constant 0 : i32
      %dma_wait3A_863 = arith.constant 0 : i32
      %dma_wait3A_864 = tpu.memref_slice %arg9[%dma_wait3A_853, %dma_wait3A_862, %dma_wait3A_863] : memref<2x8x128xi32, #tpu.memory_space<vmem>> -> memref<1x8x128xi32, #tpu.memory_space<vmem>>
      %dma_wait3A_865 = tpu.memref_squeeze %dma_wait3A_864 : memref<1x8x128xi32, #tpu.memory_space<vmem>> -> memref<8x128xi32, #tpu.memory_space<vmem>>
      %dma_wait3A_866 = arith.constant 0 : i32
      %dma_wait3A_867 = arith.constant 0 : i32
      %dma_wait3A_868 = tpu.memref_slice %arg3[%add3A_10, %arg1, %dma_wait3A_866, %dma_wait3A_867] : memref<4x16x160x128xi32, #tpu.memory_space<hbm>> -> memref<1x1x8x128xi32, #tpu.memory_space<hbm>>
      %dma_wait3A_869 = tpu.memref_squeeze %dma_wait3A_868 : memref<1x1x8x128xi32, #tpu.memory_space<hbm>> -> memref<8x128xi32, #tpu.memory_space<hbm>>
      tpu.wait_dma2 semaphore(%arg17 : memref<!tpu.dma_semaphore, #tpu.memory_space<semaphore_mem>>) src(%dma_wait3A_869 : memref<8x128xi32, #tpu.memory_space<hbm>>) dst(%dma_wait3A_865 : memref<8x128xi32, #tpu.memory_space<vmem>>)
      %dma_wait3A_870 = arith.constant 0 : i32
      %dma_wait3A_871 = arith.constant 0 : i32
      %dma_wait3A_872 = arith.constant 0 : i32
      %dma_wait3A_873 = tpu.memref_slice %arg9[%dma_wait3A_870, %dma_wait3A_871, %dma_wait3A_872] : memref<2x8x128xi32, #tpu.memory_space<vmem>> -> memref<1x8x128xi32, #tpu.memory_space<vmem>>
      %dma_wait3A_874 = tpu.memref_squeeze %dma_wait3A_873 : memref<1x8x128xi32, #tpu.memory_space<vmem>> -> memref<8x128xi32, #tpu.memory_space<vmem>>
      %dma_wait3A_875 = arith.constant 0 : i32
      %dma_wait3A_876 = arith.constant 0 : i32
      %dma_wait3A_877 = tpu.memref_slice %arg3[%add3A_10, %arg1, %dma_wait3A_875, %dma_wait3A_876] : memref<4x16x160x128xi32, #tpu.memory_space<hbm>> -> memref<1x1x8x128xi32, #tpu.memory_space<hbm>>
      %dma_wait3A_878 = tpu.memref_squeeze %dma_wait3A_877 : memref<1x1x8x128xi32, #tpu.memory_space<hbm>> -> memref<8x128xi32, #tpu.memory_space<hbm>>
      %dma_wait3A_879 = arith.constant 0 : i32
      %dma_wait3A_880 = arith.constant 0 : i32
      %dma_wait3A_881 = tpu.memref_slice %arg9[%dma_wait3A_870, %dma_wait3A_879, %dma_wait3A_880] : memref<2x8x128xi32, #tpu.memory_space<vmem>> -> memref<1x8x128xi32, #tpu.memory_space<vmem>>
      %dma_wait3A_882 = tpu.memref_squeeze %dma_wait3A_881 : memref<1x8x128xi32, #tpu.memory_space<vmem>> -> memref<8x128xi32, #tpu.memory_space<vmem>>
      %dma_wait3A_883 = arith.constant 0 : i32
      %dma_wait3A_884 = arith.constant 0 : i32
      %dma_wait3A_885 = tpu.memref_slice %arg3[%add3A_10, %arg1, %dma_wait3A_883, %dma_wait3A_884] : memref<4x16x160x128xi32, #tpu.memory_space<hbm>> -> memref<1x1x8x128xi32, #tpu.memory_space<hbm>>
      %dma_wait3A_886 = tpu.memref_squeeze %dma_wait3A_885 : memref<1x1x8x128xi32, #tpu.memory_space<hbm>> -> memref<8x128xi32, #tpu.memory_space<hbm>>
      tpu.wait_dma2 semaphore(%arg17 : memref<!tpu.dma_semaphore, #tpu.memory_space<semaphore_mem>>) src(%dma_wait3A_886 : memref<8x128xi32, #tpu.memory_space<hbm>>) dst(%dma_wait3A_882 : memref<8x128xi32, #tpu.memory_space<vmem>>)
      %dma_start3A_887 = arith.constant 0 : i32
      %dma_start3A_888 = arith.constant 0 : i32
      %dma_start3A_889 = arith.constant 0 : i32
      %dma_start3A_890 = arith.constant 0 : i32
      %dma_start3A_891 = tpu.memref_slice %arg11[%dma_start3A_888, %dma_start3A_889, %dma_start3A_890] : memref<2x128x128xf32, #tpu.memory_space<vmem>> -> memref<1x128x128xf32, #tpu.memory_space<vmem>>
      %dma_start3A_892 = tpu.memref_squeeze %dma_start3A_891 : memref<1x128x128xf32, #tpu.memory_space<vmem>> -> memref<128x128xf32, #tpu.memory_space<vmem>>
      %dma_start3A_893 = arith.constant 0 : i32
      %dma_start3A_894 = tpu.memref_slice %arg9[%sub3A_145, %dma_start3A_887, %dma_start3A_893] : memref<2x8x128xi32, #tpu.memory_space<vmem>> -> memref<1x1x128xi32, #tpu.memory_space<vmem>>
      %dma_start3A_895 = tpu.memref_squeeze %dma_start3A_894 : memref<1x1x128xi32, #tpu.memory_space<vmem>> -> memref<128xi32, #tpu.memory_space<vmem>>
      %dma_start3A_896 = arith.constant 0 : i32
      %dma_start3A_897 = arith.constant 0 : i32
      %dma_start3A_898 = tpu.memref_slice %arg2[%dma_start3A_896, %dma_start3A_897] : memref<60032x128xf32, #tpu.memory_space<hbm>> -> memref<60032x128xf32, #tpu.memory_space<hbm>>
      tpu.enqueue_indirect_dma source(%dma_start3A_898 : memref<60032x128xf32, #tpu.memory_space<hbm>>) target(%dma_start3A_892 : memref<128x128xf32, #tpu.memory_space<vmem>>) offsets(%dma_start3A_895 : memref<128xi32, #tpu.memory_space<vmem>>) semaphore(%arg13 : memref<!tpu.dma_semaphore, #tpu.memory_space<semaphore_mem>>)
      %get3A_899 = arith.constant 7 : i32
      %get3A_900 = arith.index_cast %select_n3A_144 : i32 to index
      %get3A_901 = arith.index_cast %get3A_899 : i32 to index
      %get3A_902 = arith.constant 0 : index
      %get3A_903 = tpu.vector_load %arg10[%get3A_900, %get3A_901, %get3A_902] {strides = array<i32>} : memref<2x8x128xi32, #tpu.memory_space<vmem>>, vector<16xi32>,
      tpu.vector_store_idx %arg12[%get3A_903], %broadcast_in_dim3A_1 {add = true} : memref<10240xf32, #tpu.memory_space<vmem>>[vector<16xi32>], vector<16xf32>,
      %get3A_904 = arith.constant 7 : i32
      %get3A_905 = arith.index_cast %select_n3A_144 : i32 to index
      %get3A_906 = arith.index_cast %get3A_904 : i32 to index
      %get3A_907 = arith.constant 16 : index
      %get3A_908 = tpu.vector_load %arg10[%get3A_905, %get3A_906, %get3A_907] {strides = array<i32>} : memref<2x8x128xi32, #tpu.memory_space<vmem>>, vector<16xi32>,
      tpu.vector_store_idx %arg12[%get3A_908], %broadcast_in_dim3A_1 {add = true} : memref<10240xf32, #tpu.memory_space<vmem>>[vector<16xi32>], vector<16xf32>,
      %get3A_909 = arith.constant 7 : i32
      %get3A_910 = arith.index_cast %select_n3A_144 : i32 to index
      %get3A_911 = arith.index_cast %get3A_909 : i32 to index
      %get3A_912 = arith.constant 32 : index
      %get3A_913 = tpu.vector_load %arg10[%get3A_910, %get3A_911, %get3A_912] {strides = array<i32>} : memref<2x8x128xi32, #tpu.memory_space<vmem>>, vector<16xi32>,
      tpu.vector_store_idx %arg12[%get3A_913], %broadcast_in_dim3A_1 {add = true} : memref<10240xf32, #tpu.memory_space<vmem>>[vector<16xi32>], vector<16xf32>,
      %get3A_914 = arith.constant 7 : i32
      %get3A_915 = arith.index_cast %select_n3A_144 : i32 to index
      %get3A_916 = arith.index_cast %get3A_914 : i32 to index
      %get3A_917 = arith.constant 48 : index
      %get3A_918 = tpu.vector_load %arg10[%get3A_915, %get3A_916, %get3A_917] {strides = array<i32>} : memref<2x8x128xi32, #tpu.memory_space<vmem>>, vector<16xi32>,
      tpu.vector_store_idx %arg12[%get3A_918], %broadcast_in_dim3A_1 {add = true} : memref<10240xf32, #tpu.memory_space<vmem>>[vector<16xi32>], vector<16xf32>,
      %get3A_919 = arith.constant 7 : i32
      %get3A_920 = arith.index_cast %select_n3A_144 : i32 to index
      %get3A_921 = arith.index_cast %get3A_919 : i32 to index
      %get3A_922 = arith.constant 64 : index
      %get3A_923 = tpu.vector_load %arg10[%get3A_920, %get3A_921, %get3A_922] {strides = array<i32>} : memref<2x8x128xi32, #tpu.memory_space<vmem>>, vector<16xi32>,
      tpu.vector_store_idx %arg12[%get3A_923], %broadcast_in_dim3A_1 {add = true} : memref<10240xf32, #tpu.memory_space<vmem>>[vector<16xi32>], vector<16xf32>,
      %get3A_924 = arith.constant 7 : i32
      %get3A_925 = arith.index_cast %select_n3A_144 : i32 to index
      %get3A_926 = arith.index_cast %get3A_924 : i32 to index
      %get3A_927 = arith.constant 80 : index
      %get3A_928 = tpu.vector_load %arg10[%get3A_925, %get3A_926, %get3A_927] {strides = array<i32>} : memref<2x8x128xi32, #tpu.memory_space<vmem>>, vector<16xi32>,
      tpu.vector_store_idx %arg12[%get3A_928], %broadcast_in_dim3A_1 {add = true} : memref<10240xf32, #tpu.memory_space<vmem>>[vector<16xi32>], vector<16xf32>,
      %get3A_929 = arith.constant 7 : i32
      %get3A_930 = arith.index_cast %select_n3A_144 : i32 to index
      %get3A_931 = arith.index_cast %get3A_929 : i32 to index
      %get3A_932 = arith.constant 96 : index
      %get3A_933 = tpu.vector_load %arg10[%get3A_930, %get3A_931, %get3A_932] {strides = array<i32>} : memref<2x8x128xi32, #tpu.memory_space<vmem>>, vector<16xi32>,
      tpu.vector_store_idx %arg12[%get3A_933], %broadcast_in_dim3A_1 {add = true} : memref<10240xf32, #tpu.memory_space<vmem>>[vector<16xi32>], vector<16xf32>,
      %get3A_934 = arith.constant 7 : i32
      %get3A_935 = arith.index_cast %select_n3A_144 : i32 to index
      %get3A_936 = arith.index_cast %get3A_934 : i32 to index
      %get3A_937 = arith.constant 112 : index
      %get3A_938 = tpu.vector_load %arg10[%get3A_935, %get3A_936, %get3A_937] {strides = array<i32>} : memref<2x8x128xi32, #tpu.memory_space<vmem>>, vector<16xi32>,
      tpu.vector_store_idx %arg12[%get3A_938], %broadcast_in_dim3A_1 {add = true} : memref<10240xf32, #tpu.memory_space<vmem>>[vector<16xi32>], vector<16xf32>,
      %dma_wait3A_939 = arith.constant 1 : i32
      %dma_wait3A_940 = arith.constant 0 : i32
      %dma_wait3A_941 = arith.constant 0 : i32
      %dma_wait3A_942 = tpu.memref_slice %arg11[%dma_wait3A_939, %dma_wait3A_940, %dma_wait3A_941] : memref<2x128x128xf32, #tpu.memory_space<vmem>> -> memref<1x128x128xf32, #tpu.memory_space<vmem>>
      %dma_wait3A_943 = tpu.memref_squeeze %dma_wait3A_942 : memref<1x128x128xf32, #tpu.memory_space<vmem>> -> memref<128x128xf32, #tpu.memory_space<vmem>>
      %dma_wait3A_944 = arith.constant 0 : i32
      %dma_wait3A_945 = arith.constant 0 : i32
      %dma_wait3A_946 = tpu.memref_slice %arg2[%dma_wait3A_944, %dma_wait3A_945] : memref<60032x128xf32, #tpu.memory_space<hbm>> -> memref<128x128xf32, #tpu.memory_space<hbm>>
      %dma_wait3A_947 = arith.constant 0 : i32
      %dma_wait3A_948 = arith.constant 0 : i32
      %dma_wait3A_949 = tpu.memref_slice %arg11[%dma_wait3A_939, %dma_wait3A_947, %dma_wait3A_948] : memref<2x128x128xf32, #tpu.memory_space<vmem>> -> memref<1x128x128xf32, #tpu.memory_space<vmem>>
      %dma_wait3A_950 = tpu.memref_squeeze %dma_wait3A_949 : memref<1x128x128xf32, #tpu.memory_space<vmem>> -> memref<128x128xf32, #tpu.memory_space<vmem>>
      %dma_wait3A_951 = arith.constant 0 : i32
      %dma_wait3A_952 = arith.constant 0 : i32
      %dma_wait3A_953 = tpu.memref_slice %arg2[%dma_wait3A_951, %dma_wait3A_952] : memref<60032x128xf32, #tpu.memory_space<hbm>> -> memref<128x128xf32, #tpu.memory_space<hbm>>
      tpu.wait_dma2 semaphore(%arg14 : memref<!tpu.dma_semaphore, #tpu.memory_space<semaphore_mem>>) src(%dma_wait3A_953 : memref<128x128xf32, #tpu.memory_space<hbm>>) dst(%dma_wait3A_950 : memref<128x128xf32, #tpu.memory_space<vmem>>)
      %dma_start3A_954 = arith.constant 1 : i32
      %dma_start3A_955 = arith.constant 7 : i32
      %dma_start3A_956 = arith.constant 0 : i32
      %dma_start3A_957 = arith.constant 0 : i32
      %dma_start3A_958 = tpu.memref_slice %arg11[%dma_start3A_954, %dma_start3A_956, %dma_start3A_957] : memref<2x128x128xf32, #tpu.memory_space<vmem>> -> memref<1x128x128xf32, #tpu.memory_space<vmem>>
      %dma_start3A_959 = tpu.memref_squeeze %dma_start3A_958 : memref<1x128x128xf32, #tpu.memory_space<vmem>> -> memref<128x128xf32, #tpu.memory_space<vmem>>
      %dma_start3A_960 = arith.constant 0 : i32
      %dma_start3A_961 = tpu.memref_slice %arg10[%select_n3A_144, %dma_start3A_955, %dma_start3A_960] : memref<2x8x128xi32, #tpu.memory_space<vmem>> -> memref<1x1x128xi32, #tpu.memory_space<vmem>>
      %dma_start3A_962 = tpu.memref_squeeze %dma_start3A_961 : memref<1x1x128xi32, #tpu.memory_space<vmem>> -> memref<128xi32, #tpu.memory_space<vmem>>
      %dma_start3A_963 = arith.constant 0 : i32
      %dma_start3A_964 = arith.constant 0 : i32
      %dma_start3A_965 = tpu.memref_slice %arg8[%dma_start3A_963, %dma_start3A_964] : memref<10240x128xf32, #tpu.memory_space<vmem_shared>> -> memref<10240x128xf32, #tpu.memory_space<vmem_shared>>
      tpu.enqueue_indirect_dma source(%dma_start3A_959 : memref<128x128xf32, #tpu.memory_space<vmem>>) target(%dma_start3A_965 : memref<10240x128xf32, #tpu.memory_space<vmem_shared>>) offsets(%dma_start3A_962 : memref<128xi32, #tpu.memory_space<vmem>>) semaphore(%arg16 : memref<!tpu.dma_semaphore, #tpu.memory_space<semaphore_mem>>) {add = true}
    }
    %scan3A_33 = arith.constant 20 : i32
    %dma_wait3A = arith.constant 0 : i32
    %dma_wait3A_34 = arith.constant 0 : i32
    %dma_wait3A_35 = arith.constant 0 : i32
    %dma_wait3A_36 = tpu.memref_slice %arg11[%dma_wait3A, %dma_wait3A_34, %dma_wait3A_35] : memref<2x128x128xf32, #tpu.memory_space<vmem>> -> memref<1x128x128xf32, #tpu.memory_space<vmem>>
    %dma_wait3A_37 = tpu.memref_squeeze %dma_wait3A_36 : memref<1x128x128xf32, #tpu.memory_space<vmem>> -> memref<128x128xf32, #tpu.memory_space<vmem>>
    %dma_wait3A_38 = arith.constant 0 : i32
    %dma_wait3A_39 = arith.constant 0 : i32
    %dma_wait3A_40 = tpu.memref_slice %arg2[%dma_wait3A_38, %dma_wait3A_39] : memref<60032x128xf32, #tpu.memory_space<hbm>> -> memref<128x128xf32, #tpu.memory_space<hbm>>
    %dma_wait3A_41 = arith.constant 0 : i32
    %dma_wait3A_42 = arith.constant 0 : i32
    %dma_wait3A_43 = tpu.memref_slice %arg11[%dma_wait3A, %dma_wait3A_41, %dma_wait3A_42] : memref<2x128x128xf32, #tpu.memory_space<vmem>> -> memref<1x128x128xf32, #tpu.memory_space<vmem>>
    %dma_wait3A_44 = tpu.memref_squeeze %dma_wait3A_43 : memref<1x128x128xf32, #tpu.memory_space<vmem>> -> memref<128x128xf32, #tpu.memory_space<vmem>>
    %dma_wait3A_45 = arith.constant 0 : i32
    %dma_wait3A_46 = arith.constant 0 : i32
    %dma_wait3A_47 = tpu.memref_slice %arg2[%dma_wait3A_45, %dma_wait3A_46] : memref<60032x128xf32, #tpu.memory_space<hbm>> -> memref<128x128xf32, #tpu.memory_space<hbm>>
    tpu.wait_dma2 semaphore(%arg13 : memref<!tpu.dma_semaphore, #tpu.memory_space<semaphore_mem>>) src(%dma_wait3A_47 : memref<128x128xf32, #tpu.memory_space<hbm>>) dst(%dma_wait3A_44 : memref<128x128xf32, #tpu.memory_space<vmem>>)
    %dma_wait3A_48 = arith.constant 1 : i32
    %dma_wait3A_49 = arith.constant 0 : i32
    %dma_wait3A_50 = arith.constant 0 : i32
    %dma_wait3A_51 = tpu.memref_slice %arg11[%dma_wait3A_48, %dma_wait3A_49, %dma_wait3A_50] : memref<2x128x128xf32, #tpu.memory_space<vmem>> -> memref<1x128x128xf32, #tpu.memory_space<vmem>>
    %dma_wait3A_52 = tpu.memref_squeeze %dma_wait3A_51 : memref<1x128x128xf32, #tpu.memory_space<vmem>> -> memref<128x128xf32, #tpu.memory_space<vmem>>
    %dma_wait3A_53 = arith.constant 0 : i32
    %dma_wait3A_54 = arith.constant 0 : i32
    %dma_wait3A_55 = tpu.memref_slice %arg2[%dma_wait3A_53, %dma_wait3A_54] : memref<60032x128xf32, #tpu.memory_space<hbm>> -> memref<128x128xf32, #tpu.memory_space<hbm>>
    %dma_wait3A_56 = arith.constant 0 : i32
    %dma_wait3A_57 = arith.constant 0 : i32
    %dma_wait3A_58 = tpu.memref_slice %arg11[%dma_wait3A_48, %dma_wait3A_56, %dma_wait3A_57] : memref<2x128x128xf32, #tpu.memory_space<vmem>> -> memref<1x128x128xf32, #tpu.memory_space<vmem>>
    %dma_wait3A_59 = tpu.memref_squeeze %dma_wait3A_58 : memref<1x128x128xf32, #tpu.memory_space<vmem>> -> memref<128x128xf32, #tpu.memory_space<vmem>>
    %dma_wait3A_60 = arith.constant 0 : i32
    %dma_wait3A_61 = arith.constant 0 : i32
    %dma_wait3A_62 = tpu.memref_slice %arg2[%dma_wait3A_60, %dma_wait3A_61] : memref<60032x128xf32, #tpu.memory_space<hbm>> -> memref<128x128xf32, #tpu.memory_space<hbm>>
    tpu.wait_dma2 semaphore(%arg16 : memref<!tpu.dma_semaphore, #tpu.memory_space<semaphore_mem>>) src(%dma_wait3A_62 : memref<128x128xf32, #tpu.memory_space<hbm>>) dst(%dma_wait3A_59 : memref<128x128xf32, #tpu.memory_space<vmem>>)
    %barrier3A_63 = arith.constant 0 : index
    tpu.barrier barrier_id(%barrier3A_63)
    %mul3A_64 = arith.constant 640 : i32
    %mul3A_65 = arith.muli %arg1, %mul3A_64 : i32
    %mul3A_66 = arith.constant 640 : i32
    %mul3A_67 = arith.muli %arg1, %mul3A_66 : i32
    "tpu.region"() ({
      %run_scoped3A_135 = tpu.sem_alloc : memref<!tpu.dma_semaphore, #tpu.memory_space<semaphore_mem>>
      %dma_start3A_136 = arith.constant 0 : i32
      %dma_start3A_137 = tpu.memref_slice %arg6[%add3A_10, %mul3A_67, %dma_start3A_136] : memref<4x10240x128xf32, #tpu.memory_space<hbm>> -> memref<1x640x128xf32, #tpu.memory_space<hbm>>
      %dma_start3A_138 = tpu.memref_squeeze %dma_start3A_137 : memref<1x640x128xf32, #tpu.memory_space<hbm>> -> memref<640x128xf32, #tpu.memory_space<hbm>>
      %dma_start3A_139 = arith.constant 0 : i32
      %dma_start3A_140 = tpu.memref_slice %arg8[%mul3A_65, %dma_start3A_139] : memref<10240x128xf32, #tpu.memory_space<vmem_shared>> -> memref<640x128xf32, #tpu.memory_space<vmem_shared>>
      tpu.enqueue_dma source(%dma_start3A_140 : memref<640x128xf32, #tpu.memory_space<vmem_shared>>) target(%dma_start3A_138 : memref<640x128xf32, #tpu.memory_space<hbm>>) target_semaphore(%run_scoped3A_135 : memref<!tpu.dma_semaphore, #tpu.memory_space<semaphore_mem>>)
      %dma_wait3A_141 = arith.constant 0 : i32
      %dma_wait3A_142 = tpu.memref_slice %arg6[%add3A_10, %mul3A_67, %dma_wait3A_141] : memref<4x10240x128xf32, #tpu.memory_space<hbm>> -> memref<1x640x128xf32, #tpu.memory_space<hbm>>
      %dma_wait3A_143 = tpu.memref_squeeze %dma_wait3A_142 : memref<1x640x128xf32, #tpu.memory_space<hbm>> -> memref<640x128xf32, #tpu.memory_space<hbm>>
      %dma_wait3A_144 = arith.constant 0 : i32
      %dma_wait3A_145 = tpu.memref_slice %arg8[%mul3A_65, %dma_wait3A_144] : memref<10240x128xf32, #tpu.memory_space<vmem_shared>> -> memref<640x128xf32, #tpu.memory_space<vmem_shared>>
      tpu.wait_dma2 semaphore(%run_scoped3A_135 : memref<!tpu.dma_semaphore, #tpu.memory_space<semaphore_mem>>) src(%dma_wait3A_145 : memref<640x128xf32, #tpu.memory_space<vmem_shared>>) dst(%dma_wait3A_143 : memref<640x128xf32, #tpu.memory_space<hbm>>)
      tpu.yield
    }) : () -> ()
    "tpu.region"() ({
      %run_scoped3A_135 = tpu.sem_alloc : memref<!tpu.dma_semaphore, #tpu.memory_space<semaphore_mem>>
      %dma_start3A_136 = arith.constant 0 : i32
      %dma_start3A_137 = tpu.memref_slice %arg7[%add3A, %dma_start3A_136] : memref<32x10240xf32, #tpu.memory_space<hbm>> -> memref<1x10240xf32, #tpu.memory_space<hbm>>
      %dma_start3A_138 = tpu.memref_squeeze %dma_start3A_137 : memref<1x10240xf32, #tpu.memory_space<hbm>> -> memref<10240xf32, #tpu.memory_space<hbm>>
      %dma_start3A_139 = arith.constant 0 : i32
      %dma_start3A_140 = tpu.memref_slice %arg7[%add3A, %dma_start3A_139] : memref<32x10240xf32, #tpu.memory_space<hbm>> -> memref<1x10240xf32, #tpu.memory_space<hbm>>
      %dma_start3A_141 = tpu.memref_squeeze %dma_start3A_140 : memref<1x10240xf32, #tpu.memory_space<hbm>> -> memref<10240xf32, #tpu.memory_space<hbm>>
      tpu.enqueue_dma source(%arg12 : memref<10240xf32, #tpu.memory_space<vmem>>) target(%dma_start3A_141 : memref<10240xf32, #tpu.memory_space<hbm>>) target_semaphore(%run_scoped3A_135 : memref<!tpu.dma_semaphore, #tpu.memory_space<semaphore_mem>>)
      %dma_wait3A_142 = arith.constant 0 : i32
      %dma_wait3A_143 = tpu.memref_slice %arg7[%add3A, %dma_wait3A_142] : memref<32x10240xf32, #tpu.memory_space<hbm>> -> memref<1x10240xf32, #tpu.memory_space<hbm>>
      %dma_wait3A_144 = tpu.memref_squeeze %dma_wait3A_143 : memref<1x10240xf32, #tpu.memory_space<hbm>> -> memref<10240xf32, #tpu.memory_space<hbm>>
      %dma_wait3A_145 = arith.constant 0 : i32
      %dma_wait3A_146 = tpu.memref_slice %arg7[%add3A, %dma_wait3A_145] : memref<32x10240xf32, #tpu.memory_space<hbm>> -> memref<1x10240xf32, #tpu.memory_space<hbm>>
      %dma_wait3A_147 = tpu.memref_squeeze %dma_wait3A_146 : memref<1x10240xf32, #tpu.memory_space<hbm>> -> memref<10240xf32, #tpu.memory_space<hbm>>
      tpu.wait_dma2 semaphore(%run_scoped3A_135 : memref<!tpu.dma_semaphore, #tpu.memory_space<semaphore_mem>>) src(%arg12 : memref<10240xf32, #tpu.memory_space<vmem>>) dst(%dma_wait3A_147 : memref<10240xf32, #tpu.memory_space<hbm>>)
      tpu.yield
    }) : () -> ()
    %barrier3A_68 = arith.constant 0 : index
    tpu.barrier barrier_id(%barrier3A_68)
    %mul3A_69 = arith.constant 2 : i32
    %mul3A_70 = arith.muli %mul3A_69, %arg0 : i32
    %add3A_71 = arith.constant 1 : i32
    %add3A_72 = arith.addi %mul3A_70, %add3A_71 : i32
    %mul3A_73 = arith.constant 640 : i32
    %mul3A_74 = arith.muli %arg1, %mul3A_73 : i32
    %mul3A_75 = arith.constant 640 : i32
    %mul3A_76 = arith.muli %arg1, %mul3A_75 : i32
    "tpu.region"() ({
      %run_scoped3A_135 = tpu.sem_alloc : memref<!tpu.dma_semaphore, #tpu.memory_space<semaphore_mem>>
      %dma_start3A_136 = arith.constant 0 : i32
      %dma_start3A_137 = tpu.memref_slice %arg8[%mul3A_76, %dma_start3A_136] : memref<10240x128xf32, #tpu.memory_space<vmem_shared>> -> memref<640x128xf32, #tpu.memory_space<vmem_shared>>
      %dma_start3A_138 = arith.constant 0 : i32
      %dma_start3A_139 = tpu.memref_slice %arg5[%mul3A_74, %dma_start3A_138] : memref<10240x128xf32, #tpu.memory_space<hbm>> -> memref<640x128xf32, #tpu.memory_space<hbm>>
      tpu.enqueue_dma source(%dma_start3A_139 : memref<640x128xf32, #tpu.memory_space<hbm>>) target(%dma_start3A_137 : memref<640x128xf32, #tpu.memory_space<vmem_shared>>) target_semaphore(%run_scoped3A_135 : memref<!tpu.dma_semaphore, #tpu.memory_space<semaphore_mem>>)
      %dma_wait3A_140 = arith.constant 0 : i32
      %dma_wait3A_141 = tpu.memref_slice %arg8[%mul3A_76, %dma_wait3A_140] : memref<10240x128xf32, #tpu.memory_space<vmem_shared>> -> memref<640x128xf32, #tpu.memory_space<vmem_shared>>
      %dma_wait3A_142 = arith.constant 0 : i32
      %dma_wait3A_143 = tpu.memref_slice %arg5[%mul3A_74, %dma_wait3A_142] : memref<10240x128xf32, #tpu.memory_space<hbm>> -> memref<640x128xf32, #tpu.memory_space<hbm>>
      tpu.wait_dma2 semaphore(%run_scoped3A_135 : memref<!tpu.dma_semaphore, #tpu.memory_space<semaphore_mem>>) src(%dma_wait3A_143 : memref<640x128xf32, #tpu.memory_space<hbm>>) dst(%dma_wait3A_141 : memref<640x128xf32, #tpu.memory_space<vmem_shared>>)
      tpu.yield
    }) : () -> ()
    %barrier3A_77 = arith.constant 0 : index
    tpu.barrier barrier_id(%barrier3A_77)
    %run_scoped3A_78 = arith.constant 0 : i32
    "tpu.region"() ({
      %run_scoped3A_135 = tpu.sem_alloc : memref<!tpu.dma_semaphore, #tpu.memory_space<semaphore_mem>>
      %dma_start3A_136 = arith.constant 0 : i32
      %dma_start3A_137 = arith.constant 0 : i32
      %dma_start3A_138 = tpu.memref_slice %arg9[%run_scoped3A_78, %dma_start3A_136, %dma_start3A_137] : memref<2x8x128xi32, #tpu.memory_space<vmem>> -> memref<1x8x128xi32, #tpu.memory_space<vmem>>
      %dma_start3A_139 = tpu.memref_squeeze %dma_start3A_138 : memref<1x8x128xi32, #tpu.memory_space<vmem>> -> memref<8x128xi32, #tpu.memory_space<vmem>>
      %dma_start3A_140 = arith.constant 0 : i32
      %dma_start3A_141 = arith.constant 0 : i32
      %dma_start3A_142 = tpu.memref_slice %arg3[%add3A_72, %arg1, %dma_start3A_140, %dma_start3A_141] : memref<4x16x160x128xi32, #tpu.memory_space<hbm>> -> memref<1x1x8x128xi32, #tpu.memory_space<hbm>>
      %dma_start3A_143 = tpu.memref_squeeze %dma_start3A_142 : memref<1x1x8x128xi32, #tpu.memory_space<hbm>> -> memref<8x128xi32, #tpu.memory_space<hbm>>
      %dma_start3A_144 = arith.constant 0 : i32
      %dma_start3A_145 = arith.constant 0 : i32
      %dma_start3A_146 = tpu.memref_slice %arg9[%run_scoped3A_78, %dma_start3A_144, %dma_start3A_145] : memref<2x8x128xi32, #tpu.memory_space<vmem>> -> memref<1x8x128xi32, #tpu.memory_space<vmem>>
      %dma_start3A_147 = tpu.memref_squeeze %dma_start3A_146 : memref<1x8x128xi32, #tpu.memory_space<vmem>> -> memref<8x128xi32, #tpu.memory_space<vmem>>
      %dma_start3A_148 = arith.constant 0 : i32
      %dma_start3A_149 = arith.constant 0 : i32
      %dma_start3A_150 = tpu.memref_slice %arg3[%add3A_72, %arg1, %dma_start3A_148, %dma_start3A_149] : memref<4x16x160x128xi32, #tpu.memory_space<hbm>> -> memref<1x1x8x128xi32, #tpu.memory_space<hbm>>
      %dma_start3A_151 = tpu.memref_squeeze %dma_start3A_150 : memref<1x1x8x128xi32, #tpu.memory_space<hbm>> -> memref<8x128xi32, #tpu.memory_space<hbm>>
      tpu.enqueue_dma source(%dma_start3A_151 : memref<8x128xi32, #tpu.memory_space<hbm>>) target(%dma_start3A_147 : memref<8x128xi32, #tpu.memory_space<vmem>>) target_semaphore(%run_scoped3A_135 : memref<!tpu.dma_semaphore, #tpu.memory_space<semaphore_mem>>)
      %dma_wait3A_152 = arith.constant 0 : i32
      %dma_wait3A_153 = arith.constant 0 : i32
      %dma_wait3A_154 = tpu.memref_slice %arg9[%run_scoped3A_78, %dma_wait3A_152, %dma_wait3A_153] : memref<2x8x128xi32, #tpu.memory_space<vmem>> -> memref<1x8x128xi32, #tpu.memory_space<vmem>>
      %dma_wait3A_155 = tpu.memref_squeeze %dma_wait3A_154 : memref<1x8x128xi32, #tpu.memory_space<vmem>> -> memref<8x128xi32, #tpu.memory_space<vmem>>
      %dma_wait3A_156 = arith.constant 0 : i32
      %dma_wait3A_157 = arith.constant 0 : i32
      %dma_wait3A_158 = tpu.memref_slice %arg3[%add3A_72, %arg1, %dma_wait3A_156, %dma_wait3A_157] : memref<4x16x160x128xi32, #tpu.memory_space<hbm>> -> memref<1x1x8x128xi32, #tpu.memory_space<hbm>>
      %dma_wait3A_159 = tpu.memref_squeeze %dma_wait3A_158 : memref<1x1x8x128xi32, #tpu.memory_space<hbm>> -> memref<8x128xi32, #tpu.memory_space<hbm>>
      %dma_wait3A_160 = arith.constant 0 : i32
      %dma_wait3A_161 = arith.constant 0 : i32
      %dma_wait3A_162 = tpu.memref_slice %arg9[%run_scoped3A_78, %dma_wait3A_160, %dma_wait3A_161] : memref<2x8x128xi32, #tpu.memory_space<vmem>> -> memref<1x8x128xi32, #tpu.memory_space<vmem>>
      %dma_wait3A_163 = tpu.memref_squeeze %dma_wait3A_162 : memref<1x8x128xi32, #tpu.memory_space<vmem>> -> memref<8x128xi32, #tpu.memory_space<vmem>>
      %dma_wait3A_164 = arith.constant 0 : i32
      %dma_wait3A_165 = arith.constant 0 : i32
      %dma_wait3A_166 = tpu.memref_slice %arg3[%add3A_72, %arg1, %dma_wait3A_164, %dma_wait3A_165] : memref<4x16x160x128xi32, #tpu.memory_space<hbm>> -> memref<1x1x8x128xi32, #tpu.memory_space<hbm>>
      %dma_wait3A_167 = tpu.memref_squeeze %dma_wait3A_166 : memref<1x1x8x128xi32, #tpu.memory_space<hbm>> -> memref<8x128xi32, #tpu.memory_space<hbm>>
      tpu.wait_dma2 semaphore(%run_scoped3A_135 : memref<!tpu.dma_semaphore, #tpu.memory_space<semaphore_mem>>) src(%dma_wait3A_167 : memref<8x128xi32, #tpu.memory_space<hbm>>) dst(%dma_wait3A_163 : memref<8x128xi32, #tpu.memory_space<vmem>>)
      tpu.yield
    }) : () -> ()
    %run_scoped3A_79 = arith.constant 0 : i32
    "tpu.region"() ({
      %run_scoped3A_135 = tpu.sem_alloc : memref<!tpu.dma_semaphore, #tpu.memory_space<semaphore_mem>>
      %dma_start3A_136 = arith.constant 0 : i32
      %dma_start3A_137 = arith.constant 0 : i32
      %dma_start3A_138 = tpu.memref_slice %arg10[%run_scoped3A_79, %dma_start3A_136, %dma_start3A_137] : memref<2x8x128xi32, #tpu.memory_space<vmem>> -> memref<1x8x128xi32, #tpu.memory_space<vmem>>
      %dma_start3A_139 = tpu.memref_squeeze %dma_start3A_138 : memref<1x8x128xi32, #tpu.memory_space<vmem>> -> memref<8x128xi32, #tpu.memory_space<vmem>>
      %dma_start3A_140 = arith.constant 0 : i32
      %dma_start3A_141 = arith.constant 0 : i32
      %dma_start3A_142 = tpu.memref_slice %arg4[%arg1, %dma_start3A_140, %dma_start3A_141] : memref<16x160x128xi32, #tpu.memory_space<hbm>> -> memref<1x8x128xi32, #tpu.memory_space<hbm>>
      %dma_start3A_143 = tpu.memref_squeeze %dma_start3A_142 : memref<1x8x128xi32, #tpu.memory_space<hbm>> -> memref<8x128xi32, #tpu.memory_space<hbm>>
      %dma_start3A_144 = arith.constant 0 : i32
      %dma_start3A_145 = arith.constant 0 : i32
      %dma_start3A_146 = tpu.memref_slice %arg10[%run_scoped3A_79, %dma_start3A_144, %dma_start3A_145] : memref<2x8x128xi32, #tpu.memory_space<vmem>> -> memref<1x8x128xi32, #tpu.memory_space<vmem>>
      %dma_start3A_147 = tpu.memref_squeeze %dma_start3A_146 : memref<1x8x128xi32, #tpu.memory_space<vmem>> -> memref<8x128xi32, #tpu.memory_space<vmem>>
      %dma_start3A_148 = arith.constant 0 : i32
      %dma_start3A_149 = arith.constant 0 : i32
      %dma_start3A_150 = tpu.memref_slice %arg4[%arg1, %dma_start3A_148, %dma_start3A_149] : memref<16x160x128xi32, #tpu.memory_space<hbm>> -> memref<1x8x128xi32, #tpu.memory_space<hbm>>
      %dma_start3A_151 = tpu.memref_squeeze %dma_start3A_150 : memref<1x8x128xi32, #tpu.memory_space<hbm>> -> memref<8x128xi32, #tpu.memory_space<hbm>>
      tpu.enqueue_dma source(%dma_start3A_151 : memref<8x128xi32, #tpu.memory_space<hbm>>) target(%dma_start3A_147 : memref<8x128xi32, #tpu.memory_space<vmem>>) target_semaphore(%run_scoped3A_135 : memref<!tpu.dma_semaphore, #tpu.memory_space<semaphore_mem>>)
      %dma_wait3A_152 = arith.constant 0 : i32
      %dma_wait3A_153 = arith.constant 0 : i32
      %dma_wait3A_154 = tpu.memref_slice %arg10[%run_scoped3A_79, %dma_wait3A_152, %dma_wait3A_153] : memref<2x8x128xi32, #tpu.memory_space<vmem>> -> memref<1x8x128xi32, #tpu.memory_space<vmem>>
      %dma_wait3A_155 = tpu.memref_squeeze %dma_wait3A_154 : memref<1x8x128xi32, #tpu.memory_space<vmem>> -> memref<8x128xi32, #tpu.memory_space<vmem>>
      %dma_wait3A_156 = arith.constant 0 : i32
      %dma_wait3A_157 = arith.constant 0 : i32
      %dma_wait3A_158 = tpu.memref_slice %arg4[%arg1, %dma_wait3A_156, %dma_wait3A_157] : memref<16x160x128xi32, #tpu.memory_space<hbm>> -> memref<1x8x128xi32, #tpu.memory_space<hbm>>
      %dma_wait3A_159 = tpu.memref_squeeze %dma_wait3A_158 : memref<1x8x128xi32, #tpu.memory_space<hbm>> -> memref<8x128xi32, #tpu.memory_space<hbm>>
      %dma_wait3A_160 = arith.constant 0 : i32
      %dma_wait3A_161 = arith.constant 0 : i32
      %dma_wait3A_162 = tpu.memref_slice %arg10[%run_scoped3A_79, %dma_wait3A_160, %dma_wait3A_161] : memref<2x8x128xi32, #tpu.memory_space<vmem>> -> memref<1x8x128xi32, #tpu.memory_space<vmem>>
      %dma_wait3A_163 = tpu.memref_squeeze %dma_wait3A_162 : memref<1x8x128xi32, #tpu.memory_space<vmem>> -> memref<8x128xi32, #tpu.memory_space<vmem>>
      %dma_wait3A_164 = arith.constant 0 : i32
      %dma_wait3A_165 = arith.constant 0 : i32
      %dma_wait3A_166 = tpu.memref_slice %arg4[%arg1, %dma_wait3A_164, %dma_wait3A_165] : memref<16x160x128xi32, #tpu.memory_space<hbm>> -> memref<1x8x128xi32, #tpu.memory_space<hbm>>
      %dma_wait3A_167 = tpu.memref_squeeze %dma_wait3A_166 : memref<1x8x128xi32, #tpu.memory_space<hbm>> -> memref<8x128xi32, #tpu.memory_space<hbm>>
      tpu.wait_dma2 semaphore(%run_scoped3A_135 : memref<!tpu.dma_semaphore, #tpu.memory_space<semaphore_mem>>) src(%dma_wait3A_167 : memref<8x128xi32, #tpu.memory_space<hbm>>) dst(%dma_wait3A_163 : memref<8x128xi32, #tpu.memory_space<vmem>>)
      tpu.yield
    }) : () -> ()
    %dma_start3A_80 = arith.constant 0 : i32
    %dma_start3A_81 = arith.constant 0 : i32
    %dma_start3A_82 = arith.constant 0 : i32
    %dma_start3A_83 = arith.constant 0 : i32
    %dma_start3A_84 = arith.constant 0 : i32
    %dma_start3A_85 = tpu.memref_slice %arg11[%dma_start3A_82, %dma_start3A_83, %dma_start3A_84] : memref<2x128x128xf32, #tpu.memory_space<vmem>> -> memref<1x128x128xf32, #tpu.memory_space<vmem>>
    %dma_start3A_86 = tpu.memref_squeeze %dma_start3A_85 : memref<1x128x128xf32, #tpu.memory_space<vmem>> -> memref<128x128xf32, #tpu.memory_space<vmem>>
    %dma_start3A_87 = arith.constant 0 : i32
    %dma_start3A_88 = tpu.memref_slice %arg9[%dma_start3A_80, %dma_start3A_81, %dma_start3A_87] : memref<2x8x128xi32, #tpu.memory_space<vmem>> -> memref<1x1x128xi32, #tpu.memory_space<vmem>>
    %dma_start3A_89 = tpu.memref_squeeze %dma_start3A_88 : memref<1x1x128xi32, #tpu.memory_space<vmem>> -> memref<128xi32, #tpu.memory_space<vmem>>
    %dma_start3A_90 = arith.constant 0 : i32
    %dma_start3A_91 = arith.constant 0 : i32
    %dma_start3A_92 = tpu.memref_slice %arg2[%dma_start3A_90, %dma_start3A_91] : memref<60032x128xf32, #tpu.memory_space<hbm>> -> memref<60032x128xf32, #tpu.memory_space<hbm>>
    tpu.enqueue_indirect_dma source(%dma_start3A_92 : memref<60032x128xf32, #tpu.memory_space<hbm>>) target(%dma_start3A_86 : memref<128x128xf32, #tpu.memory_space<vmem>>) offsets(%dma_start3A_89 : memref<128xi32, #tpu.memory_space<vmem>>) semaphore(%arg13 : memref<!tpu.dma_semaphore, #tpu.memory_space<semaphore_mem>>)
    %scan3A_93 = arith.constant 0 : i32
    %scan3A_94 = arith.constant 0 : i32
    %scan3A_95 = arith.constant 20 : i32
    %scan3A_96 = arith.addi %scan3A_94, %scan3A_95 : i32
    %scan3A_97 = arith.constant 1 : i32
    scf.for %scan3A_135 = %scan3A_94 to %scan3A_96 step %scan3A_97  : i32 {
      %jit3A = arith.constant 2 : i32
      %eq3A = arith.constant 0 : i32
      %eq3A_136 = arith.cmpi eq, %jit3A, %eq3A : i32
      %jit3A_137 = arith.constant 1 : i32
      %select_n3A = arith.select %eq3A_136, %jit3A_137, %jit3A : i32
      %rem3A = arith.remsi %scan3A_135, %select_n3A : i32
      %ne3A = arith.constant 0 : i32
      %ne3A_138 = arith.cmpi ne, %rem3A, %ne3A : i32
      %lt3A = arith.constant 0 : i32
      %lt3A_139 = arith.cmpi slt, %rem3A, %lt3A : i32
      %lt3A_140 = arith.constant 0 : i32
      %lt3A_141 = arith.cmpi slt, %select_n3A, %lt3A_140 : i32
      %ne3A_142 = arith.xori %lt3A_139, %lt3A_141 : i1
      %and3A = arith.andi %ne3A_142, %ne3A_138 : i1
      %add3A_143 = arith.addi %rem3A, %select_n3A : i32
      %select_n3A_144 = arith.select %and3A, %add3A_143, %rem3A : i32
      %sub3A = arith.constant 1 : i32
      %sub3A_145 = arith.subi %sub3A, %select_n3A_144 : i32
      %add3A_146 = arith.constant 1 : i32
      %add3A_147 = arith.addi %scan3A_135, %add3A_146 : i32
      %jit3A_148 = arith.constant 20 : i32
      %eq3A_149 = arith.constant 0 : i32
      %eq3A_150 = arith.cmpi eq, %jit3A_148, %eq3A_149 : i32
      %jit3A_151 = arith.constant 1 : i32
      %select_n3A_152 = arith.select %eq3A_150, %jit3A_151, %jit3A_148 : i32
      %rem3A_153 = arith.remsi %add3A_147, %select_n3A_152 : i32
      %ne3A_154 = arith.constant 0 : i32
      %ne3A_155 = arith.cmpi ne, %rem3A_153, %ne3A_154 : i32
      %lt3A_156 = arith.constant 0 : i32
      %lt3A_157 = arith.cmpi slt, %rem3A_153, %lt3A_156 : i32
      %lt3A_158 = arith.constant 0 : i32
      %lt3A_159 = arith.cmpi slt, %select_n3A_152, %lt3A_158 : i32
      %ne3A_160 = arith.xori %lt3A_157, %lt3A_159 : i1
      %and3A_161 = arith.andi %ne3A_160, %ne3A_155 : i1
      %add3A_162 = arith.addi %rem3A_153, %select_n3A_152 : i32
      %select_n3A_163 = arith.select %and3A_161, %add3A_162, %rem3A_153 : i32
      %mul3A_164 = arith.constant 8 : i32
      %mul3A_165 = arith.muli %select_n3A_163, %mul3A_164 : i32
      %gt3A = arith.constant 0 : i32
      %gt3A_166 = arith.cmpi sgt, %scan3A_135, %gt3A : i32
      %convert_element_type3A = arith.extui %gt3A_166 : i1 to i32
      %cond3A = arith.constant 0 : i32
      %cond3A_167 = arith.cmpi ne, %convert_element_type3A, %cond3A : i32
      scf.if %cond3A_167 {
        %dma_wait3A_647 = arith.constant 1 : i32
        %dma_wait3A_648 = arith.constant 0 : i32
        %dma_wait3A_649 = arith.constant 0 : i32
        %dma_wait3A_650 = tpu.memref_slice %arg11[%dma_wait3A_647, %dma_wait3A_648, %dma_wait3A_649] : memref<2x128x128xf32, #tpu.memory_space<vmem>> -> memref<1x128x128xf32, #tpu.memory_space<vmem>>
        %dma_wait3A_651 = tpu.memref_squeeze %dma_wait3A_650 : memref<1x128x128xf32, #tpu.memory_space<vmem>> -> memref<128x128xf32, #tpu.memory_space<vmem>>
        %dma_wait3A_652 = arith.constant 0 : i32
        %dma_wait3A_653 = arith.constant 0 : i32
        %dma_wait3A_654 = tpu.memref_slice %arg2[%dma_wait3A_652, %dma_wait3A_653] : memref<60032x128xf32, #tpu.memory_space<hbm>> -> memref<128x128xf32, #tpu.memory_space<hbm>>
        %dma_wait3A_655 = arith.constant 0 : i32
        %dma_wait3A_656 = arith.constant 0 : i32
        %dma_wait3A_657 = tpu.memref_slice %arg11[%dma_wait3A_647, %dma_wait3A_655, %dma_wait3A_656] : memref<2x128x128xf32, #tpu.memory_space<vmem>> -> memref<1x128x128xf32, #tpu.memory_space<vmem>>
        %dma_wait3A_658 = tpu.memref_squeeze %dma_wait3A_657 : memref<1x128x128xf32, #tpu.memory_space<vmem>> -> memref<128x128xf32, #tpu.memory_space<vmem>>
        %dma_wait3A_659 = arith.constant 0 : i32
        %dma_wait3A_660 = arith.constant 0 : i32
        %dma_wait3A_661 = tpu.memref_slice %arg2[%dma_wait3A_659, %dma_wait3A_660] : memref<60032x128xf32, #tpu.memory_space<hbm>> -> memref<128x128xf32, #tpu.memory_space<hbm>>
        tpu.wait_dma2 semaphore(%arg16 : memref<!tpu.dma_semaphore, #tpu.memory_space<semaphore_mem>>) src(%dma_wait3A_661 : memref<128x128xf32, #tpu.memory_space<hbm>>) dst(%dma_wait3A_658 : memref<128x128xf32, #tpu.memory_space<vmem>>)
      } else {
      }
      %dma_start3A_168 = arith.constant 1 : i32
      %dma_start3A_169 = arith.constant 1 : i32
      %dma_start3A_170 = arith.constant 0 : i32
      %dma_start3A_171 = arith.constant 0 : i32
      %dma_start3A_172 = tpu.memref_slice %arg11[%dma_start3A_169, %dma_start3A_170, %dma_start3A_171] : memref<2x128x128xf32, #tpu.memory_space<vmem>> -> memref<1x128x128xf32, #tpu.memory_space<vmem>>
      %dma_start3A_173 = tpu.memref_squeeze %dma_start3A_172 : memref<1x128x128xf32, #tpu.memory_space<vmem>> -> memref<128x128xf32, #tpu.memory_space<vmem>>
      %dma_start3A_174 = arith.constant 0 : i32
      %dma_start3A_175 = tpu.memref_slice %arg9[%select_n3A_144, %dma_start3A_168, %dma_start3A_174] : memref<2x8x128xi32, #tpu.memory_space<vmem>> -> memref<1x1x128xi32, #tpu.memory_space<vmem>>
      %dma_start3A_176 = tpu.memref_squeeze %dma_start3A_175 : memref<1x1x128xi32, #tpu.memory_space<vmem>> -> memref<128xi32, #tpu.memory_space<vmem>>
      %dma_start3A_177 = arith.constant 0 : i32
      %dma_start3A_178 = arith.constant 0 : i32
      %dma_start3A_179 = tpu.memref_slice %arg2[%dma_start3A_177, %dma_start3A_178] : memref<60032x128xf32, #tpu.memory_space<hbm>> -> memref<60032x128xf32, #tpu.memory_space<hbm>>
      tpu.enqueue_indirect_dma source(%dma_start3A_179 : memref<60032x128xf32, #tpu.memory_space<hbm>>) target(%dma_start3A_173 : memref<128x128xf32, #tpu.memory_space<vmem>>) offsets(%dma_start3A_176 : memref<128xi32, #tpu.memory_space<vmem>>) semaphore(%arg14 : memref<!tpu.dma_semaphore, #tpu.memory_space<semaphore_mem>>)
      %dma_wait3A_180 = arith.constant 0 : i32
      %dma_wait3A_181 = arith.constant 0 : i32
      %dma_wait3A_182 = arith.constant 0 : i32
      %dma_wait3A_183 = tpu.memref_slice %arg11[%dma_wait3A_180, %dma_wait3A_181, %dma_wait3A_182] : memref<2x128x128xf32, #tpu.memory_space<vmem>> -> memref<1x128x128xf32, #tpu.memory_space<vmem>>
      %dma_wait3A_184 = tpu.memref_squeeze %dma_wait3A_183 : memref<1x128x128xf32, #tpu.memory_space<vmem>> -> memref<128x128xf32, #tpu.memory_space<vmem>>
      %dma_wait3A_185 = arith.constant 0 : i32
      %dma_wait3A_186 = arith.constant 0 : i32
      %dma_wait3A_187 = tpu.memref_slice %arg2[%dma_wait3A_185, %dma_wait3A_186] : memref<60032x128xf32, #tpu.memory_space<hbm>> -> memref<128x128xf32, #tpu.memory_space<hbm>>
      %dma_wait3A_188 = arith.constant 0 : i32
      %dma_wait3A_189 = arith.constant 0 : i32
      %dma_wait3A_190 = tpu.memref_slice %arg11[%dma_wait3A_180, %dma_wait3A_188, %dma_wait3A_189] : memref<2x128x128xf32, #tpu.memory_space<vmem>> -> memref<1x128x128xf32, #tpu.memory_space<vmem>>
      %dma_wait3A_191 = tpu.memref_squeeze %dma_wait3A_190 : memref<1x128x128xf32, #tpu.memory_space<vmem>> -> memref<128x128xf32, #tpu.memory_space<vmem>>
      %dma_wait3A_192 = arith.constant 0 : i32
      %dma_wait3A_193 = arith.constant 0 : i32
      %dma_wait3A_194 = tpu.memref_slice %arg2[%dma_wait3A_192, %dma_wait3A_193] : memref<60032x128xf32, #tpu.memory_space<hbm>> -> memref<128x128xf32, #tpu.memory_space<hbm>>
      tpu.wait_dma2 semaphore(%arg13 : memref<!tpu.dma_semaphore, #tpu.memory_space<semaphore_mem>>) src(%dma_wait3A_194 : memref<128x128xf32, #tpu.memory_space<hbm>>) dst(%dma_wait3A_191 : memref<128x128xf32, #tpu.memory_space<vmem>>)
      %dma_start3A_195 = arith.constant 0 : i32
      %dma_start3A_196 = arith.constant 0 : i32
      %dma_start3A_197 = arith.constant 0 : i32
      %dma_start3A_198 = arith.constant 0 : i32
      %dma_start3A_199 = tpu.memref_slice %arg11[%dma_start3A_195, %dma_start3A_197, %dma_start3A_198] : memref<2x128x128xf32, #tpu.memory_space<vmem>> -> memref<1x128x128xf32, #tpu.memory_space<vmem>>
      %dma_start3A_200 = tpu.memref_squeeze %dma_start3A_199 : memref<1x128x128xf32, #tpu.memory_space<vmem>> -> memref<128x128xf32, #tpu.memory_space<vmem>>
      %dma_start3A_201 = arith.constant 0 : i32
      %dma_start3A_202 = tpu.memref_slice %arg10[%select_n3A_144, %dma_start3A_196, %dma_start3A_201] : memref<2x8x128xi32, #tpu.memory_space<vmem>> -> memref<1x1x128xi32, #tpu.memory_space<vmem>>
      %dma_start3A_203 = tpu.memref_squeeze %dma_start3A_202 : memref<1x1x128xi32, #tpu.memory_space<vmem>> -> memref<128xi32, #tpu.memory_space<vmem>>
      %dma_start3A_204 = arith.constant 0 : i32
      %dma_start3A_205 = arith.constant 0 : i32
      %dma_start3A_206 = tpu.memref_slice %arg8[%dma_start3A_204, %dma_start3A_205] : memref<10240x128xf32, #tpu.memory_space<vmem_shared>> -> memref<10240x128xf32, #tpu.memory_space<vmem_shared>>
      tpu.enqueue_indirect_dma source(%dma_start3A_200 : memref<128x128xf32, #tpu.memory_space<vmem>>) target(%dma_start3A_206 : memref<10240x128xf32, #tpu.memory_space<vmem_shared>>) offsets(%dma_start3A_203 : memref<128xi32, #tpu.memory_space<vmem>>) semaphore(%arg15 : memref<!tpu.dma_semaphore, #tpu.memory_space<semaphore_mem>>) {add = true}
      %dma_wait3A_207 = arith.constant 0 : i32
      %dma_wait3A_208 = arith.constant 0 : i32
      %dma_wait3A_209 = arith.constant 0 : i32
      %dma_wait3A_210 = tpu.memref_slice %arg11[%dma_wait3A_207, %dma_wait3A_208, %dma_wait3A_209] : memref<2x128x128xf32, #tpu.memory_space<vmem>> -> memref<1x128x128xf32, #tpu.memory_space<vmem>>
      %dma_wait3A_211 = tpu.memref_squeeze %dma_wait3A_210 : memref<1x128x128xf32, #tpu.memory_space<vmem>> -> memref<128x128xf32, #tpu.memory_space<vmem>>
      %dma_wait3A_212 = arith.constant 0 : i32
      %dma_wait3A_213 = arith.constant 0 : i32
      %dma_wait3A_214 = tpu.memref_slice %arg2[%dma_wait3A_212, %dma_wait3A_213] : memref<60032x128xf32, #tpu.memory_space<hbm>> -> memref<128x128xf32, #tpu.memory_space<hbm>>
      %dma_wait3A_215 = arith.constant 0 : i32
      %dma_wait3A_216 = arith.constant 0 : i32
      %dma_wait3A_217 = tpu.memref_slice %arg11[%dma_wait3A_207, %dma_wait3A_215, %dma_wait3A_216] : memref<2x128x128xf32, #tpu.memory_space<vmem>> -> memref<1x128x128xf32, #tpu.memory_space<vmem>>
      %dma_wait3A_218 = tpu.memref_squeeze %dma_wait3A_217 : memref<1x128x128xf32, #tpu.memory_space<vmem>> -> memref<128x128xf32, #tpu.memory_space<vmem>>
      %dma_wait3A_219 = arith.constant 0 : i32
      %dma_wait3A_220 = arith.constant 0 : i32
      %dma_wait3A_221 = tpu.memref_slice %arg2[%dma_wait3A_219, %dma_wait3A_220] : memref<60032x128xf32, #tpu.memory_space<hbm>> -> memref<128x128xf32, #tpu.memory_space<hbm>>
      tpu.wait_dma2 semaphore(%arg15 : memref<!tpu.dma_semaphore, #tpu.memory_space<semaphore_mem>>) src(%dma_wait3A_221 : memref<128x128xf32, #tpu.memory_space<hbm>>) dst(%dma_wait3A_218 : memref<128x128xf32, #tpu.memory_space<vmem>>)
      %dma_start3A_222 = arith.constant 2 : i32
      %dma_start3A_223 = arith.constant 0 : i32
      %dma_start3A_224 = arith.constant 0 : i32
      %dma_start3A_225 = arith.constant 0 : i32
      %dma_start3A_226 = tpu.memref_slice %arg11[%dma_start3A_223, %dma_start3A_224, %dma_start3A_225] : memref<2x128x128xf32, #tpu.memory_space<vmem>> -> memref<1x128x128xf32, #tpu.memory_space<vmem>>
      %dma_start3A_227 = tpu.memref_squeeze %dma_start3A_226 : memref<1x128x128xf32, #tpu.memory_space<vmem>> -> memref<128x128xf32, #tpu.memory_space<vmem>>
      %dma_start3A_228 = arith.constant 0 : i32
      %dma_start3A_229 = tpu.memref_slice %arg9[%select_n3A_144, %dma_start3A_222, %dma_start3A_228] : memref<2x8x128xi32, #tpu.memory_space<vmem>> -> memref<1x1x128xi32, #tpu.memory_space<vmem>>
      %dma_start3A_230 = tpu.memref_squeeze %dma_start3A_229 : memref<1x1x128xi32, #tpu.memory_space<vmem>> -> memref<128xi32, #tpu.memory_space<vmem>>
      %dma_start3A_231 = arith.constant 0 : i32
      %dma_start3A_232 = arith.constant 0 : i32
      %dma_start3A_233 = tpu.memref_slice %arg2[%dma_start3A_231, %dma_start3A_232] : memref<60032x128xf32, #tpu.memory_space<hbm>> -> memref<60032x128xf32, #tpu.memory_space<hbm>>
      tpu.enqueue_indirect_dma source(%dma_start3A_233 : memref<60032x128xf32, #tpu.memory_space<hbm>>) target(%dma_start3A_227 : memref<128x128xf32, #tpu.memory_space<vmem>>) offsets(%dma_start3A_230 : memref<128xi32, #tpu.memory_space<vmem>>) semaphore(%arg13 : memref<!tpu.dma_semaphore, #tpu.memory_space<semaphore_mem>>)
      %dma_wait3A_234 = arith.constant 1 : i32
      %dma_wait3A_235 = arith.constant 0 : i32
      %dma_wait3A_236 = arith.constant 0 : i32
      %dma_wait3A_237 = tpu.memref_slice %arg11[%dma_wait3A_234, %dma_wait3A_235, %dma_wait3A_236] : memref<2x128x128xf32, #tpu.memory_space<vmem>> -> memref<1x128x128xf32, #tpu.memory_space<vmem>>
      %dma_wait3A_238 = tpu.memref_squeeze %dma_wait3A_237 : memref<1x128x128xf32, #tpu.memory_space<vmem>> -> memref<128x128xf32, #tpu.memory_space<vmem>>
      %dma_wait3A_239 = arith.constant 0 : i32
      %dma_wait3A_240 = arith.constant 0 : i32
      %dma_wait3A_241 = tpu.memref_slice %arg2[%dma_wait3A_239, %dma_wait3A_240] : memref<60032x128xf32, #tpu.memory_space<hbm>> -> memref<128x128xf32, #tpu.memory_space<hbm>>
      %dma_wait3A_242 = arith.constant 0 : i32
      %dma_wait3A_243 = arith.constant 0 : i32
      %dma_wait3A_244 = tpu.memref_slice %arg11[%dma_wait3A_234, %dma_wait3A_242, %dma_wait3A_243] : memref<2x128x128xf32, #tpu.memory_space<vmem>> -> memref<1x128x128xf32, #tpu.memory_space<vmem>>
      %dma_wait3A_245 = tpu.memref_squeeze %dma_wait3A_244 : memref<1x128x128xf32, #tpu.memory_space<vmem>> -> memref<128x128xf32, #tpu.memory_space<vmem>>
      %dma_wait3A_246 = arith.constant 0 : i32
      %dma_wait3A_247 = arith.constant 0 : i32
      %dma_wait3A_248 = tpu.memref_slice %arg2[%dma_wait3A_246, %dma_wait3A_247] : memref<60032x128xf32, #tpu.memory_space<hbm>> -> memref<128x128xf32, #tpu.memory_space<hbm>>
      tpu.wait_dma2 semaphore(%arg14 : memref<!tpu.dma_semaphore, #tpu.memory_space<semaphore_mem>>) src(%dma_wait3A_248 : memref<128x128xf32, #tpu.memory_space<hbm>>) dst(%dma_wait3A_245 : memref<128x128xf32, #tpu.memory_space<vmem>>)
      %dma_start3A_249 = arith.constant 1 : i32
      %dma_start3A_250 = arith.constant 1 : i32
      %dma_start3A_251 = arith.constant 0 : i32
      %dma_start3A_252 = arith.constant 0 : i32
      %dma_start3A_253 = tpu.memref_slice %arg11[%dma_start3A_249, %dma_start3A_251, %dma_start3A_252] : memref<2x128x128xf32, #tpu.memory_space<vmem>> -> memref<1x128x128xf32, #tpu.memory_space<vmem>>
      %dma_start3A_254 = tpu.memref_squeeze %dma_start3A_253 : memref<1x128x128xf32, #tpu.memory_space<vmem>> -> memref<128x128xf32, #tpu.memory_space<vmem>>
      %dma_start3A_255 = arith.constant 0 : i32
      %dma_start3A_256 = tpu.memref_slice %arg10[%select_n3A_144, %dma_start3A_250, %dma_start3A_255] : memref<2x8x128xi32, #tpu.memory_space<vmem>> -> memref<1x1x128xi32, #tpu.memory_space<vmem>>
      %dma_start3A_257 = tpu.memref_squeeze %dma_start3A_256 : memref<1x1x128xi32, #tpu.memory_space<vmem>> -> memref<128xi32, #tpu.memory_space<vmem>>
      %dma_start3A_258 = arith.constant 0 : i32
      %dma_start3A_259 = arith.constant 0 : i32
      %dma_start3A_260 = tpu.memref_slice %arg8[%dma_start3A_258, %dma_start3A_259] : memref<10240x128xf32, #tpu.memory_space<vmem_shared>> -> memref<10240x128xf32, #tpu.memory_space<vmem_shared>>
      tpu.enqueue_indirect_dma source(%dma_start3A_254 : memref<128x128xf32, #tpu.memory_space<vmem>>) target(%dma_start3A_260 : memref<10240x128xf32, #tpu.memory_space<vmem_shared>>) offsets(%dma_start3A_257 : memref<128xi32, #tpu.memory_space<vmem>>) semaphore(%arg16 : memref<!tpu.dma_semaphore, #tpu.memory_space<semaphore_mem>>) {add = true}
      %dma_wait3A_261 = arith.constant 1 : i32
      %dma_wait3A_262 = arith.constant 0 : i32
      %dma_wait3A_263 = arith.constant 0 : i32
      %dma_wait3A_264 = tpu.memref_slice %arg11[%dma_wait3A_261, %dma_wait3A_262, %dma_wait3A_263] : memref<2x128x128xf32, #tpu.memory_space<vmem>> -> memref<1x128x128xf32, #tpu.memory_space<vmem>>
      %dma_wait3A_265 = tpu.memref_squeeze %dma_wait3A_264 : memref<1x128x128xf32, #tpu.memory_space<vmem>> -> memref<128x128xf32, #tpu.memory_space<vmem>>
      %dma_wait3A_266 = arith.constant 0 : i32
      %dma_wait3A_267 = arith.constant 0 : i32
      %dma_wait3A_268 = tpu.memref_slice %arg2[%dma_wait3A_266, %dma_wait3A_267] : memref<60032x128xf32, #tpu.memory_space<hbm>> -> memref<128x128xf32, #tpu.memory_space<hbm>>
      %dma_wait3A_269 = arith.constant 0 : i32
      %dma_wait3A_270 = arith.constant 0 : i32
      %dma_wait3A_271 = tpu.memref_slice %arg11[%dma_wait3A_261, %dma_wait3A_269, %dma_wait3A_270] : memref<2x128x128xf32, #tpu.memory_space<vmem>> -> memref<1x128x128xf32, #tpu.memory_space<vmem>>
      %dma_wait3A_272 = tpu.memref_squeeze %dma_wait3A_271 : memref<1x128x128xf32, #tpu.memory_space<vmem>> -> memref<128x128xf32, #tpu.memory_space<vmem>>
      %dma_wait3A_273 = arith.constant 0 : i32
      %dma_wait3A_274 = arith.constant 0 : i32
      %dma_wait3A_275 = tpu.memref_slice %arg2[%dma_wait3A_273, %dma_wait3A_274] : memref<60032x128xf32, #tpu.memory_space<hbm>> -> memref<128x128xf32, #tpu.memory_space<hbm>>
      tpu.wait_dma2 semaphore(%arg16 : memref<!tpu.dma_semaphore, #tpu.memory_space<semaphore_mem>>) src(%dma_wait3A_275 : memref<128x128xf32, #tpu.memory_space<hbm>>) dst(%dma_wait3A_272 : memref<128x128xf32, #tpu.memory_space<vmem>>)
      %dma_start3A_276 = arith.constant 0 : i32
      %dma_start3A_277 = arith.constant 0 : i32
      %dma_start3A_278 = tpu.memref_slice %arg9[%sub3A_145, %dma_start3A_276, %dma_start3A_277] : memref<2x8x128xi32, #tpu.memory_space<vmem>> -> memref<1x8x128xi32, #tpu.memory_space<vmem>>
      %dma_start3A_279 = tpu.memref_squeeze %dma_start3A_278 : memref<1x8x128xi32, #tpu.memory_space<vmem>> -> memref<8x128xi32, #tpu.memory_space<vmem>>
      %dma_start3A_280 = arith.constant 0 : i32
      %dma_start3A_281 = tpu.memref_slice %arg3[%add3A_72, %arg1, %mul3A_165, %dma_start3A_280] : memref<4x16x160x128xi32, #tpu.memory_space<hbm>> -> memref<1x1x8x128xi32, #tpu.memory_space<hbm>>
      %dma_start3A_282 = tpu.memref_squeeze %dma_start3A_281 : memref<1x1x8x128xi32, #tpu.memory_space<hbm>> -> memref<8x128xi32, #tpu.memory_space<hbm>>
      %dma_start3A_283 = arith.constant 0 : i32
      %dma_start3A_284 = arith.constant 0 : i32
      %dma_start3A_285 = tpu.memref_slice %arg9[%sub3A_145, %dma_start3A_283, %dma_start3A_284] : memref<2x8x128xi32, #tpu.memory_space<vmem>> -> memref<1x8x128xi32, #tpu.memory_space<vmem>>
      %dma_start3A_286 = tpu.memref_squeeze %dma_start3A_285 : memref<1x8x128xi32, #tpu.memory_space<vmem>> -> memref<8x128xi32, #tpu.memory_space<vmem>>
      %dma_start3A_287 = arith.constant 0 : i32
      %dma_start3A_288 = tpu.memref_slice %arg3[%add3A_72, %arg1, %mul3A_165, %dma_start3A_287] : memref<4x16x160x128xi32, #tpu.memory_space<hbm>> -> memref<1x1x8x128xi32, #tpu.memory_space<hbm>>
      %dma_start3A_289 = tpu.memref_squeeze %dma_start3A_288 : memref<1x1x8x128xi32, #tpu.memory_space<hbm>> -> memref<8x128xi32, #tpu.memory_space<hbm>>
      tpu.enqueue_dma source(%dma_start3A_289 : memref<8x128xi32, #tpu.memory_space<hbm>>) target(%dma_start3A_286 : memref<8x128xi32, #tpu.memory_space<vmem>>) target_semaphore(%arg17 : memref<!tpu.dma_semaphore, #tpu.memory_space<semaphore_mem>>)
      %dma_start3A_290 = arith.constant 0 : i32
      %dma_start3A_291 = arith.constant 0 : i32
      %dma_start3A_292 = tpu.memref_slice %arg10[%sub3A_145, %dma_start3A_290, %dma_start3A_291] : memref<2x8x128xi32, #tpu.memory_space<vmem>> -> memref<1x8x128xi32, #tpu.memory_space<vmem>>
      %dma_start3A_293 = tpu.memref_squeeze %dma_start3A_292 : memref<1x8x128xi32, #tpu.memory_space<vmem>> -> memref<8x128xi32, #tpu.memory_space<vmem>>
      %dma_start3A_294 = arith.constant 0 : i32
      %dma_start3A_295 = tpu.memref_slice %arg4[%arg1, %mul3A_165, %dma_start3A_294] : memref<16x160x128xi32, #tpu.memory_space<hbm>> -> memref<1x8x128xi32, #tpu.memory_space<hbm>>
      %dma_start3A_296 = tpu.memref_squeeze %dma_start3A_295 : memref<1x8x128xi32, #tpu.memory_space<hbm>> -> memref<8x128xi32, #tpu.memory_space<hbm>>
      %dma_start3A_297 = arith.constant 0 : i32
      %dma_start3A_298 = arith.constant 0 : i32
      %dma_start3A_299 = tpu.memref_slice %arg10[%sub3A_145, %dma_start3A_297, %dma_start3A_298] : memref<2x8x128xi32, #tpu.memory_space<vmem>> -> memref<1x8x128xi32, #tpu.memory_space<vmem>>
      %dma_start3A_300 = tpu.memref_squeeze %dma_start3A_299 : memref<1x8x128xi32, #tpu.memory_space<vmem>> -> memref<8x128xi32, #tpu.memory_space<vmem>>
      %dma_start3A_301 = arith.constant 0 : i32
      %dma_start3A_302 = tpu.memref_slice %arg4[%arg1, %mul3A_165, %dma_start3A_301] : memref<16x160x128xi32, #tpu.memory_space<hbm>> -> memref<1x8x128xi32, #tpu.memory_space<hbm>>
      %dma_start3A_303 = tpu.memref_squeeze %dma_start3A_302 : memref<1x8x128xi32, #tpu.memory_space<hbm>> -> memref<8x128xi32, #tpu.memory_space<hbm>>
      tpu.enqueue_dma source(%dma_start3A_303 : memref<8x128xi32, #tpu.memory_space<hbm>>) target(%dma_start3A_300 : memref<8x128xi32, #tpu.memory_space<vmem>>) target_semaphore(%arg17 : memref<!tpu.dma_semaphore, #tpu.memory_space<semaphore_mem>>)
      %dma_start3A_304 = arith.constant 3 : i32
      %dma_start3A_305 = arith.constant 1 : i32
      %dma_start3A_306 = arith.constant 0 : i32
      %dma_start3A_307 = arith.constant 0 : i32
      %dma_start3A_308 = tpu.memref_slice %arg11[%dma_start3A_305, %dma_start3A_306, %dma_start3A_307] : memref<2x128x128xf32, #tpu.memory_space<vmem>> -> memref<1x128x128xf32, #tpu.memory_space<vmem>>
      %dma_start3A_309 = tpu.memref_squeeze %dma_start3A_308 : memref<1x128x128xf32, #tpu.memory_space<vmem>> -> memref<128x128xf32, #tpu.memory_space<vmem>>
      %dma_start3A_310 = arith.constant 0 : i32
      %dma_start3A_311 = tpu.memref_slice %arg9[%select_n3A_144, %dma_start3A_304, %dma_start3A_310] : memref<2x8x128xi32, #tpu.memory_space<vmem>> -> memref<1x1x128xi32, #tpu.memory_space<vmem>>
      %dma_start3A_312 = tpu.memref_squeeze %dma_start3A_311 : memref<1x1x128xi32, #tpu.memory_space<vmem>> -> memref<128xi32, #tpu.memory_space<vmem>>
      %dma_start3A_313 = arith.constant 0 : i32
      %dma_start3A_314 = arith.constant 0 : i32
      %dma_start3A_315 = tpu.memref_slice %arg2[%dma_start3A_313, %dma_start3A_314] : memref<60032x128xf32, #tpu.memory_space<hbm>> -> memref<60032x128xf32, #tpu.memory_space<hbm>>
      tpu.enqueue_indirect_dma source(%dma_start3A_315 : memref<60032x128xf32, #tpu.memory_space<hbm>>) target(%dma_start3A_309 : memref<128x128xf32, #tpu.memory_space<vmem>>) offsets(%dma_start3A_312 : memref<128xi32, #tpu.memory_space<vmem>>) semaphore(%arg14 : memref<!tpu.dma_semaphore, #tpu.memory_space<semaphore_mem>>)
      %dma_wait3A_316 = arith.constant 0 : i32
      %dma_wait3A_317 = arith.constant 0 : i32
      %dma_wait3A_318 = arith.constant 0 : i32
      %dma_wait3A_319 = tpu.memref_slice %arg11[%dma_wait3A_316, %dma_wait3A_317, %dma_wait3A_318] : memref<2x128x128xf32, #tpu.memory_space<vmem>> -> memref<1x128x128xf32, #tpu.memory_space<vmem>>
      %dma_wait3A_320 = tpu.memref_squeeze %dma_wait3A_319 : memref<1x128x128xf32, #tpu.memory_space<vmem>> -> memref<128x128xf32, #tpu.memory_space<vmem>>
      %dma_wait3A_321 = arith.constant 0 : i32
      %dma_wait3A_322 = arith.constant 0 : i32
      %dma_wait3A_323 = tpu.memref_slice %arg2[%dma_wait3A_321, %dma_wait3A_322] : memref<60032x128xf32, #tpu.memory_space<hbm>> -> memref<128x128xf32, #tpu.memory_space<hbm>>
      %dma_wait3A_324 = arith.constant 0 : i32
      %dma_wait3A_325 = arith.constant 0 : i32
      %dma_wait3A_326 = tpu.memref_slice %arg11[%dma_wait3A_316, %dma_wait3A_324, %dma_wait3A_325] : memref<2x128x128xf32, #tpu.memory_space<vmem>> -> memref<1x128x128xf32, #tpu.memory_space<vmem>>
      %dma_wait3A_327 = tpu.memref_squeeze %dma_wait3A_326 : memref<1x128x128xf32, #tpu.memory_space<vmem>> -> memref<128x128xf32, #tpu.memory_space<vmem>>
      %dma_wait3A_328 = arith.constant 0 : i32
      %dma_wait3A_329 = arith.constant 0 : i32
      %dma_wait3A_330 = tpu.memref_slice %arg2[%dma_wait3A_328, %dma_wait3A_329] : memref<60032x128xf32, #tpu.memory_space<hbm>> -> memref<128x128xf32, #tpu.memory_space<hbm>>
      tpu.wait_dma2 semaphore(%arg13 : memref<!tpu.dma_semaphore, #tpu.memory_space<semaphore_mem>>) src(%dma_wait3A_330 : memref<128x128xf32, #tpu.memory_space<hbm>>) dst(%dma_wait3A_327 : memref<128x128xf32, #tpu.memory_space<vmem>>)
      %dma_start3A_331 = arith.constant 0 : i32
      %dma_start3A_332 = arith.constant 2 : i32
      %dma_start3A_333 = arith.constant 0 : i32
      %dma_start3A_334 = arith.constant 0 : i32
      %dma_start3A_335 = tpu.memref_slice %arg11[%dma_start3A_331, %dma_start3A_333, %dma_start3A_334] : memref<2x128x128xf32, #tpu.memory_space<vmem>> -> memref<1x128x128xf32, #tpu.memory_space<vmem>>
      %dma_start3A_336 = tpu.memref_squeeze %dma_start3A_335 : memref<1x128x128xf32, #tpu.memory_space<vmem>> -> memref<128x128xf32, #tpu.memory_space<vmem>>
      %dma_start3A_337 = arith.constant 0 : i32
      %dma_start3A_338 = tpu.memref_slice %arg10[%select_n3A_144, %dma_start3A_332, %dma_start3A_337] : memref<2x8x128xi32, #tpu.memory_space<vmem>> -> memref<1x1x128xi32, #tpu.memory_space<vmem>>
      %dma_start3A_339 = tpu.memref_squeeze %dma_start3A_338 : memref<1x1x128xi32, #tpu.memory_space<vmem>> -> memref<128xi32, #tpu.memory_space<vmem>>
      %dma_start3A_340 = arith.constant 0 : i32
      %dma_start3A_341 = arith.constant 0 : i32
      %dma_start3A_342 = tpu.memref_slice %arg8[%dma_start3A_340, %dma_start3A_341] : memref<10240x128xf32, #tpu.memory_space<vmem_shared>> -> memref<10240x128xf32, #tpu.memory_space<vmem_shared>>
      tpu.enqueue_indirect_dma source(%dma_start3A_336 : memref<128x128xf32, #tpu.memory_space<vmem>>) target(%dma_start3A_342 : memref<10240x128xf32, #tpu.memory_space<vmem_shared>>) offsets(%dma_start3A_339 : memref<128xi32, #tpu.memory_space<vmem>>) semaphore(%arg15 : memref<!tpu.dma_semaphore, #tpu.memory_space<semaphore_mem>>) {add = true}
      %dma_wait3A_343 = arith.constant 0 : i32
      %dma_wait3A_344 = arith.constant 0 : i32
      %dma_wait3A_345 = arith.constant 0 : i32
      %dma_wait3A_346 = tpu.memref_slice %arg11[%dma_wait3A_343, %dma_wait3A_344, %dma_wait3A_345] : memref<2x128x128xf32, #tpu.memory_space<vmem>> -> memref<1x128x128xf32, #tpu.memory_space<vmem>>
      %dma_wait3A_347 = tpu.memref_squeeze %dma_wait3A_346 : memref<1x128x128xf32, #tpu.memory_space<vmem>> -> memref<128x128xf32, #tpu.memory_space<vmem>>
      %dma_wait3A_348 = arith.constant 0 : i32
      %dma_wait3A_349 = arith.constant 0 : i32
      %dma_wait3A_350 = tpu.memref_slice %arg2[%dma_wait3A_348, %dma_wait3A_349] : memref<60032x128xf32, #tpu.memory_space<hbm>> -> memref<128x128xf32, #tpu.memory_space<hbm>>
      %dma_wait3A_351 = arith.constant 0 : i32
      %dma_wait3A_352 = arith.constant 0 : i32
      %dma_wait3A_353 = tpu.memref_slice %arg11[%dma_wait3A_343, %dma_wait3A_351, %dma_wait3A_352] : memref<2x128x128xf32, #tpu.memory_space<vmem>> -> memref<1x128x128xf32, #tpu.memory_space<vmem>>
      %dma_wait3A_354 = tpu.memref_squeeze %dma_wait3A_353 : memref<1x128x128xf32, #tpu.memory_space<vmem>> -> memref<128x128xf32, #tpu.memory_space<vmem>>
      %dma_wait3A_355 = arith.constant 0 : i32
      %dma_wait3A_356 = arith.constant 0 : i32
      %dma_wait3A_357 = tpu.memref_slice %arg2[%dma_wait3A_355, %dma_wait3A_356] : memref<60032x128xf32, #tpu.memory_space<hbm>> -> memref<128x128xf32, #tpu.memory_space<hbm>>
      tpu.wait_dma2 semaphore(%arg15 : memref<!tpu.dma_semaphore, #tpu.memory_space<semaphore_mem>>) src(%dma_wait3A_357 : memref<128x128xf32, #tpu.memory_space<hbm>>) dst(%dma_wait3A_354 : memref<128x128xf32, #tpu.memory_space<vmem>>)
      %dma_start3A_358 = arith.constant 4 : i32
      %dma_start3A_359 = arith.constant 0 : i32
      %dma_start3A_360 = arith.constant 0 : i32
      %dma_start3A_361 = arith.constant 0 : i32
      %dma_start3A_362 = tpu.memref_slice %arg11[%dma_start3A_359, %dma_start3A_360, %dma_start3A_361] : memref<2x128x128xf32, #tpu.memory_space<vmem>> -> memref<1x128x128xf32, #tpu.memory_space<vmem>>
      %dma_start3A_363 = tpu.memref_squeeze %dma_start3A_362 : memref<1x128x128xf32, #tpu.memory_space<vmem>> -> memref<128x128xf32, #tpu.memory_space<vmem>>
      %dma_start3A_364 = arith.constant 0 : i32
      %dma_start3A_365 = tpu.memref_slice %arg9[%select_n3A_144, %dma_start3A_358, %dma_start3A_364] : memref<2x8x128xi32, #tpu.memory_space<vmem>> -> memref<1x1x128xi32, #tpu.memory_space<vmem>>
      %dma_start3A_366 = tpu.memref_squeeze %dma_start3A_365 : memref<1x1x128xi32, #tpu.memory_space<vmem>> -> memref<128xi32, #tpu.memory_space<vmem>>
      %dma_start3A_367 = arith.constant 0 : i32
      %dma_start3A_368 = arith.constant 0 : i32
      %dma_start3A_369 = tpu.memref_slice %arg2[%dma_start3A_367, %dma_start3A_368] : memref<60032x128xf32, #tpu.memory_space<hbm>> -> memref<60032x128xf32, #tpu.memory_space<hbm>>
      tpu.enqueue_indirect_dma source(%dma_start3A_369 : memref<60032x128xf32, #tpu.memory_space<hbm>>) target(%dma_start3A_363 : memref<128x128xf32, #tpu.memory_space<vmem>>) offsets(%dma_start3A_366 : memref<128xi32, #tpu.memory_space<vmem>>) semaphore(%arg13 : memref<!tpu.dma_semaphore, #tpu.memory_space<semaphore_mem>>)
      %dma_wait3A_370 = arith.constant 1 : i32
      %dma_wait3A_371 = arith.constant 0 : i32
      %dma_wait3A_372 = arith.constant 0 : i32
      %dma_wait3A_373 = tpu.memref_slice %arg11[%dma_wait3A_370, %dma_wait3A_371, %dma_wait3A_372] : memref<2x128x128xf32, #tpu.memory_space<vmem>> -> memref<1x128x128xf32, #tpu.memory_space<vmem>>
      %dma_wait3A_374 = tpu.memref_squeeze %dma_wait3A_373 : memref<1x128x128xf32, #tpu.memory_space<vmem>> -> memref<128x128xf32, #tpu.memory_space<vmem>>
      %dma_wait3A_375 = arith.constant 0 : i32
      %dma_wait3A_376 = arith.constant 0 : i32
      %dma_wait3A_377 = tpu.memref_slice %arg2[%dma_wait3A_375, %dma_wait3A_376] : memref<60032x128xf32, #tpu.memory_space<hbm>> -> memref<128x128xf32, #tpu.memory_space<hbm>>
      %dma_wait3A_378 = arith.constant 0 : i32
      %dma_wait3A_379 = arith.constant 0 : i32
      %dma_wait3A_380 = tpu.memref_slice %arg11[%dma_wait3A_370, %dma_wait3A_378, %dma_wait3A_379] : memref<2x128x128xf32, #tpu.memory_space<vmem>> -> memref<1x128x128xf32, #tpu.memory_space<vmem>>
      %dma_wait3A_381 = tpu.memref_squeeze %dma_wait3A_380 : memref<1x128x128xf32, #tpu.memory_space<vmem>> -> memref<128x128xf32, #tpu.memory_space<vmem>>
      %dma_wait3A_382 = arith.constant 0 : i32
      %dma_wait3A_383 = arith.constant 0 : i32
      %dma_wait3A_384 = tpu.memref_slice %arg2[%dma_wait3A_382, %dma_wait3A_383] : memref<60032x128xf32, #tpu.memory_space<hbm>> -> memref<128x128xf32, #tpu.memory_space<hbm>>
      tpu.wait_dma2 semaphore(%arg14 : memref<!tpu.dma_semaphore, #tpu.memory_space<semaphore_mem>>) src(%dma_wait3A_384 : memref<128x128xf32, #tpu.memory_space<hbm>>) dst(%dma_wait3A_381 : memref<128x128xf32, #tpu.memory_space<vmem>>)
      %dma_start3A_385 = arith.constant 1 : i32
      %dma_start3A_386 = arith.constant 3 : i32
      %dma_start3A_387 = arith.constant 0 : i32
      %dma_start3A_388 = arith.constant 0 : i32
      %dma_start3A_389 = tpu.memref_slice %arg11[%dma_start3A_385, %dma_start3A_387, %dma_start3A_388] : memref<2x128x128xf32, #tpu.memory_space<vmem>> -> memref<1x128x128xf32, #tpu.memory_space<vmem>>
      %dma_start3A_390 = tpu.memref_squeeze %dma_start3A_389 : memref<1x128x128xf32, #tpu.memory_space<vmem>> -> memref<128x128xf32, #tpu.memory_space<vmem>>
      %dma_start3A_391 = arith.constant 0 : i32
      %dma_start3A_392 = tpu.memref_slice %arg10[%select_n3A_144, %dma_start3A_386, %dma_start3A_391] : memref<2x8x128xi32, #tpu.memory_space<vmem>> -> memref<1x1x128xi32, #tpu.memory_space<vmem>>
      %dma_start3A_393 = tpu.memref_squeeze %dma_start3A_392 : memref<1x1x128xi32, #tpu.memory_space<vmem>> -> memref<128xi32, #tpu.memory_space<vmem>>
      %dma_start3A_394 = arith.constant 0 : i32
      %dma_start3A_395 = arith.constant 0 : i32
      %dma_start3A_396 = tpu.memref_slice %arg8[%dma_start3A_394, %dma_start3A_395] : memref<10240x128xf32, #tpu.memory_space<vmem_shared>> -> memref<10240x128xf32, #tpu.memory_space<vmem_shared>>
      tpu.enqueue_indirect_dma source(%dma_start3A_390 : memref<128x128xf32, #tpu.memory_space<vmem>>) target(%dma_start3A_396 : memref<10240x128xf32, #tpu.memory_space<vmem_shared>>) offsets(%dma_start3A_393 : memref<128xi32, #tpu.memory_space<vmem>>) semaphore(%arg16 : memref<!tpu.dma_semaphore, #tpu.memory_space<semaphore_mem>>) {add = true}
      %dma_wait3A_397 = arith.constant 1 : i32
      %dma_wait3A_398 = arith.constant 0 : i32
      %dma_wait3A_399 = arith.constant 0 : i32
      %dma_wait3A_400 = tpu.memref_slice %arg11[%dma_wait3A_397, %dma_wait3A_398, %dma_wait3A_399] : memref<2x128x128xf32, #tpu.memory_space<vmem>> -> memref<1x128x128xf32, #tpu.memory_space<vmem>>
      %dma_wait3A_401 = tpu.memref_squeeze %dma_wait3A_400 : memref<1x128x128xf32, #tpu.memory_space<vmem>> -> memref<128x128xf32, #tpu.memory_space<vmem>>
      %dma_wait3A_402 = arith.constant 0 : i32
      %dma_wait3A_403 = arith.constant 0 : i32
      %dma_wait3A_404 = tpu.memref_slice %arg2[%dma_wait3A_402, %dma_wait3A_403] : memref<60032x128xf32, #tpu.memory_space<hbm>> -> memref<128x128xf32, #tpu.memory_space<hbm>>
      %dma_wait3A_405 = arith.constant 0 : i32
      %dma_wait3A_406 = arith.constant 0 : i32
      %dma_wait3A_407 = tpu.memref_slice %arg11[%dma_wait3A_397, %dma_wait3A_405, %dma_wait3A_406] : memref<2x128x128xf32, #tpu.memory_space<vmem>> -> memref<1x128x128xf32, #tpu.memory_space<vmem>>
      %dma_wait3A_408 = tpu.memref_squeeze %dma_wait3A_407 : memref<1x128x128xf32, #tpu.memory_space<vmem>> -> memref<128x128xf32, #tpu.memory_space<vmem>>
      %dma_wait3A_409 = arith.constant 0 : i32
      %dma_wait3A_410 = arith.constant 0 : i32
      %dma_wait3A_411 = tpu.memref_slice %arg2[%dma_wait3A_409, %dma_wait3A_410] : memref<60032x128xf32, #tpu.memory_space<hbm>> -> memref<128x128xf32, #tpu.memory_space<hbm>>
      tpu.wait_dma2 semaphore(%arg16 : memref<!tpu.dma_semaphore, #tpu.memory_space<semaphore_mem>>) src(%dma_wait3A_411 : memref<128x128xf32, #tpu.memory_space<hbm>>) dst(%dma_wait3A_408 : memref<128x128xf32, #tpu.memory_space<vmem>>)
      %dma_start3A_412 = arith.constant 5 : i32
      %dma_start3A_413 = arith.constant 1 : i32
      %dma_start3A_414 = arith.constant 0 : i32
      %dma_start3A_415 = arith.constant 0 : i32
      %dma_start3A_416 = tpu.memref_slice %arg11[%dma_start3A_413, %dma_start3A_414, %dma_start3A_415] : memref<2x128x128xf32, #tpu.memory_space<vmem>> -> memref<1x128x128xf32, #tpu.memory_space<vmem>>
      %dma_start3A_417 = tpu.memref_squeeze %dma_start3A_416 : memref<1x128x128xf32, #tpu.memory_space<vmem>> -> memref<128x128xf32, #tpu.memory_space<vmem>>
      %dma_start3A_418 = arith.constant 0 : i32
      %dma_start3A_419 = tpu.memref_slice %arg9[%select_n3A_144, %dma_start3A_412, %dma_start3A_418] : memref<2x8x128xi32, #tpu.memory_space<vmem>> -> memref<1x1x128xi32, #tpu.memory_space<vmem>>
      %dma_start3A_420 = tpu.memref_squeeze %dma_start3A_419 : memref<1x1x128xi32, #tpu.memory_space<vmem>> -> memref<128xi32, #tpu.memory_space<vmem>>
      %dma_start3A_421 = arith.constant 0 : i32
      %dma_start3A_422 = arith.constant 0 : i32
      %dma_start3A_423 = tpu.memref_slice %arg2[%dma_start3A_421, %dma_start3A_422] : memref<60032x128xf32, #tpu.memory_space<hbm>> -> memref<60032x128xf32, #tpu.memory_space<hbm>>
      tpu.enqueue_indirect_dma source(%dma_start3A_423 : memref<60032x128xf32, #tpu.memory_space<hbm>>) target(%dma_start3A_417 : memref<128x128xf32, #tpu.memory_space<vmem>>) offsets(%dma_start3A_420 : memref<128xi32, #tpu.memory_space<vmem>>) semaphore(%arg14 : memref<!tpu.dma_semaphore, #tpu.memory_space<semaphore_mem>>)
      %dma_wait3A_424 = arith.constant 0 : i32
      %dma_wait3A_425 = arith.constant 0 : i32
      %dma_wait3A_426 = arith.constant 0 : i32
      %dma_wait3A_427 = tpu.memref_slice %arg11[%dma_wait3A_424, %dma_wait3A_425, %dma_wait3A_426] : memref<2x128x128xf32, #tpu.memory_space<vmem>> -> memref<1x128x128xf32, #tpu.memory_space<vmem>>
      %dma_wait3A_428 = tpu.memref_squeeze %dma_wait3A_427 : memref<1x128x128xf32, #tpu.memory_space<vmem>> -> memref<128x128xf32, #tpu.memory_space<vmem>>
      %dma_wait3A_429 = arith.constant 0 : i32
      %dma_wait3A_430 = arith.constant 0 : i32
      %dma_wait3A_431 = tpu.memref_slice %arg2[%dma_wait3A_429, %dma_wait3A_430] : memref<60032x128xf32, #tpu.memory_space<hbm>> -> memref<128x128xf32, #tpu.memory_space<hbm>>
      %dma_wait3A_432 = arith.constant 0 : i32
      %dma_wait3A_433 = arith.constant 0 : i32
      %dma_wait3A_434 = tpu.memref_slice %arg11[%dma_wait3A_424, %dma_wait3A_432, %dma_wait3A_433] : memref<2x128x128xf32, #tpu.memory_space<vmem>> -> memref<1x128x128xf32, #tpu.memory_space<vmem>>
      %dma_wait3A_435 = tpu.memref_squeeze %dma_wait3A_434 : memref<1x128x128xf32, #tpu.memory_space<vmem>> -> memref<128x128xf32, #tpu.memory_space<vmem>>
      %dma_wait3A_436 = arith.constant 0 : i32
      %dma_wait3A_437 = arith.constant 0 : i32
      %dma_wait3A_438 = tpu.memref_slice %arg2[%dma_wait3A_436, %dma_wait3A_437] : memref<60032x128xf32, #tpu.memory_space<hbm>> -> memref<128x128xf32, #tpu.memory_space<hbm>>
      tpu.wait_dma2 semaphore(%arg13 : memref<!tpu.dma_semaphore, #tpu.memory_space<semaphore_mem>>) src(%dma_wait3A_438 : memref<128x128xf32, #tpu.memory_space<hbm>>) dst(%dma_wait3A_435 : memref<128x128xf32, #tpu.memory_space<vmem>>)
      %dma_start3A_439 = arith.constant 0 : i32
      %dma_start3A_440 = arith.constant 4 : i32
      %dma_start3A_441 = arith.constant 0 : i32
      %dma_start3A_442 = arith.constant 0 : i32
      %dma_start3A_443 = tpu.memref_slice %arg11[%dma_start3A_439, %dma_start3A_441, %dma_start3A_442] : memref<2x128x128xf32, #tpu.memory_space<vmem>> -> memref<1x128x128xf32, #tpu.memory_space<vmem>>
      %dma_start3A_444 = tpu.memref_squeeze %dma_start3A_443 : memref<1x128x128xf32, #tpu.memory_space<vmem>> -> memref<128x128xf32, #tpu.memory_space<vmem>>
      %dma_start3A_445 = arith.constant 0 : i32
      %dma_start3A_446 = tpu.memref_slice %arg10[%select_n3A_144, %dma_start3A_440, %dma_start3A_445] : memref<2x8x128xi32, #tpu.memory_space<vmem>> -> memref<1x1x128xi32, #tpu.memory_space<vmem>>
      %dma_start3A_447 = tpu.memref_squeeze %dma_start3A_446 : memref<1x1x128xi32, #tpu.memory_space<vmem>> -> memref<128xi32, #tpu.memory_space<vmem>>
      %dma_start3A_448 = arith.constant 0 : i32
      %dma_start3A_449 = arith.constant 0 : i32
      %dma_start3A_450 = tpu.memref_slice %arg8[%dma_start3A_448, %dma_start3A_449] : memref<10240x128xf32, #tpu.memory_space<vmem_shared>> -> memref<10240x128xf32, #tpu.memory_space<vmem_shared>>
      tpu.enqueue_indirect_dma source(%dma_start3A_444 : memref<128x128xf32, #tpu.memory_space<vmem>>) target(%dma_start3A_450 : memref<10240x128xf32, #tpu.memory_space<vmem_shared>>) offsets(%dma_start3A_447 : memref<128xi32, #tpu.memory_space<vmem>>) semaphore(%arg15 : memref<!tpu.dma_semaphore, #tpu.memory_space<semaphore_mem>>) {add = true}
      %dma_wait3A_451 = arith.constant 0 : i32
      %dma_wait3A_452 = arith.constant 0 : i32
      %dma_wait3A_453 = arith.constant 0 : i32
      %dma_wait3A_454 = tpu.memref_slice %arg11[%dma_wait3A_451, %dma_wait3A_452, %dma_wait3A_453] : memref<2x128x128xf32, #tpu.memory_space<vmem>> -> memref<1x128x128xf32, #tpu.memory_space<vmem>>
      %dma_wait3A_455 = tpu.memref_squeeze %dma_wait3A_454 : memref<1x128x128xf32, #tpu.memory_space<vmem>> -> memref<128x128xf32, #tpu.memory_space<vmem>>
      %dma_wait3A_456 = arith.constant 0 : i32
      %dma_wait3A_457 = arith.constant 0 : i32
      %dma_wait3A_458 = tpu.memref_slice %arg2[%dma_wait3A_456, %dma_wait3A_457] : memref<60032x128xf32, #tpu.memory_space<hbm>> -> memref<128x128xf32, #tpu.memory_space<hbm>>
      %dma_wait3A_459 = arith.constant 0 : i32
      %dma_wait3A_460 = arith.constant 0 : i32
      %dma_wait3A_461 = tpu.memref_slice %arg11[%dma_wait3A_451, %dma_wait3A_459, %dma_wait3A_460] : memref<2x128x128xf32, #tpu.memory_space<vmem>> -> memref<1x128x128xf32, #tpu.memory_space<vmem>>
      %dma_wait3A_462 = tpu.memref_squeeze %dma_wait3A_461 : memref<1x128x128xf32, #tpu.memory_space<vmem>> -> memref<128x128xf32, #tpu.memory_space<vmem>>
      %dma_wait3A_463 = arith.constant 0 : i32
      %dma_wait3A_464 = arith.constant 0 : i32
      %dma_wait3A_465 = tpu.memref_slice %arg2[%dma_wait3A_463, %dma_wait3A_464] : memref<60032x128xf32, #tpu.memory_space<hbm>> -> memref<128x128xf32, #tpu.memory_space<hbm>>
      tpu.wait_dma2 semaphore(%arg15 : memref<!tpu.dma_semaphore, #tpu.memory_space<semaphore_mem>>) src(%dma_wait3A_465 : memref<128x128xf32, #tpu.memory_space<hbm>>) dst(%dma_wait3A_462 : memref<128x128xf32, #tpu.memory_space<vmem>>)
      %dma_start3A_466 = arith.constant 6 : i32
      %dma_start3A_467 = arith.constant 0 : i32
      %dma_start3A_468 = arith.constant 0 : i32
      %dma_start3A_469 = arith.constant 0 : i32
      %dma_start3A_470 = tpu.memref_slice %arg11[%dma_start3A_467, %dma_start3A_468, %dma_start3A_469] : memref<2x128x128xf32, #tpu.memory_space<vmem>> -> memref<1x128x128xf32, #tpu.memory_space<vmem>>
      %dma_start3A_471 = tpu.memref_squeeze %dma_start3A_470 : memref<1x128x128xf32, #tpu.memory_space<vmem>> -> memref<128x128xf32, #tpu.memory_space<vmem>>
      %dma_start3A_472 = arith.constant 0 : i32
      %dma_start3A_473 = tpu.memref_slice %arg9[%select_n3A_144, %dma_start3A_466, %dma_start3A_472] : memref<2x8x128xi32, #tpu.memory_space<vmem>> -> memref<1x1x128xi32, #tpu.memory_space<vmem>>
      %dma_start3A_474 = tpu.memref_squeeze %dma_start3A_473 : memref<1x1x128xi32, #tpu.memory_space<vmem>> -> memref<128xi32, #tpu.memory_space<vmem>>
      %dma_start3A_475 = arith.constant 0 : i32
      %dma_start3A_476 = arith.constant 0 : i32
      %dma_start3A_477 = tpu.memref_slice %arg2[%dma_start3A_475, %dma_start3A_476] : memref<60032x128xf32, #tpu.memory_space<hbm>> -> memref<60032x128xf32, #tpu.memory_space<hbm>>
      tpu.enqueue_indirect_dma source(%dma_start3A_477 : memref<60032x128xf32, #tpu.memory_space<hbm>>) target(%dma_start3A_471 : memref<128x128xf32, #tpu.memory_space<vmem>>) offsets(%dma_start3A_474 : memref<128xi32, #tpu.memory_space<vmem>>) semaphore(%arg13 : memref<!tpu.dma_semaphore, #tpu.memory_space<semaphore_mem>>)
      %dma_wait3A_478 = arith.constant 1 : i32
      %dma_wait3A_479 = arith.constant 0 : i32
      %dma_wait3A_480 = arith.constant 0 : i32
      %dma_wait3A_481 = tpu.memref_slice %arg11[%dma_wait3A_478, %dma_wait3A_479, %dma_wait3A_480] : memref<2x128x128xf32, #tpu.memory_space<vmem>> -> memref<1x128x128xf32, #tpu.memory_space<vmem>>
      %dma_wait3A_482 = tpu.memref_squeeze %dma_wait3A_481 : memref<1x128x128xf32, #tpu.memory_space<vmem>> -> memref<128x128xf32, #tpu.memory_space<vmem>>
      %dma_wait3A_483 = arith.constant 0 : i32
      %dma_wait3A_484 = arith.constant 0 : i32
      %dma_wait3A_485 = tpu.memref_slice %arg2[%dma_wait3A_483, %dma_wait3A_484] : memref<60032x128xf32, #tpu.memory_space<hbm>> -> memref<128x128xf32, #tpu.memory_space<hbm>>
      %dma_wait3A_486 = arith.constant 0 : i32
      %dma_wait3A_487 = arith.constant 0 : i32
      %dma_wait3A_488 = tpu.memref_slice %arg11[%dma_wait3A_478, %dma_wait3A_486, %dma_wait3A_487] : memref<2x128x128xf32, #tpu.memory_space<vmem>> -> memref<1x128x128xf32, #tpu.memory_space<vmem>>
      %dma_wait3A_489 = tpu.memref_squeeze %dma_wait3A_488 : memref<1x128x128xf32, #tpu.memory_space<vmem>> -> memref<128x128xf32, #tpu.memory_space<vmem>>
      %dma_wait3A_490 = arith.constant 0 : i32
      %dma_wait3A_491 = arith.constant 0 : i32
      %dma_wait3A_492 = tpu.memref_slice %arg2[%dma_wait3A_490, %dma_wait3A_491] : memref<60032x128xf32, #tpu.memory_space<hbm>> -> memref<128x128xf32, #tpu.memory_space<hbm>>
      tpu.wait_dma2 semaphore(%arg14 : memref<!tpu.dma_semaphore, #tpu.memory_space<semaphore_mem>>) src(%dma_wait3A_492 : memref<128x128xf32, #tpu.memory_space<hbm>>) dst(%dma_wait3A_489 : memref<128x128xf32, #tpu.memory_space<vmem>>)
      %dma_start3A_493 = arith.constant 1 : i32
      %dma_start3A_494 = arith.constant 5 : i32
      %dma_start3A_495 = arith.constant 0 : i32
      %dma_start3A_496 = arith.constant 0 : i32
      %dma_start3A_497 = tpu.memref_slice %arg11[%dma_start3A_493, %dma_start3A_495, %dma_start3A_496] : memref<2x128x128xf32, #tpu.memory_space<vmem>> -> memref<1x128x128xf32, #tpu.memory_space<vmem>>
      %dma_start3A_498 = tpu.memref_squeeze %dma_start3A_497 : memref<1x128x128xf32, #tpu.memory_space<vmem>> -> memref<128x128xf32, #tpu.memory_space<vmem>>
      %dma_start3A_499 = arith.constant 0 : i32
      %dma_start3A_500 = tpu.memref_slice %arg10[%select_n3A_144, %dma_start3A_494, %dma_start3A_499] : memref<2x8x128xi32, #tpu.memory_space<vmem>> -> memref<1x1x128xi32, #tpu.memory_space<vmem>>
      %dma_start3A_501 = tpu.memref_squeeze %dma_start3A_500 : memref<1x1x128xi32, #tpu.memory_space<vmem>> -> memref<128xi32, #tpu.memory_space<vmem>>
      %dma_start3A_502 = arith.constant 0 : i32
      %dma_start3A_503 = arith.constant 0 : i32
      %dma_start3A_504 = tpu.memref_slice %arg8[%dma_start3A_502, %dma_start3A_503] : memref<10240x128xf32, #tpu.memory_space<vmem_shared>> -> memref<10240x128xf32, #tpu.memory_space<vmem_shared>>
      tpu.enqueue_indirect_dma source(%dma_start3A_498 : memref<128x128xf32, #tpu.memory_space<vmem>>) target(%dma_start3A_504 : memref<10240x128xf32, #tpu.memory_space<vmem_shared>>) offsets(%dma_start3A_501 : memref<128xi32, #tpu.memory_space<vmem>>) semaphore(%arg16 : memref<!tpu.dma_semaphore, #tpu.memory_space<semaphore_mem>>) {add = true}
      %dma_wait3A_505 = arith.constant 1 : i32
      %dma_wait3A_506 = arith.constant 0 : i32
      %dma_wait3A_507 = arith.constant 0 : i32
      %dma_wait3A_508 = tpu.memref_slice %arg11[%dma_wait3A_505, %dma_wait3A_506, %dma_wait3A_507] : memref<2x128x128xf32, #tpu.memory_space<vmem>> -> memref<1x128x128xf32, #tpu.memory_space<vmem>>
      %dma_wait3A_509 = tpu.memref_squeeze %dma_wait3A_508 : memref<1x128x128xf32, #tpu.memory_space<vmem>> -> memref<128x128xf32, #tpu.memory_space<vmem>>
      %dma_wait3A_510 = arith.constant 0 : i32
      %dma_wait3A_511 = arith.constant 0 : i32
      %dma_wait3A_512 = tpu.memref_slice %arg2[%dma_wait3A_510, %dma_wait3A_511] : memref<60032x128xf32, #tpu.memory_space<hbm>> -> memref<128x128xf32, #tpu.memory_space<hbm>>
      %dma_wait3A_513 = arith.constant 0 : i32
      %dma_wait3A_514 = arith.constant 0 : i32
      %dma_wait3A_515 = tpu.memref_slice %arg11[%dma_wait3A_505, %dma_wait3A_513, %dma_wait3A_514] : memref<2x128x128xf32, #tpu.memory_space<vmem>> -> memref<1x128x128xf32, #tpu.memory_space<vmem>>
      %dma_wait3A_516 = tpu.memref_squeeze %dma_wait3A_515 : memref<1x128x128xf32, #tpu.memory_space<vmem>> -> memref<128x128xf32, #tpu.memory_space<vmem>>
      %dma_wait3A_517 = arith.constant 0 : i32
      %dma_wait3A_518 = arith.constant 0 : i32
      %dma_wait3A_519 = tpu.memref_slice %arg2[%dma_wait3A_517, %dma_wait3A_518] : memref<60032x128xf32, #tpu.memory_space<hbm>> -> memref<128x128xf32, #tpu.memory_space<hbm>>
      tpu.wait_dma2 semaphore(%arg16 : memref<!tpu.dma_semaphore, #tpu.memory_space<semaphore_mem>>) src(%dma_wait3A_519 : memref<128x128xf32, #tpu.memory_space<hbm>>) dst(%dma_wait3A_516 : memref<128x128xf32, #tpu.memory_space<vmem>>)
      %dma_start3A_520 = arith.constant 7 : i32
      %dma_start3A_521 = arith.constant 1 : i32
      %dma_start3A_522 = arith.constant 0 : i32
      %dma_start3A_523 = arith.constant 0 : i32
      %dma_start3A_524 = tpu.memref_slice %arg11[%dma_start3A_521, %dma_start3A_522, %dma_start3A_523] : memref<2x128x128xf32, #tpu.memory_space<vmem>> -> memref<1x128x128xf32, #tpu.memory_space<vmem>>
      %dma_start3A_525 = tpu.memref_squeeze %dma_start3A_524 : memref<1x128x128xf32, #tpu.memory_space<vmem>> -> memref<128x128xf32, #tpu.memory_space<vmem>>
      %dma_start3A_526 = arith.constant 0 : i32
      %dma_start3A_527 = tpu.memref_slice %arg9[%select_n3A_144, %dma_start3A_520, %dma_start3A_526] : memref<2x8x128xi32, #tpu.memory_space<vmem>> -> memref<1x1x128xi32, #tpu.memory_space<vmem>>
      %dma_start3A_528 = tpu.memref_squeeze %dma_start3A_527 : memref<1x1x128xi32, #tpu.memory_space<vmem>> -> memref<128xi32, #tpu.memory_space<vmem>>
      %dma_start3A_529 = arith.constant 0 : i32
      %dma_start3A_530 = arith.constant 0 : i32
      %dma_start3A_531 = tpu.memref_slice %arg2[%dma_start3A_529, %dma_start3A_530] : memref<60032x128xf32, #tpu.memory_space<hbm>> -> memref<60032x128xf32, #tpu.memory_space<hbm>>
      tpu.enqueue_indirect_dma source(%dma_start3A_531 : memref<60032x128xf32, #tpu.memory_space<hbm>>) target(%dma_start3A_525 : memref<128x128xf32, #tpu.memory_space<vmem>>) offsets(%dma_start3A_528 : memref<128xi32, #tpu.memory_space<vmem>>) semaphore(%arg14 : memref<!tpu.dma_semaphore, #tpu.memory_space<semaphore_mem>>)
      %dma_wait3A_532 = arith.constant 0 : i32
      %dma_wait3A_533 = arith.constant 0 : i32
      %dma_wait3A_534 = arith.constant 0 : i32
      %dma_wait3A_535 = tpu.memref_slice %arg11[%dma_wait3A_532, %dma_wait3A_533, %dma_wait3A_534] : memref<2x128x128xf32, #tpu.memory_space<vmem>> -> memref<1x128x128xf32, #tpu.memory_space<vmem>>
      %dma_wait3A_536 = tpu.memref_squeeze %dma_wait3A_535 : memref<1x128x128xf32, #tpu.memory_space<vmem>> -> memref<128x128xf32, #tpu.memory_space<vmem>>
      %dma_wait3A_537 = arith.constant 0 : i32
      %dma_wait3A_538 = arith.constant 0 : i32
      %dma_wait3A_539 = tpu.memref_slice %arg2[%dma_wait3A_537, %dma_wait3A_538] : memref<60032x128xf32, #tpu.memory_space<hbm>> -> memref<128x128xf32, #tpu.memory_space<hbm>>
      %dma_wait3A_540 = arith.constant 0 : i32
      %dma_wait3A_541 = arith.constant 0 : i32
      %dma_wait3A_542 = tpu.memref_slice %arg11[%dma_wait3A_532, %dma_wait3A_540, %dma_wait3A_541] : memref<2x128x128xf32, #tpu.memory_space<vmem>> -> memref<1x128x128xf32, #tpu.memory_space<vmem>>
      %dma_wait3A_543 = tpu.memref_squeeze %dma_wait3A_542 : memref<1x128x128xf32, #tpu.memory_space<vmem>> -> memref<128x128xf32, #tpu.memory_space<vmem>>
      %dma_wait3A_544 = arith.constant 0 : i32
      %dma_wait3A_545 = arith.constant 0 : i32
      %dma_wait3A_546 = tpu.memref_slice %arg2[%dma_wait3A_544, %dma_wait3A_545] : memref<60032x128xf32, #tpu.memory_space<hbm>> -> memref<128x128xf32, #tpu.memory_space<hbm>>
      tpu.wait_dma2 semaphore(%arg13 : memref<!tpu.dma_semaphore, #tpu.memory_space<semaphore_mem>>) src(%dma_wait3A_546 : memref<128x128xf32, #tpu.memory_space<hbm>>) dst(%dma_wait3A_543 : memref<128x128xf32, #tpu.memory_space<vmem>>)
      %dma_start3A_547 = arith.constant 0 : i32
      %dma_start3A_548 = arith.constant 6 : i32
      %dma_start3A_549 = arith.constant 0 : i32
      %dma_start3A_550 = arith.constant 0 : i32
      %dma_start3A_551 = tpu.memref_slice %arg11[%dma_start3A_547, %dma_start3A_549, %dma_start3A_550] : memref<2x128x128xf32, #tpu.memory_space<vmem>> -> memref<1x128x128xf32, #tpu.memory_space<vmem>>
      %dma_start3A_552 = tpu.memref_squeeze %dma_start3A_551 : memref<1x128x128xf32, #tpu.memory_space<vmem>> -> memref<128x128xf32, #tpu.memory_space<vmem>>
      %dma_start3A_553 = arith.constant 0 : i32
      %dma_start3A_554 = tpu.memref_slice %arg10[%select_n3A_144, %dma_start3A_548, %dma_start3A_553] : memref<2x8x128xi32, #tpu.memory_space<vmem>> -> memref<1x1x128xi32, #tpu.memory_space<vmem>>
      %dma_start3A_555 = tpu.memref_squeeze %dma_start3A_554 : memref<1x1x128xi32, #tpu.memory_space<vmem>> -> memref<128xi32, #tpu.memory_space<vmem>>
      %dma_start3A_556 = arith.constant 0 : i32
      %dma_start3A_557 = arith.constant 0 : i32
      %dma_start3A_558 = tpu.memref_slice %arg8[%dma_start3A_556, %dma_start3A_557] : memref<10240x128xf32, #tpu.memory_space<vmem_shared>> -> memref<10240x128xf32, #tpu.memory_space<vmem_shared>>
      tpu.enqueue_indirect_dma source(%dma_start3A_552 : memref<128x128xf32, #tpu.memory_space<vmem>>) target(%dma_start3A_558 : memref<10240x128xf32, #tpu.memory_space<vmem_shared>>) offsets(%dma_start3A_555 : memref<128xi32, #tpu.memory_space<vmem>>) semaphore(%arg15 : memref<!tpu.dma_semaphore, #tpu.memory_space<semaphore_mem>>) {add = true}
      %dma_wait3A_559 = arith.constant 0 : i32
      %dma_wait3A_560 = arith.constant 0 : i32
      %dma_wait3A_561 = arith.constant 0 : i32
      %dma_wait3A_562 = tpu.memref_slice %arg11[%dma_wait3A_559, %dma_wait3A_560, %dma_wait3A_561] : memref<2x128x128xf32, #tpu.memory_space<vmem>> -> memref<1x128x128xf32, #tpu.memory_space<vmem>>
      %dma_wait3A_563 = tpu.memref_squeeze %dma_wait3A_562 : memref<1x128x128xf32, #tpu.memory_space<vmem>> -> memref<128x128xf32, #tpu.memory_space<vmem>>
      %dma_wait3A_564 = arith.constant 0 : i32
      %dma_wait3A_565 = arith.constant 0 : i32
      %dma_wait3A_566 = tpu.memref_slice %arg2[%dma_wait3A_564, %dma_wait3A_565] : memref<60032x128xf32, #tpu.memory_space<hbm>> -> memref<128x128xf32, #tpu.memory_space<hbm>>
      %dma_wait3A_567 = arith.constant 0 : i32
      %dma_wait3A_568 = arith.constant 0 : i32
      %dma_wait3A_569 = tpu.memref_slice %arg11[%dma_wait3A_559, %dma_wait3A_567, %dma_wait3A_568] : memref<2x128x128xf32, #tpu.memory_space<vmem>> -> memref<1x128x128xf32, #tpu.memory_space<vmem>>
      %dma_wait3A_570 = tpu.memref_squeeze %dma_wait3A_569 : memref<1x128x128xf32, #tpu.memory_space<vmem>> -> memref<128x128xf32, #tpu.memory_space<vmem>>
      %dma_wait3A_571 = arith.constant 0 : i32
      %dma_wait3A_572 = arith.constant 0 : i32
      %dma_wait3A_573 = tpu.memref_slice %arg2[%dma_wait3A_571, %dma_wait3A_572] : memref<60032x128xf32, #tpu.memory_space<hbm>> -> memref<128x128xf32, #tpu.memory_space<hbm>>
      tpu.wait_dma2 semaphore(%arg15 : memref<!tpu.dma_semaphore, #tpu.memory_space<semaphore_mem>>) src(%dma_wait3A_573 : memref<128x128xf32, #tpu.memory_space<hbm>>) dst(%dma_wait3A_570 : memref<128x128xf32, #tpu.memory_space<vmem>>)
      %dma_wait3A_574 = arith.constant 0 : i32
      %dma_wait3A_575 = arith.constant 0 : i32
      %dma_wait3A_576 = arith.constant 0 : i32
      %dma_wait3A_577 = tpu.memref_slice %arg9[%dma_wait3A_574, %dma_wait3A_575, %dma_wait3A_576] : memref<2x8x128xi32, #tpu.memory_space<vmem>> -> memref<1x8x128xi32, #tpu.memory_space<vmem>>
      %dma_wait3A_578 = tpu.memref_squeeze %dma_wait3A_577 : memref<1x8x128xi32, #tpu.memory_space<vmem>> -> memref<8x128xi32, #tpu.memory_space<vmem>>
      %dma_wait3A_579 = arith.constant 0 : i32
      %dma_wait3A_580 = arith.constant 0 : i32
      %dma_wait3A_581 = tpu.memref_slice %arg3[%add3A_72, %arg1, %dma_wait3A_579, %dma_wait3A_580] : memref<4x16x160x128xi32, #tpu.memory_space<hbm>> -> memref<1x1x8x128xi32, #tpu.memory_space<hbm>>
      %dma_wait3A_582 = tpu.memref_squeeze %dma_wait3A_581 : memref<1x1x8x128xi32, #tpu.memory_space<hbm>> -> memref<8x128xi32, #tpu.memory_space<hbm>>
      %dma_wait3A_583 = arith.constant 0 : i32
      %dma_wait3A_584 = arith.constant 0 : i32
      %dma_wait3A_585 = tpu.memref_slice %arg9[%dma_wait3A_574, %dma_wait3A_583, %dma_wait3A_584] : memref<2x8x128xi32, #tpu.memory_space<vmem>> -> memref<1x8x128xi32, #tpu.memory_space<vmem>>
      %dma_wait3A_586 = tpu.memref_squeeze %dma_wait3A_585 : memref<1x8x128xi32, #tpu.memory_space<vmem>> -> memref<8x128xi32, #tpu.memory_space<vmem>>
      %dma_wait3A_587 = arith.constant 0 : i32
      %dma_wait3A_588 = arith.constant 0 : i32
      %dma_wait3A_589 = tpu.memref_slice %arg3[%add3A_72, %arg1, %dma_wait3A_587, %dma_wait3A_588] : memref<4x16x160x128xi32, #tpu.memory_space<hbm>> -> memref<1x1x8x128xi32, #tpu.memory_space<hbm>>
      %dma_wait3A_590 = tpu.memref_squeeze %dma_wait3A_589 : memref<1x1x8x128xi32, #tpu.memory_space<hbm>> -> memref<8x128xi32, #tpu.memory_space<hbm>>
      tpu.wait_dma2 semaphore(%arg17 : memref<!tpu.dma_semaphore, #tpu.memory_space<semaphore_mem>>) src(%dma_wait3A_590 : memref<8x128xi32, #tpu.memory_space<hbm>>) dst(%dma_wait3A_586 : memref<8x128xi32, #tpu.memory_space<vmem>>)
      %dma_wait3A_591 = arith.constant 0 : i32
      %dma_wait3A_592 = arith.constant 0 : i32
      %dma_wait3A_593 = arith.constant 0 : i32
      %dma_wait3A_594 = tpu.memref_slice %arg9[%dma_wait3A_591, %dma_wait3A_592, %dma_wait3A_593] : memref<2x8x128xi32, #tpu.memory_space<vmem>> -> memref<1x8x128xi32, #tpu.memory_space<vmem>>
      %dma_wait3A_595 = tpu.memref_squeeze %dma_wait3A_594 : memref<1x8x128xi32, #tpu.memory_space<vmem>> -> memref<8x128xi32, #tpu.memory_space<vmem>>
      %dma_wait3A_596 = arith.constant 0 : i32
      %dma_wait3A_597 = arith.constant 0 : i32
      %dma_wait3A_598 = tpu.memref_slice %arg3[%add3A_72, %arg1, %dma_wait3A_596, %dma_wait3A_597] : memref<4x16x160x128xi32, #tpu.memory_space<hbm>> -> memref<1x1x8x128xi32, #tpu.memory_space<hbm>>
      %dma_wait3A_599 = tpu.memref_squeeze %dma_wait3A_598 : memref<1x1x8x128xi32, #tpu.memory_space<hbm>> -> memref<8x128xi32, #tpu.memory_space<hbm>>
      %dma_wait3A_600 = arith.constant 0 : i32
      %dma_wait3A_601 = arith.constant 0 : i32
      %dma_wait3A_602 = tpu.memref_slice %arg9[%dma_wait3A_591, %dma_wait3A_600, %dma_wait3A_601] : memref<2x8x128xi32, #tpu.memory_space<vmem>> -> memref<1x8x128xi32, #tpu.memory_space<vmem>>
      %dma_wait3A_603 = tpu.memref_squeeze %dma_wait3A_602 : memref<1x8x128xi32, #tpu.memory_space<vmem>> -> memref<8x128xi32, #tpu.memory_space<vmem>>
      %dma_wait3A_604 = arith.constant 0 : i32
      %dma_wait3A_605 = arith.constant 0 : i32
      %dma_wait3A_606 = tpu.memref_slice %arg3[%add3A_72, %arg1, %dma_wait3A_604, %dma_wait3A_605] : memref<4x16x160x128xi32, #tpu.memory_space<hbm>> -> memref<1x1x8x128xi32, #tpu.memory_space<hbm>>
      %dma_wait3A_607 = tpu.memref_squeeze %dma_wait3A_606 : memref<1x1x8x128xi32, #tpu.memory_space<hbm>> -> memref<8x128xi32, #tpu.memory_space<hbm>>
      tpu.wait_dma2 semaphore(%arg17 : memref<!tpu.dma_semaphore, #tpu.memory_space<semaphore_mem>>) src(%dma_wait3A_607 : memref<8x128xi32, #tpu.memory_space<hbm>>) dst(%dma_wait3A_603 : memref<8x128xi32, #tpu.memory_space<vmem>>)
      %dma_start3A_608 = arith.constant 0 : i32
      %dma_start3A_609 = arith.constant 0 : i32
      %dma_start3A_610 = arith.constant 0 : i32
      %dma_start3A_611 = arith.constant 0 : i32
      %dma_start3A_612 = tpu.memref_slice %arg11[%dma_start3A_609, %dma_start3A_610, %dma_start3A_611] : memref<2x128x128xf32, #tpu.memory_space<vmem>> -> memref<1x128x128xf32, #tpu.memory_space<vmem>>
      %dma_start3A_613 = tpu.memref_squeeze %dma_start3A_612 : memref<1x128x128xf32, #tpu.memory_space<vmem>> -> memref<128x128xf32, #tpu.memory_space<vmem>>
      %dma_start3A_614 = arith.constant 0 : i32
      %dma_start3A_615 = tpu.memref_slice %arg9[%sub3A_145, %dma_start3A_608, %dma_start3A_614] : memref<2x8x128xi32, #tpu.memory_space<vmem>> -> memref<1x1x128xi32, #tpu.memory_space<vmem>>
      %dma_start3A_616 = tpu.memref_squeeze %dma_start3A_615 : memref<1x1x128xi32, #tpu.memory_space<vmem>> -> memref<128xi32, #tpu.memory_space<vmem>>
      %dma_start3A_617 = arith.constant 0 : i32
      %dma_start3A_618 = arith.constant 0 : i32
      %dma_start3A_619 = tpu.memref_slice %arg2[%dma_start3A_617, %dma_start3A_618] : memref<60032x128xf32, #tpu.memory_space<hbm>> -> memref<60032x128xf32, #tpu.memory_space<hbm>>
      tpu.enqueue_indirect_dma source(%dma_start3A_619 : memref<60032x128xf32, #tpu.memory_space<hbm>>) target(%dma_start3A_613 : memref<128x128xf32, #tpu.memory_space<vmem>>) offsets(%dma_start3A_616 : memref<128xi32, #tpu.memory_space<vmem>>) semaphore(%arg13 : memref<!tpu.dma_semaphore, #tpu.memory_space<semaphore_mem>>)
      %dma_wait3A_620 = arith.constant 1 : i32
      %dma_wait3A_621 = arith.constant 0 : i32
      %dma_wait3A_622 = arith.constant 0 : i32
      %dma_wait3A_623 = tpu.memref_slice %arg11[%dma_wait3A_620, %dma_wait3A_621, %dma_wait3A_622] : memref<2x128x128xf32, #tpu.memory_space<vmem>> -> memref<1x128x128xf32, #tpu.memory_space<vmem>>
      %dma_wait3A_624 = tpu.memref_squeeze %dma_wait3A_623 : memref<1x128x128xf32, #tpu.memory_space<vmem>> -> memref<128x128xf32, #tpu.memory_space<vmem>>
      %dma_wait3A_625 = arith.constant 0 : i32
      %dma_wait3A_626 = arith.constant 0 : i32
      %dma_wait3A_627 = tpu.memref_slice %arg2[%dma_wait3A_625, %dma_wait3A_626] : memref<60032x128xf32, #tpu.memory_space<hbm>> -> memref<128x128xf32, #tpu.memory_space<hbm>>
      %dma_wait3A_628 = arith.constant 0 : i32
      %dma_wait3A_629 = arith.constant 0 : i32
      %dma_wait3A_630 = tpu.memref_slice %arg11[%dma_wait3A_620, %dma_wait3A_628, %dma_wait3A_629] : memref<2x128x128xf32, #tpu.memory_space<vmem>> -> memref<1x128x128xf32, #tpu.memory_space<vmem>>
      %dma_wait3A_631 = tpu.memref_squeeze %dma_wait3A_630 : memref<1x128x128xf32, #tpu.memory_space<vmem>> -> memref<128x128xf32, #tpu.memory_space<vmem>>
      %dma_wait3A_632 = arith.constant 0 : i32
      %dma_wait3A_633 = arith.constant 0 : i32
      %dma_wait3A_634 = tpu.memref_slice %arg2[%dma_wait3A_632, %dma_wait3A_633] : memref<60032x128xf32, #tpu.memory_space<hbm>> -> memref<128x128xf32, #tpu.memory_space<hbm>>
      tpu.wait_dma2 semaphore(%arg14 : memref<!tpu.dma_semaphore, #tpu.memory_space<semaphore_mem>>) src(%dma_wait3A_634 : memref<128x128xf32, #tpu.memory_space<hbm>>) dst(%dma_wait3A_631 : memref<128x128xf32, #tpu.memory_space<vmem>>)
      %dma_start3A_635 = arith.constant 1 : i32
      %dma_start3A_636 = arith.constant 7 : i32
      %dma_start3A_637 = arith.constant 0 : i32
      %dma_start3A_638 = arith.constant 0 : i32
      %dma_start3A_639 = tpu.memref_slice %arg11[%dma_start3A_635, %dma_start3A_637, %dma_start3A_638] : memref<2x128x128xf32, #tpu.memory_space<vmem>> -> memref<1x128x128xf32, #tpu.memory_space<vmem>>
      %dma_start3A_640 = tpu.memref_squeeze %dma_start3A_639 : memref<1x128x128xf32, #tpu.memory_space<vmem>> -> memref<128x128xf32, #tpu.memory_space<vmem>>
      %dma_start3A_641 = arith.constant 0 : i32
      %dma_start3A_642 = tpu.memref_slice %arg10[%select_n3A_144, %dma_start3A_636, %dma_start3A_641] : memref<2x8x128xi32, #tpu.memory_space<vmem>> -> memref<1x1x128xi32, #tpu.memory_space<vmem>>
      %dma_start3A_643 = tpu.memref_squeeze %dma_start3A_642 : memref<1x1x128xi32, #tpu.memory_space<vmem>> -> memref<128xi32, #tpu.memory_space<vmem>>
      %dma_start3A_644 = arith.constant 0 : i32
      %dma_start3A_645 = arith.constant 0 : i32
      %dma_start3A_646 = tpu.memref_slice %arg8[%dma_start3A_644, %dma_start3A_645] : memref<10240x128xf32, #tpu.memory_space<vmem_shared>> -> memref<10240x128xf32, #tpu.memory_space<vmem_shared>>
      tpu.enqueue_indirect_dma source(%dma_start3A_640 : memref<128x128xf32, #tpu.memory_space<vmem>>) target(%dma_start3A_646 : memref<10240x128xf32, #tpu.memory_space<vmem_shared>>) offsets(%dma_start3A_643 : memref<128xi32, #tpu.memory_space<vmem>>) semaphore(%arg16 : memref<!tpu.dma_semaphore, #tpu.memory_space<semaphore_mem>>) {add = true}
    }
    %scan3A_98 = arith.constant 20 : i32
    %dma_wait3A_99 = arith.constant 0 : i32
    %dma_wait3A_100 = arith.constant 0 : i32
    %dma_wait3A_101 = arith.constant 0 : i32
    %dma_wait3A_102 = tpu.memref_slice %arg11[%dma_wait3A_99, %dma_wait3A_100, %dma_wait3A_101] : memref<2x128x128xf32, #tpu.memory_space<vmem>> -> memref<1x128x128xf32, #tpu.memory_space<vmem>>
    %dma_wait3A_103 = tpu.memref_squeeze %dma_wait3A_102 : memref<1x128x128xf32, #tpu.memory_space<vmem>> -> memref<128x128xf32, #tpu.memory_space<vmem>>
    %dma_wait3A_104 = arith.constant 0 : i32
    %dma_wait3A_105 = arith.constant 0 : i32
    %dma_wait3A_106 = tpu.memref_slice %arg2[%dma_wait3A_104, %dma_wait3A_105] : memref<60032x128xf32, #tpu.memory_space<hbm>> -> memref<128x128xf32, #tpu.memory_space<hbm>>
    %dma_wait3A_107 = arith.constant 0 : i32
    %dma_wait3A_108 = arith.constant 0 : i32
    %dma_wait3A_109 = tpu.memref_slice %arg11[%dma_wait3A_99, %dma_wait3A_107, %dma_wait3A_108] : memref<2x128x128xf32, #tpu.memory_space<vmem>> -> memref<1x128x128xf32, #tpu.memory_space<vmem>>
    %dma_wait3A_110 = tpu.memref_squeeze %dma_wait3A_109 : memref<1x128x128xf32, #tpu.memory_space<vmem>> -> memref<128x128xf32, #tpu.memory_space<vmem>>
    %dma_wait3A_111 = arith.constant 0 : i32
    %dma_wait3A_112 = arith.constant 0 : i32
    %dma_wait3A_113 = tpu.memref_slice %arg2[%dma_wait3A_111, %dma_wait3A_112] : memref<60032x128xf32, #tpu.memory_space<hbm>> -> memref<128x128xf32, #tpu.memory_space<hbm>>
    tpu.wait_dma2 semaphore(%arg13 : memref<!tpu.dma_semaphore, #tpu.memory_space<semaphore_mem>>) src(%dma_wait3A_113 : memref<128x128xf32, #tpu.memory_space<hbm>>) dst(%dma_wait3A_110 : memref<128x128xf32, #tpu.memory_space<vmem>>)
    %dma_wait3A_114 = arith.constant 1 : i32
    %dma_wait3A_115 = arith.constant 0 : i32
    %dma_wait3A_116 = arith.constant 0 : i32
    %dma_wait3A_117 = tpu.memref_slice %arg11[%dma_wait3A_114, %dma_wait3A_115, %dma_wait3A_116] : memref<2x128x128xf32, #tpu.memory_space<vmem>> -> memref<1x128x128xf32, #tpu.memory_space<vmem>>
    %dma_wait3A_118 = tpu.memref_squeeze %dma_wait3A_117 : memref<1x128x128xf32, #tpu.memory_space<vmem>> -> memref<128x128xf32, #tpu.memory_space<vmem>>
    %dma_wait3A_119 = arith.constant 0 : i32
    %dma_wait3A_120 = arith.constant 0 : i32
    %dma_wait3A_121 = tpu.memref_slice %arg2[%dma_wait3A_119, %dma_wait3A_120] : memref<60032x128xf32, #tpu.memory_space<hbm>> -> memref<128x128xf32, #tpu.memory_space<hbm>>
    %dma_wait3A_122 = arith.constant 0 : i32
    %dma_wait3A_123 = arith.constant 0 : i32
    %dma_wait3A_124 = tpu.memref_slice %arg11[%dma_wait3A_114, %dma_wait3A_122, %dma_wait3A_123] : memref<2x128x128xf32, #tpu.memory_space<vmem>> -> memref<1x128x128xf32, #tpu.memory_space<vmem>>
    %dma_wait3A_125 = tpu.memref_squeeze %dma_wait3A_124 : memref<1x128x128xf32, #tpu.memory_space<vmem>> -> memref<128x128xf32, #tpu.memory_space<vmem>>
    %dma_wait3A_126 = arith.constant 0 : i32
    %dma_wait3A_127 = arith.constant 0 : i32
    %dma_wait3A_128 = tpu.memref_slice %arg2[%dma_wait3A_126, %dma_wait3A_127] : memref<60032x128xf32, #tpu.memory_space<hbm>> -> memref<128x128xf32, #tpu.memory_space<hbm>>
    tpu.wait_dma2 semaphore(%arg16 : memref<!tpu.dma_semaphore, #tpu.memory_space<semaphore_mem>>) src(%dma_wait3A_128 : memref<128x128xf32, #tpu.memory_space<hbm>>) dst(%dma_wait3A_125 : memref<128x128xf32, #tpu.memory_space<vmem>>)
    %barrier3A_129 = arith.constant 0 : index
    tpu.barrier barrier_id(%barrier3A_129)
    %mul3A_130 = arith.constant 640 : i32
    %mul3A_131 = arith.muli %arg1, %mul3A_130 : i32
    %mul3A_132 = arith.constant 640 : i32
    %mul3A_133 = arith.muli %arg1, %mul3A_132 : i32
    "tpu.region"() ({
      %run_scoped3A_135 = tpu.sem_alloc : memref<!tpu.dma_semaphore, #tpu.memory_space<semaphore_mem>>
      %dma_start3A_136 = arith.constant 0 : i32
      %dma_start3A_137 = tpu.memref_slice %arg6[%add3A_72, %mul3A_133, %dma_start3A_136] : memref<4x10240x128xf32, #tpu.memory_space<hbm>> -> memref<1x640x128xf32, #tpu.memory_space<hbm>>
      %dma_start3A_138 = tpu.memref_squeeze %dma_start3A_137 : memref<1x640x128xf32, #tpu.memory_space<hbm>> -> memref<640x128xf32, #tpu.memory_space<hbm>>
      %dma_start3A_139 = arith.constant 0 : i32
      %dma_start3A_140 = tpu.memref_slice %arg8[%mul3A_131, %dma_start3A_139] : memref<10240x128xf32, #tpu.memory_space<vmem_shared>> -> memref<640x128xf32, #tpu.memory_space<vmem_shared>>
      tpu.enqueue_dma source(%dma_start3A_140 : memref<640x128xf32, #tpu.memory_space<vmem_shared>>) target(%dma_start3A_138 : memref<640x128xf32, #tpu.memory_space<hbm>>) target_semaphore(%run_scoped3A_135 : memref<!tpu.dma_semaphore, #tpu.memory_space<semaphore_mem>>)
      %dma_wait3A_141 = arith.constant 0 : i32
      %dma_wait3A_142 = tpu.memref_slice %arg6[%add3A_72, %mul3A_133, %dma_wait3A_141] : memref<4x10240x128xf32, #tpu.memory_space<hbm>> -> memref<1x640x128xf32, #tpu.memory_space<hbm>>
      %dma_wait3A_143 = tpu.memref_squeeze %dma_wait3A_142 : memref<1x640x128xf32, #tpu.memory_space<hbm>> -> memref<640x128xf32, #tpu.memory_space<hbm>>
      %dma_wait3A_144 = arith.constant 0 : i32
      %dma_wait3A_145 = tpu.memref_slice %arg8[%mul3A_131, %dma_wait3A_144] : memref<10240x128xf32, #tpu.memory_space<vmem_shared>> -> memref<640x128xf32, #tpu.memory_space<vmem_shared>>
      tpu.wait_dma2 semaphore(%run_scoped3A_135 : memref<!tpu.dma_semaphore, #tpu.memory_space<semaphore_mem>>) src(%dma_wait3A_145 : memref<640x128xf32, #tpu.memory_space<vmem_shared>>) dst(%dma_wait3A_143 : memref<640x128xf32, #tpu.memory_space<hbm>>)
      tpu.yield
    }) : () -> ()
    %barrier3A_134 = arith.constant 0 : index
    tpu.barrier barrier_id(%barrier3A_134)
    return
  }
}

module attributes {stable_mosaic.version = 14 : i64} {
  func.func @_tc_body(%arg0: i32, %arg1: memref<1x1024x128xf32, #tpu.memory_space<vmem>>, %arg2: memref<1x1024x128xf32, #tpu.memory_space<vmem>>, %arg3: memref<1x1024x128xf32, #tpu.memory_space<vmem>>, %arg4: memref<1x1024x128xf32, #tpu.memory_space<vmem>>, %arg5: memref<1x32x1024xf32, #tpu.memory_space<vmem>>, %arg6: memref<1024x128xf32, #tpu.memory_space<vmem>>, %arg7: memref<1024x128xf32, #tpu.memory_space<vmem>>, %arg8: memref<256x128xf32, #tpu.memory_space<vmem>>, %arg9: memref<256x128xf32, #tpu.memory_space<vmem>>, %arg10: memref<256x128xf32, #tpu.memory_space<vmem>>, %arg11: memref<256x128xf32, #tpu.memory_space<vmem>>, %arg12: memref<1x128xf32, #tpu.memory_space<vmem>>, %arg13: memref<1024x128xf32, #tpu.memory_space<vmem>>, %arg14: memref<1024x128xf32, #tpu.memory_space<vmem>>) attributes {dimension_semantics = [#tpu.dimension_semantics<arbitrary>], iteration_bounds = array<i64: 10>, scalar_prefetch = 0 : i64, scratch_operands = 0 : i64, tpu.core_type = #tpu.core_type<tc>, window_params = [{transform_indices = @transform_0, window_bounds = array<i64: 1, 1024, 128>}, {transform_indices = @transform_1, window_bounds = array<i64: 1, 1024, 128>}, {transform_indices = @transform_2, window_bounds = array<i64: 1, 1024, 128>}, {transform_indices = @transform_3, window_bounds = array<i64: 1, 1024, 128>}, {transform_indices = @transform_4, window_bounds = array<i64: 1, 32, 1024>}, {transform_indices = @transform_5, window_bounds = array<i64: 1024, 128>}, {transform_indices = @transform_6, window_bounds = array<i64: 1024, 128>}, {pipeline_mode = #tpu.pipeline_mode<synchronous>, transform_indices = @transform_7, window_bounds = array<i64: 256, 128>}, {pipeline_mode = #tpu.pipeline_mode<synchronous>, transform_indices = @transform_8, window_bounds = array<i64: 256, 128>}, {pipeline_mode = #tpu.pipeline_mode<synchronous>, transform_indices = @transform_9, window_bounds = array<i64: 256, 128>}, {pipeline_mode = #tpu.pipeline_mode<synchronous>, transform_indices = @transform_10, window_bounds = array<i64: 256, 128>}, {pipeline_mode = #tpu.pipeline_mode<synchronous>, transform_indices = @transform_11, window_bounds = array<i64: 1, 128>}, {transform_indices = @transform_12, window_bounds = array<i64: 1024, 128>}, {transform_indices = @transform_13, window_bounds = array<i64: 1024, 128>}]} {
    %get3A = arith.constant 0 : index
    %get3A_0 = arith.constant 0 : index
    %get3A_1 = arith.constant 0 : index
    %get3A_2 = vector.load %arg1[%get3A, %get3A_0, %get3A_1] : memref<1x1024x128xf32, #tpu.memory_space<vmem>>, vector<1x1024x128xf32>
    %get3A_3 = vector.shape_cast %get3A_2 : vector<1x1024x128xf32> to vector<1024x128xf32>
    %get3A_4 = arith.constant 0 : index
    %get3A_5 = arith.constant 0 : index
    %get3A_6 = arith.constant 0 : index
    %get3A_7 = vector.load %arg2[%get3A_4, %get3A_5, %get3A_6] : memref<1x1024x128xf32, #tpu.memory_space<vmem>>, vector<1x1024x128xf32>
    %get3A_8 = vector.shape_cast %get3A_7 : vector<1x1024x128xf32> to vector<1024x128xf32>
    %get3A_9 = arith.constant 0 : index
    %get3A_10 = arith.constant 0 : index
    %get3A_11 = arith.constant 0 : index
    %get3A_12 = vector.load %arg3[%get3A_9, %get3A_10, %get3A_11] : memref<1x1024x128xf32, #tpu.memory_space<vmem>>, vector<1x1024x128xf32>
    %get3A_13 = vector.shape_cast %get3A_12 : vector<1x1024x128xf32> to vector<1024x128xf32>
    %get3A_14 = arith.constant 0 : index
    %get3A_15 = arith.constant 0 : index
    %get3A_16 = arith.constant 0 : index
    %get3A_17 = vector.load %arg4[%get3A_14, %get3A_15, %get3A_16] : memref<1x1024x128xf32, #tpu.memory_space<vmem>>, vector<1x1024x128xf32>
    %get3A_18 = vector.shape_cast %get3A_17 : vector<1x1024x128xf32> to vector<1024x128xf32>
    %get3A_19 = arith.constant 0 : index
    %get3A_20 = arith.constant 0 : index
    %get3A_21 = arith.constant 0 : index
    %get3A_22 = vector.load %arg5[%get3A_19, %get3A_20, %get3A_21] : memref<1x32x1024xf32, #tpu.memory_space<vmem>>, vector<1x32x1024xf32>
    %get3A_23 = vector.shape_cast %get3A_22 : vector<1x32x1024xf32> to vector<32x1024xf32>
    %reduce_sum3A = arith.constant dense<0.000000e+00> : vector<1024xf32>
    %reduce_sum3A_24 = vector.multi_reduction <add>, %get3A_23, %reduce_sum3A [0] : vector<32x1024xf32> to vector<1024xf32>
    %broadcast_in_dim3A = vector.shape_cast %reduce_sum3A_24 : vector<1024xf32> to vector<1024x1xf32>
    %max3A = arith.constant 2.000000e+00 : f32
    %max3A_25 = vector.broadcast %max3A : f32 to vector<1024x1xf32>
    %max3A_26 = arith.maximumf %broadcast_in_dim3A, %max3A_25 : vector<1024x1xf32>
    %div3A = arith.constant 2.000000e+00 : f32
    %div3A_27 = vector.broadcast %div3A : f32 to vector<1024x1xf32>
    %div3A_28 = arith.divf %div3A_27, %max3A_26 : vector<1024x1xf32>
    %concatenate3A = tpu.concatenate %get3A_3, %get3A_8 in 1 : vector<1024x128xf32>, vector<1024x128xf32> -> vector<1024x256xf32>
    %mul3A = vector.broadcast %div3A_28 : vector<1024x1xf32> to vector<1024x256xf32>
    %mul3A_29 = arith.mulf %concatenate3A, %mul3A : vector<1024x256xf32>
    %concatenate3A_30 = tpu.concatenate %get3A_18, %get3A_13 in 1 : vector<1024x128xf32>, vector<1024x128xf32> -> vector<1024x256xf32>
    %mul3A_31 = vector.broadcast %div3A_28 : vector<1024x1xf32> to vector<1024x256xf32>
    %mul3A_32 = arith.mulf %concatenate3A_30, %mul3A_31 : vector<1024x256xf32>
    %get3A_33 = arith.constant 0 : index
    %get3A_34 = arith.constant 0 : index
    %get3A_35 = vector.load %arg8[%get3A_33, %get3A_34] : memref<256x128xf32, #tpu.memory_space<vmem>>, vector<256x128xf32>
    %dot_general3A = arith.constant dense<0.000000e+00> : vector<1024x128xf32>
    %dot_general3A_36 = tpu.matmul %mul3A_29, %get3A_35, %dot_general3A {dimension_numbers = #tpu.dot_dimension_numbers<[1], [0], [0], [1], [0, 0, 1, 1], [], []>, transpose_lhs_hint = false} : vector<1024x256xf32>, vector<256x128xf32>, vector<1024x128xf32> -> vector<1024x128xf32>
    %get3A_37 = arith.constant 0 : index
    %get3A_38 = arith.constant 0 : index
    %get3A_39 = vector.load %arg6[%get3A_37, %get3A_38] : memref<1024x128xf32, #tpu.memory_space<vmem>>, vector<1024x128xf32>
    %add3A = arith.addf %dot_general3A_36, %get3A_39 : vector<1024x128xf32>
    %tanh3A = math.tanh %add3A : vector<1024x128xf32>
    %get3A_40 = arith.constant 0 : index
    %get3A_41 = arith.constant 0 : index
    %get3A_42 = vector.load %arg9[%get3A_40, %get3A_41] : memref<256x128xf32, #tpu.memory_space<vmem>>, vector<256x128xf32>
    %dot_general3A_43 = arith.constant dense<0.000000e+00> : vector<1024x128xf32>
    %dot_general3A_44 = tpu.matmul %mul3A_32, %get3A_42, %dot_general3A_43 {dimension_numbers = #tpu.dot_dimension_numbers<[1], [0], [0], [1], [0, 0, 1, 1], [], []>, transpose_lhs_hint = false} : vector<1024x256xf32>, vector<256x128xf32>, vector<1024x128xf32> -> vector<1024x128xf32>
    %get3A_45 = arith.constant 0 : index
    %get3A_46 = arith.constant 0 : index
    %get3A_47 = vector.load %arg7[%get3A_45, %get3A_46] : memref<1024x128xf32, #tpu.memory_space<vmem>>, vector<1024x128xf32>
    %add3A_48 = arith.addf %dot_general3A_44, %get3A_47 : vector<1024x128xf32>
    %max3A_49 = arith.constant 0.000000e+00 : f32
    %max3A_50 = vector.broadcast %max3A_49 : f32 to vector<1024x128xf32>
    %max3A_51 = arith.maximumf %add3A_48, %max3A_50 : vector<1024x128xf32>
    %concatenate3A_52 = tpu.concatenate %tanh3A, %max3A_51 in 1 : vector<1024x128xf32>, vector<1024x128xf32> -> vector<1024x256xf32>
    %get3A_53 = arith.constant 0 : index
    %get3A_54 = arith.constant 0 : index
    %get3A_55 = vector.load %arg10[%get3A_53, %get3A_54] : memref<256x128xf32, #tpu.memory_space<vmem>>, vector<256x128xf32>
    %dot_general3A_56 = arith.constant dense<0.000000e+00> : vector<1024x128xf32>
    %dot_general3A_57 = tpu.matmul %concatenate3A_52, %get3A_55, %dot_general3A_56 {dimension_numbers = #tpu.dot_dimension_numbers<[1], [0], [0], [1], [0, 0, 1, 1], [], []>, transpose_lhs_hint = false} : vector<1024x256xf32>, vector<256x128xf32>, vector<1024x128xf32> -> vector<1024x128xf32>
    %add3A_58 = arith.addf %dot_general3A_57, %tanh3A : vector<1024x128xf32>
    %swap3A = arith.constant 0 : index
    %swap3A_59 = arith.constant 0 : index
    %swap3A_60 = vector.load %arg13[%swap3A, %swap3A_59] : memref<1024x128xf32, #tpu.memory_space<vmem>>, vector<1024x128xf32>
    tpu.vector_store %arg13[%swap3A, %swap3A_59], %add3A_58 {strides = array<i32>} : memref<1024x128xf32, #tpu.memory_space<vmem>>, vector<1024x128xf32>,
    %abs3A = math.absf %tanh3A : vector<1024x128xf32>
    %concatenate3A_61 = tpu.concatenate %abs3A, %max3A_51 in 1 : vector<1024x128xf32>, vector<1024x128xf32> -> vector<1024x256xf32>
    %get3A_62 = arith.constant 0 : index
    %get3A_63 = arith.constant 0 : index
    %get3A_64 = vector.load %arg11[%get3A_62, %get3A_63] : memref<256x128xf32, #tpu.memory_space<vmem>>, vector<256x128xf32>
    %dot_general3A_65 = arith.constant dense<0.000000e+00> : vector<1024x128xf32>
    %dot_general3A_66 = tpu.matmul %concatenate3A_61, %get3A_64, %dot_general3A_65 {dimension_numbers = #tpu.dot_dimension_numbers<[1], [0], [0], [1], [0, 0, 1, 1], [], []>, transpose_lhs_hint = false} : vector<1024x256xf32>, vector<256x128xf32>, vector<1024x128xf32> -> vector<1024x128xf32>
    %get3A_67 = arith.constant 0 : index
    %get3A_68 = arith.constant 0 : index
    %get3A_69 = vector.load %arg12[%get3A_67, %get3A_68] : memref<1x128xf32, #tpu.memory_space<vmem>>, vector<1x128xf32>
    %add3A_70 = vector.broadcast %get3A_69 : vector<1x128xf32> to vector<1024x128xf32>
    %add3A_71 = arith.addf %dot_general3A_66, %add3A_70 : vector<1024x128xf32>
    %add3A_72 = arith.addf %add3A_71, %max3A_51 : vector<1024x128xf32>
    %swap3A_73 = arith.constant 0 : index
    %swap3A_74 = arith.constant 0 : index
    %swap3A_75 = vector.load %arg14[%swap3A_73, %swap3A_74] : memref<1024x128xf32, #tpu.memory_space<vmem>>, vector<1024x128xf32>
    tpu.vector_store %arg14[%swap3A_73, %swap3A_74], %add3A_72 {strides = array<i32>} : memref<1024x128xf32, #tpu.memory_space<vmem>>, vector<1024x128xf32>,
    return
  }
  func.func @transform_0(%arg0: i32) -> (i32, i32, i32) {
    %c0_i32 = arith.constant 0 : i32
    %c0_i32_0 = arith.constant 0 : i32
    %c0_i32_1 = arith.constant 0 : i32
    return %c0_i32, %arg0, %c0_i32_0 : i32, i32, i32
  }
  func.func @transform_1(%arg0: i32) -> (i32, i32, i32) {
    %c1_i32 = arith.constant 1 : i32
    %c0_i32 = arith.constant 0 : i32
    %c0_i32_0 = arith.constant 0 : i32
    return %c1_i32, %arg0, %c0_i32 : i32, i32, i32
  }
  func.func @transform_2(%arg0: i32) -> (i32, i32, i32) {
    %c2_i32 = arith.constant 2 : i32
    %c0_i32 = arith.constant 0 : i32
    %c0_i32_0 = arith.constant 0 : i32
    return %c2_i32, %arg0, %c0_i32 : i32, i32, i32
  }
  func.func @transform_3(%arg0: i32) -> (i32, i32, i32) {
    %c3_i32 = arith.constant 3 : i32
    %c0_i32 = arith.constant 0 : i32
    %c0_i32_0 = arith.constant 0 : i32
    return %c3_i32, %arg0, %c0_i32 : i32, i32, i32
  }
  func.func @transform_4(%arg0: i32) -> (i32, i32, i32) {
    %c0_i32 = arith.constant 0 : i32
    %c0_i32_0 = arith.constant 0 : i32
    %c0_i32_1 = arith.constant 0 : i32
    return %arg0, %c0_i32, %c0_i32_0 : i32, i32, i32
  }
  func.func @transform_5(%arg0: i32) -> (i32, i32) {
    %c0_i32 = arith.constant 0 : i32
    %c0_i32_0 = arith.constant 0 : i32
    return %arg0, %c0_i32 : i32, i32
  }
  func.func @transform_6(%arg0: i32) -> (i32, i32) {
    %c0_i32 = arith.constant 0 : i32
    %c0_i32_0 = arith.constant 0 : i32
    return %arg0, %c0_i32 : i32, i32
  }
  func.func @transform_7(%arg0: i32) -> (i32, i32) {
    %c0_i32 = arith.constant 0 : i32
    %c0_i32_0 = arith.constant 0 : i32
    %c0_i32_1 = arith.constant 0 : i32
    return %c0_i32, %c0_i32_0 : i32, i32
  }
  func.func @transform_8(%arg0: i32) -> (i32, i32) {
    %c0_i32 = arith.constant 0 : i32
    %c0_i32_0 = arith.constant 0 : i32
    %c0_i32_1 = arith.constant 0 : i32
    return %c0_i32, %c0_i32_0 : i32, i32
  }
  func.func @transform_9(%arg0: i32) -> (i32, i32) {
    %c0_i32 = arith.constant 0 : i32
    %c0_i32_0 = arith.constant 0 : i32
    %c0_i32_1 = arith.constant 0 : i32
    return %c0_i32, %c0_i32_0 : i32, i32
  }
  func.func @transform_10(%arg0: i32) -> (i32, i32) {
    %c0_i32 = arith.constant 0 : i32
    %c0_i32_0 = arith.constant 0 : i32
    %c0_i32_1 = arith.constant 0 : i32
    return %c0_i32, %c0_i32_0 : i32, i32
  }
  func.func @transform_11(%arg0: i32) -> (i32, i32) {
    %c0_i32 = arith.constant 0 : i32
    %c0_i32_0 = arith.constant 0 : i32
    %c0_i32_1 = arith.constant 0 : i32
    return %c0_i32, %c0_i32_0 : i32, i32
  }
  func.func @transform_12(%arg0: i32) -> (i32, i32) {
    %c0_i32 = arith.constant 0 : i32
    %c0_i32_0 = arith.constant 0 : i32
    return %arg0, %c0_i32 : i32, i32
  }
  func.func @transform_13(%arg0: i32) -> (i32, i32) {
    %c0_i32 = arith.constant 0 : i32
    %c0_i32_0 = arith.constant 0 : i32
    return %arg0, %c0_i32 : i32, i32
  }
}

</mosaic_0001>

<sc_bundles>
// kernel: kernel.4.cloned.1.call-start
scs
__scs_entry_jumppad:
0x0: {  	(pc) =	sbr.rel $0x88, $3  }
0x1: {  	(tag) =	ssettag $0x0;
	lr =	simm.s32 $0x1  }
0x2: {  	[smem:$0x3F96] =	sst lr;
	_ =	strace $0xD0000000  }
0x3: {  	_ = 	snop  }
0x4: {  	_ = 	snop  }
0x5: {  	_ = 	snop  }
0x6: {  	_ = 	snop  }
0x7: {  	_ = 	snop  }
__scs_overlays_trampoline_lowered:
0x8: {  	[smem:$0x3FA5] =	sst s0  }
0x9: {  	[smem:$0x3FA6] =	sst s1  }
0xa: {  	[smem:$0x3FA7] =	sst s2  }
0xb: {  	[smem:$0x3FA8] =	sst s3  }
0xc: {  	[smem:$0x3FA9] =	sst s4  }
0xd: {  	[smem:$0x3FAA] =	sst s5  }
0xe: {  	[smem:$0x3FAB] =	sst s6  }
0xf: {  	[smem:$0x3FAC] =	sst s7  }
0x10: {  	[smem:$0x3FAD] =	sst s8  }
0x11: {  	[smem:$0x3FAE] =	sst s9;
	s0 =	simm.s32 @!p0 $0x0  }
0x12: {  	s1 =	sld [smem:$0x3F94];
	s0 =	simm.s32 @p0 $0x1  }
0x13: {  	[smem:$0x3FAF] =	sst s0;
	s0 =	simm.s32 @!p1 $0x0  }
0x14: {  	s2 =	sld [smem:$0x3F93];
	s0 =	simm.s32 @p1 $0x1  }
0x15: {  	[smem:$0x3FB0] =	sst s0;
	s0 =	simm.s32 @!p2 $0x0  }
0x16: {  	s3 =	sld [smem:$0x3FDB];
	s0 =	simm.s32 @p2 $0x1  }
0x17: {  	s4 =	simm.s32 $0x1BF5;
	[smem:$0x3FB2] =	sst s0  }
0x18: {  	s0 =	sld [smem:$0x3F95];
	_ =	swait.ge [sflag:s4], $0x0  }
0x19: {  	s7 =	sld [smem:$0x3F96]  }
0x1a: {  	s8 =	sadd.s32 $0xFFFFE003, lr  }
0x1b: {  	s9 =	sadd.s32 $0xFFFFFEF7, lr;
	s5 =	simm.s32 $0xFFFFFFFF;
	p2 =	slt.u32 s8, $0xFFFFF086  }
0x1c: {  	p1 =	slt.u32 s9, $0xF7A;
	s5 =	simm.s32 @!p2 $0x0  }
0x1d: {  	s5 =	simm.s32 @p1 $0x1;
	p0 =	seq.s32 s7, s2  }
0x1e: {  	s7 =	smul.u32 @!p0 $0xF7A, s2;
	p2 =	seq.s32 @!p0 s5, $0x0  }
0x1f: {  	s9 =	smul.u32 $0xF7A, s1;
	s8 =	simm.s32 @!p0 $0x1BF5;
	p2 =	por !p2, p0  }
0x20: {  	[sflag:s8] =	ssyncset.s32 @!p0 $0xFFFFF086;
	s6 =	sadd.s32 @!p0 s3, s7;
	s7 =	simm.s32 @!p0 $0x108  }
0x21: {  	s3 =	sadd.s32 s3, s9;
	s6 =	sadd.s32 @!p0 $0x88, s6;
	s7 =	simm.s32 @p2 $0x1082  }
0x22: {  	[simem:s7], [sflag:s8] =	dma.local @!p0 [hbm:s6], $0xF7A  }
0x23: {  	s9 =	sor.u32 $0xD0000000, s2;
	s6 =	simm.s32 $0x108;
	_ =	swait.ge @!p0 [sflag:s8], $0x0  }
0x24: {  	s3 =	sadd.s32 $0x88, s3;
	s6 =	simm.s32 @!p1 $0x1082;
	[sflag:s4] =	ssyncset.s32 $0xFFFFF086  }
0x25: {  	[simem:s6], [sflag:s4] =	dma.local [hbm:s3], $0xF7A  }
0x26: {  	[smem:$0x3F96] =	sst s1;
	(tag) =	ssettag s2;
	_ =	strace s9  }
0x27: {  	s1 =	sld [smem:$0x3FA6]  }
0x28: {  	s2 =	sld [smem:$0x3FA7]  }
0x29: {  	s4 =	sld [smem:$0x3FA9]  }
0x2a: {  	p0 =	seq.s32 s5, $0x0;
	s5 =	sld [smem:$0x3FAA]  }
0x2b: {  	s6 =	sld [smem:$0x3FAB]  }
0x2c: {  	s7 =	sld [smem:$0x3FAC]  }
0x2d: {  	s3 =	simm.s32 $0x108;
	s8 =	sld [smem:$0x3FAD]  }
0x2e: {  	s3 =	simm.s32 @!p0 $0x1082;
	s9 =	sld [smem:$0x3FAE]  }
0x2f: {  	lr =	sadd.s32 s0, s3;
	s0 =	sld [smem:$0x3FA5]  }
0x30: {  	s3 =	sld [smem:$0x3FA8]  }
0x31: {  	[smem:$0x3FB1] =	sst s10  }
0x32: {  	s10 =	sld [smem:$0x3FAF];
	_ =	sdelay $0x3  }
0x33: {  	p0 =	seq.s32 s10, $0x1;
	s10 =	sld [smem:$0x3FB1];
	_ =	sdelay $0x3  }
0x34: {  	[smem:$0x3FB1] =	sst s10  }
0x35: {  	s10 =	sld [smem:$0x3FB0];
	_ =	sdelay $0x3  }
0x36: {  	p1 =	seq.s32 s10, $0x1;
	s10 =	sld [smem:$0x3FB1];
	_ =	sdelay $0x3  }
0x37: {  	[smem:$0x3FB1] =	sst s10  }
0x38: {  	s10 =	sld [smem:$0x3FB2]  }
0x39: {  	_ = 	snop;
	(pc) =	sbr.ind lr, $3  }
0x3a: {  	_ = 	snop  }
0x3b: {  	_ = 	snop  }
0x3c: {  	p2 =	seq.s32 s10, $0x1;
	s10 =	sld [smem:$0x3FB1]  }
0x3d: {  	_ =	shalt  }
0x3e: {  	_ =	shalt  }
0x3f: {  	_ =	shalt  }
0x40: {  	_ =	shalt  }
0x41: {  	_ =	shalt  }
0x42: {  	_ =	shalt  }
0x43: {  	_ =	shalt  }
0x44: {  	_ =	shalt  }
0x45: {  	_ =	shalt  }
0x46: {  	_ =	shalt  }
0x47: {  	_ =	shalt  }
0x48: {  	_ =	shalt  }
0x49: {  	_ =	shalt  }
0x4a: {  	_ =	shalt  }
0x4b: {  	_ =	shalt  }
0x4c: {  	_ =	shalt  }
0x4d: {  	_ =	shalt  }
0x4e: {  	_ =	shalt  }
0x4f: {  	_ =	shalt  }
0x50: {  	_ =	shalt  }
0x51: {  	_ =	shalt  }
0x52: {  	_ =	shalt  }
0x53: {  	_ =	shalt  }
0x54: {  	_ =	shalt  }
0x55: {  	_ =	shalt  }
0x56: {  	_ =	shalt  }
0x57: {  	_ =	shalt  }
0x58: {  	_ =	shalt  }
0x59: {  	_ =	shalt  }
0x5a: {  	_ =	shalt  }
0x5b: {  	_ =	shalt  }
0x5c: {  	_ =	shalt  }
0x5d: {  	_ =	shalt  }
0x5e: {  	_ =	shalt  }
0x5f: {  	_ =	shalt  }
0x60: {  	_ =	shalt  }
0x61: {  	_ =	shalt  }
0x62: {  	_ =	shalt  }
0x63: {  	_ =	shalt  }
0x64: {  	_ =	shalt  }
0x65: {  	_ =	shalt  }
0x66: {  	_ =	shalt  }
0x67: {  	_ =	shalt  }
0x68: {  	_ =	shalt  }
0x69: {  	_ =	shalt  }
0x6a: {  	_ =	shalt  }
0x6b: {  	_ =	shalt  }
0x6c: {  	_ =	shalt  }
0x6d: {  	_ =	shalt  }
0x6e: {  	_ =	shalt  }
0x6f: {  	_ =	shalt  }
0x70: {  	_ =	shalt  }
0x71: {  	_ =	shalt  }
0x72: {  	_ =	shalt  }
0x73: {  	_ =	shalt  }
0x74: {  	_ =	shalt  }
0x75: {  	_ =	shalt  }
0x76: {  	_ =	shalt  }
0x77: {  	_ =	shalt  }
0x78: {  	_ =	shalt  }
0x79: {  	_ =	shalt  }
0x7a: {  	_ =	shalt  }
0x7b: {  	_ =	shalt  }
0x7c: {  	_ =	shalt  }
0x7d: {  	_ =	shalt  }
0x7e: {  	_ =	shalt  }
0x7f: {  	_ =	shalt  }
0x80: {  	_ =	shalt  }
0x81: {  	_ =	shalt  }
0x82: {  	_ =	shalt  }
0x83: {  	_ =	shalt  }
0x84: {  	_ =	shalt  }
0x85: {  	_ =	shalt  }
0x86: {  	_ =	shalt  }
0x87: {  	_ =	shalt  }
.Lfunc_end0:
.L_simem_size_0:
called_computation_lowered:
.L_overlay_start_0:
0x88: {  	s2 =	sld [smem:$0x3FD9]  }
0x89: {  	s3 =	sld [smem:$0x3FFE];
	_ =	sdelay $0x1  }
0x8a: {  	s1 =	srdreg.scid  }
0x8b: {  	s0 =	sand.u32 $0x1, s1  }
0x8c: {  	s14 =	sshll.u32 s0, $0xA;
	s2 =	sadd.s32 s3, s2  }
0x8d: {  	s2 =	sadd.s32 s2, s14  }
0x8e: {  	[smem:$0x3FBD] =	sst s2  }
0x8f: {  	_ = 	snop  }
0x90: {  	s2 =	sld [smem:$0x3FD0];
	_ =	sdelay $0x2  }
0x91: {  	s15 =	simm.s32 $0xA;
	s4 =	simm.s32 $0x10  }
0x92: {  	[smem:s4], [sflag:s15] =	dma.local [hbm:s2], $0x1  }
0x93: {  	_ =	swait.eq [sflag:s15], $0x1  }
0x94: {  	[sflag:s15] =	ssyncset.done $0x0  }
0x95: {  	s16 =	sld [smem:$0x10];
	[sflag:s15] =	ssyncadd.s32 $0xFFFFFFFF  }
0x96: {  	s17 =	sld [smem:$0x11];
	(tm) =	ssettm $0x1  }
0x97: {  	s18 =	sld [smem:$0x3FFB];
	_ =	sdelay $0x3  }
0x98: {  	_ =	strace s18  }
0x99: {  	s4 =	sld [smem:$0x3FFC];
	_ =	sdelay $0x3  }
0x9a: {  	_ =	strace s4  }
0x9b: {  	s4 =	sld [smem:$0x3FFD];
	_ =	sdelay $0x3  }
0x9c: {  	_ =	strace s4  }
0x9d: {  	_ =	strace $0x8FFFFFFF  }
0x9e: {  	s19 =	sld [smem:$0x3FDB];
	_ =	sdelay $0x1  }
0x9f: {  	s5 =	simm.s32 $_scs_section_size  }
0xa0: {  	s6 =	simm.s32 $_size__tile_overlayer_lowered;
	s7 =	simm.s32 $_tile_overlayer_lowered  }
0xa1: {  	s22 =	simm.s32 $0x1BFF;
	s21 =	sshll.u32 s7, $0x1;
	s4 =	sadd.s32 s5, s19  }
0xa2: {  	s8 =	simm.s32 $0x0;
	s20 =	sshll.u32 s6, $0x1;
	s6 =	sadd.s32 s21, s4  }
0xa3: {  	[timem:s8], [sflag:s22] =	dma.local [hbm:s6], s20  }
0xa4: {  	_ =	swait.ge [sflag:s22], s20  }
0xa5: {  	s5 =	ssub.s32 $0x0, s20;
	[sflag:s22] =	ssyncset.done $0x0  }
0xa6: {  	[sflag:s22] =	ssyncadd.s32 s5;
	_ =	sdelay $0x1  }
0xa7: {  	s23 =	simm.s32 $0x1B8B  }
0xa8: {  	_ =	swait.ge [sflag:s23], $0x1  }
0xa9: {  	[sflag:s23] =	ssyncset.done $0x0  }
0xaa: {  	s25 =	simm.s32 $0x1B8E;
	s24 =	sld [smem:$0x3FFE];
	[sflag:s23] =	ssyncadd.s32 $0xFFFFFFFF  }
0xab: {  	s26 =	simm.s32 $execute0_lowered;
	[smem:$0x3FD2] =	sst s25  }
0xac: {  	s6 =	sshll.u32 s26, $0x1;
	_ =	strace $0x80000046;
	[dreg:$0x1] =	wrdreg $0xFFFFFFFF  }
0xad: {  	s28 =	simm.s32 $_size_execute0_lowered;
	s4 =	sadd.s32 s4, s6;
	[dreg:$0x0] =	wrdreg $0x0  }
0xae: {  	s6 =	sshll.u32 s28, $0x1;
	[dreg:$0x2] =	wrdreg s4  }
0xaf: {  	[dreg:$0x3] =	wrdreg s6  }
0xb0: {  	[dreg:$0x4] =	wrdreg $0xC0  }
0xb1: {  	_ =	task [dreg:s8], $0x5FFFF  }
0xb2: {  	[dreg:$0x1] =	wrdreg $0xFFFFFFFF  }
0xb3: {  	[dreg:$0x0] =	wrdreg $0x60  }
0xb4: {  	[dreg:$0x2] =	wrdreg s24  }
0xb5: {  	[dreg:$0x3] =	wrdreg s17  }
0xb6: {  	[dreg:$0x4] =	wrdreg s16  }
0xb7: {  	[dreg:$0x5] =	wrdreg $0x0  }
0xb8: {  	[dreg:$0x6] =	wrdreg $0x9  }
0xb9: {  	_ =	task.clear_ibuf [dreg:s8], $0x7FFFF;
	_ =	strace $0x90000046  }
0xba: {  	s29 =	simm.s32 $0x9;
	_ =	strace $0x80000048  }
0xbb: {  	_ =	swait.ge [sflag:s29], $0x1  }
0xbc: {  	[sflag:s29] =	ssyncadd.s32 $0xFFFFFFFF  }
0xbd: {  	_ =	strace $0x90000048  }
0xbe: {  	_ =	sfence  }
0xbf: {  	s30 =	sld [smem:$0x0];
	_ =	sdelay $0x2  }
0xc0: {  	s31 =	sshll.u32 s1, $0xD;
	s1 =	sshrl.u32 s1, $0x2  }
0xc1: {  	s3 =	sand.u32 $0x4000, s31;
	s1 =	sadd.s32 s1, s30  }
0xc2: {  	s0 =	sor.u32 s3, s0;
	s1 =	sshll.u32 s1, $0x11  }
0xc3: {  	s0 =	sor.u32 s1, s0  }
0xc4: {  	s0 =	sadd.s32 $0x8F2B, s0  }
0xc5: {  	[sflag:s0] =	ssyncadd.remote.s32 $0x1  }
0xc6: {  	_ =	sfence.sel $0xFFFF  }
0xc7: {  	[dreg:$0x0] =	wrdreg $0xFFFFFFFF;
	(pc) =	sbr.abs _section_cstart, $3  }
0xc8: {  	[dreg:$0x1] =	wrdreg $0xFFFFFFFF  }
0xc9: {  	_ =	task.clear_ibuf [dreg:s8], $0x2FFFF;
	_ =	strace $0x9FFFFFFF  }
0xca: {  	(tm) =	ssettm $0x7FFFFFFF  }
0xcb: {  	_ =	shalt  }
tec
execute0_lowered:
.L_overlay_start_1:
0x0: {  	(tag) =	ssettag $0x1  }
0x1: {  	s0 =	rddreg [dreg:$0x0]  }
0x2: {  	s1 =	rddreg [dreg:$0x1]  }
0x3: {  	s2 =	rddreg [dreg:$0x2]  }
0x4: {  	s3 =	rddreg [dreg:$0x3];
	s4 =	simm.s32 $0x0;
	s18 =	stileid.u32  }
0x5: {  	s8 =	srdreg.scid;
	s28 =	simm.s32 $0x1;
	s29 =	simm.s32 $0x3  }
0x6: {  	s30 =	simm.s32 $0x2;
	s31 =	simm.s32 $0x4;
	[smem:$0x7FF] =	sst s4  }
0x7: {  	s11 =	smul.u32 $0x14000, s18;
	s5 =	sadd.s32 $0x2AC00, s0;
	s6 =	sadd.s32 $0x2C00, s0  }
0x8: {  	s12 =	sand.u32 $0x1, s8;
	s19 =	smul.u32 $0x50000, s18;
	s22 =	sshll.u32 s18, $0x6  }
0x9: {  	_ =	strace $0x80000047;
	s10 =	ssub.s32 $0x2, s12;
	s13 =	smul.u32 $0xA0000, s12  }
0xa: {  	s15 =	sshll.u32 s12, $0x4;
	s23 =	smul.u32 $0x280000, s12;
	s12 =	sshllo.u32 s12, $0x1  }
0xb: {  	s7 =	sshrl.u32 s11, $0x3;
	s14 =	sshrl.u32 s10, $0x1;
	s20 =	sor.u32 s18, s15  }
0xc: {  	s8 =	sshrl.u32 s19, $0x2;
	s19 =	smul.u32 $0x50000, s12;
	s9 =	sadd.s32 s7, s0  }
0xd: {  	s0 =	sadd.s32 $0x13D400, s0;
	s7 =	smul.u32 $0x5000, s18;
	s16 =	ssub.s32 s10, s14  }
0xe: {  	s21 =	sadd.s32 s8, s3;
	s10 =	sor.u32 $0x1C06, s22;
	s14 =	sshrl.u32 s20, $0x3  }
0xf: {  	s18 =	sshll.u32 s18, $0x7;
	s20 =	smul.u32 $0x140000, s12;
	s9 =	sadd.s32 $0x115400, s9  }
0x10: {  	s14 =	smul.u32 $0x14000, s14;
	s18 =	sand.u32 $0x380, s18;
	s26 =	smax.u32 s16, $0x1  }
0x11: {  	s8 =	sadd.s32 s7, s13;
	s17 =	sshrl.u32 s7, $0x3;
	[dreg:$0xb] =	wrdreg s26  }
0x12: {  	s26 =	simm.s32 $0x1D000;
	[dreg:$0x6] =	wrdreg s9;
	s13 =	sshrl.u32 s8, $0x3  }
0x13: {  	s12 =	sadd.s32 s1, s17;
	s24 =	sor.u32 s18, s14;
	s14 =	sadd.s32 s7, s19  }
0x14: {  	s19 =	sshrl.u32 s21, $0x3;
	s18 =	simm.s32 $0x14000;
	s13 =	sadd.s32 s6, s13  }
0x15: {  	s25 =	sshrl.u32 s14, $0x3;
	[dreg:$0x5] =	wrdreg s13;
	s13 =	sadd.s32 s11, s23  }
0x16: {  	s11 =	sadd.s32 s11, s20;
	s20 =	simm.s32 $0x6;
	s13 =	sshrl.u32 s13, $0x3  }
0x17: {  	s23 =	simm.s32 $0x80;
	s11 =	sshrl.u32 s11, $0x3;
	s13 =	sadd.s32 s0, s13  }
0x18: {  	s0 =	sadd.s32 s0, s11;
	[dreg:$0x7] =	wrdreg s13;
	s13 =	sshrl.u32 s24, $0x3  }
0x19: {  	[dreg:$0xa] =	wrdreg s0;
	s24 =	simm.s32 $0x15000;
	s2 =	sadd.s32 s2, s13  }
0x1a: {  	s0 =	simm.s32 $0x5;
	[dreg:$0x8] =	wrdreg s2;
	s2 =	sadd.s32 s6, s25  }
0x1b: {  	v0 =	vimm.f32 $0.0e+00;
	v1 =	vimm.f32 $1.000000000e+00;
	s25 =	simm.s32 $0x19000;
	[dreg:$0x9] =	wrdreg s2;
	s2 =	simm.s32 $0x0  }
.LBB2_1:
0x1c: {  	s11 =	simm.s32 $0x40;
	s13 =	simm.s32 $0x0  }
.LBB2_2:
0x1d: {  	p0 =	sne.s32 s11, $0x9FC0;
	[tilespmem:s13+$0x1D000] =	vst v0;
	s13 =	smov.u32 s11;
	s11 =	sadd.s32 $0x40, s11  }
.Ltmp0:
0x1e: {  	(pc) =	sbr.rel @p0 .LBB2_2-.Ltmp0, $2  }
0x1f: {  	_ =	sdelay $0x2  }
0x20: {  	s13 =	sshra.s32 s13, $0x2  }
0x21: {  	[tilespmem:s13+$0x1D000] =	vst v0  }
0x22: {  	[spmem:s19], [sflag:s10] =	dma.local [hbm:s9], $0x2800  }
0x23: {  	_ =	swait.ge [sflag:s20], $0x2800  }
0x24: {  	[sflag:s20] =	ssyncset.done $0x0  }
0x25: {  	[sflag:s20] =	ssyncadd.s32 $0xFFFFD800  }
0x26: {  	[bflag:$0x0] =	sbarrier.arrive $0xFFFF  }
0x27: {  	s13 =	simm.s32 $0x0;
	s11 =	rddreg [dreg:$0x5]  }
0x28: {  	[tilespmem:s18], [sflag:$0x6] =	stream.linear.gather [hbm4b:s11+s13], $0x400, $0x38;
	[tilespmem:$0x1F800] =	vst v63  }
0x29: {  	_ =	swait.ge [sflag:s20], $0x400  }
0x2a: {  	[sflag:s20] =	ssyncset.done $0x0  }
0x2b: {  	s22 =	simm.s32 $0x14800;
	[sflag:s20] =	ssyncadd.s32 $0xFFFFFC00  }
0x2c: {  	[tilespmem:s22], [sflag:$0x6] =	stream.linear.gather [hbm4b:s12+s13], $0x400, $0x38;
	[tilespmem:$0x1F800] =	vst v63  }
0x2d: {  	_ =	swait.ge [sflag:s20], $0x400  }
0x2e: {  	[sflag:s20] =	ssyncset.done $0x0  }
0x2f: {  	[sflag:s20] =	ssyncadd.s32 $0xFFFFFC00  }
0x30: {  	[tilespmem:s24], [sflag:$0x1] =	stream.indirect.gather [hbm4b:s5+s23], $0x80, s18, s23, $0xb8;
	[tilespmem:$0x1F800] =	vst v63  }
.LBB2_4:
0x31: {  	p0 =	seq.s32 s13, $0x0  }
0x32: {  	s15 =	smov.u32 s13;
	s13 =	simm.s32 @!p0 $0x4  }
0x33: {  	_ =	swait.ge @!p0 [sflag:s13], $0x4000  }
0x34: {  	s11 =	sand.u32 $0x400, s15;
	[sflag:s13] =	ssyncset.done @!p0 $0x0  }
0x35: {  	s21 =	sor.u32 $0x14080, s11;
	[sflag:s13] =	ssyncadd.s32 @!p0 $0xFFFFC000  }
0x36: {  	[tilespmem:s25], [sflag:$0x2] =	stream.indirect.gather [hbm4b:s5+s23], $0x80, s21, s23, $0xb8;
	[tilespmem:$0x1F800] =	vst v63  }
0x37: {  	v2 =	vld [tilespmem:s11+$0x14800];
	_ =	sdelay $0x7  }
0x38: {  	[tilespmem:v2+s26+$0x0] =	vst.idx.add.f32.msk $0xffff, v1  }
0x39: {  	v2 =	vld [tilespmem:s11+$0x14810];
	_ =	sdelay $0x7  }
0x3a: {  	[tilespmem:v2+s26+$0x0] =	vst.idx.add.f32.msk $0xffff, v1  }
0x3b: {  	v2 =	vld [tilespmem:s11+$0x14820];
	_ =	sdelay $0x7  }
0x3c: {  	[tilespmem:v2+s26+$0x0] =	vst.idx.add.f32.msk $0xffff, v1  }
0x3d: {  	v2 =	vld [tilespmem:s11+$0x14830];
	_ =	sdelay $0x7  }
0x3e: {  	[tilespmem:v2+s26+$0x0] =	vst.idx.add.f32.msk $0xffff, v1  }
0x3f: {  	v2 =	vld [tilespmem:s11+$0x14840];
	_ =	sdelay $0x7  }
0x40: {  	[tilespmem:v2+s26+$0x0] =	vst.idx.add.f32.msk $0xffff, v1  }
0x41: {  	v2 =	vld [tilespmem:s11+$0x14850];
	_ =	sdelay $0x7  }
0x42: {  	[tilespmem:v2+s26+$0x0] =	vst.idx.add.f32.msk $0xffff, v1  }
0x43: {  	v2 =	vld [tilespmem:s11+$0x14860];
	_ =	sdelay $0x7  }
0x44: {  	[tilespmem:v2+s26+$0x0] =	vst.idx.add.f32.msk $0xffff, v1  }
0x45: {  	v2 =	vld [tilespmem:s11+$0x14870];
	_ =	sdelay $0x7  }
0x46: {  	[tilespmem:v2+s26+$0x0] =	vst.idx.add.f32.msk $0xffff, v1  }
0x47: {  	_ =	swait.ge [sflag:s28], $0x4000  }
0x48: {  	[sflag:s28] =	ssyncset.done $0x0  }
0x49: {  	s22 =	sor.u32 $0x14800, s11;
	[sflag:s28] =	ssyncadd.s32 $0xFFFFC000  }
0x4a: {  	[spmem:s3] =	stream.indirect.scatter.add.f32 [tilespmem:s24], [sflag:$0x3], $0x80, s22, s23, $0xb8;
	[tilespmem:$0x1F800] =	vst v63  }
0x4b: {  	_ =	swait.ge [sflag:s29], $0x4000  }
0x4c: {  	[sflag:s29] =	ssyncset.done $0x0  }
0x4d: {  	s16 =	sor.u32 $0x14100, s11;
	[sflag:s29] =	ssyncadd.s32 $0xFFFFC000  }
0x4e: {  	[tilespmem:s24], [sflag:$0x1] =	stream.indirect.gather [hbm4b:s5+s23], $0x80, s16, s23, $0xb8;
	[tilespmem:$0x1F800] =	vst v63  }
0x4f: {  	v2 =	vld [tilespmem:s11+$0x14880];
	_ =	sdelay $0x7  }
0x50: {  	[tilespmem:v2+s26+$0x0] =	vst.idx.add.f32.msk $0xffff, v1  }
0x51: {  	v2 =	vld [tilespmem:s11+$0x14890];
	_ =	sdelay $0x7  }
0x52: {  	[tilespmem:v2+s26+$0x0] =	vst.idx.add.f32.msk $0xffff, v1  }
0x53: {  	v2 =	vld [tilespmem:s11+$0x148A0];
	_ =	sdelay $0x7  }
0x54: {  	[tilespmem:v2+s26+$0x0] =	vst.idx.add.f32.msk $0xffff, v1  }
0x55: {  	v2 =	vld [tilespmem:s11+$0x148B0];
	_ =	sdelay $0x7  }
0x56: {  	[tilespmem:v2+s26+$0x0] =	vst.idx.add.f32.msk $0xffff, v1  }
0x57: {  	v2 =	vld [tilespmem:s11+$0x148C0];
	_ =	sdelay $0x7  }
0x58: {  	[tilespmem:v2+s26+$0x0] =	vst.idx.add.f32.msk $0xffff, v1  }
0x59: {  	v2 =	vld [tilespmem:s11+$0x148D0];
	_ =	sdelay $0x7  }
0x5a: {  	[tilespmem:v2+s26+$0x0] =	vst.idx.add.f32.msk $0xffff, v1  }
0x5b: {  	v2 =	vld [tilespmem:s11+$0x148E0];
	_ =	sdelay $0x7  }
0x5c: {  	[tilespmem:v2+s26+$0x0] =	vst.idx.add.f32.msk $0xffff, v1  }
0x5d: {  	v2 =	vld [tilespmem:s11+$0x148F0];
	_ =	sdelay $0x7  }
0x5e: {  	s13 =	sadd.s32 $0x400, s15;
	[tilespmem:v2+s26+$0x0] =	vst.idx.add.f32.msk $0xffff, v1  }
0x5f: {  	p0 =	seq.s32 s15, $0x4C00;
	s16 =	smov.u32 s13;
	_ =	swait.ge [sflag:s30], $0x4000  }
0x60: {  	s16 =	simm.s32 @p0 $0x0;
	[sflag:s30] =	ssyncset.done $0x0  }
0x61: {  	s17 =	sor.u32 $0x14880, s11;
	s21 =	sadd.s32 s8, s16;
	[sflag:s30] =	ssyncadd.s32 $0xFFFFC000  }
0x62: {  	[spmem:s3] =	stream.indirect.scatter.add.f32 [tilespmem:s25], [sflag:$0x4], $0x80, s17, s23, $0xb8;
	[tilespmem:$0x1F800] =	vst v63  }
0x63: {  	s16 =	sadd.s32 s7, s16;
	s22 =	sshrl.u32 s21, $0x3;
	_ =	swait.ge [sflag:s31], $0x4000  }
0x64: {  	s16 =	sshrl.u32 s16, $0x3;
	s17 =	sxor.u32 $0x400, s11;
	[sflag:s31] =	ssyncset.done $0x0  }
0x65: {  	s22 =	sadd.s32 s6, s22;
	s15 =	sor.u32 $0x14000, s17;
	[sflag:s31] =	ssyncadd.s32 $0xFFFFC000  }
0x66: {  	[tilespmem:s15], [sflag:$0x5] =	stream.linear.gather [hbm4b:s22+s4], $0x400, $0x38;
	[tilespmem:$0x1F800] =	vst v63  }
0x67: {  	s16 =	sadd.s32 s1, s16;
	s17 =	sor.u32 $0x14800, s17  }
0x68: {  	[tilespmem:s17], [sflag:$0x5] =	stream.linear.gather [hbm4b:s16+s4], $0x400, $0x38;
	[tilespmem:$0x1F800] =	vst v63  }
0x69: {  	s22 =	sor.u32 $0x14180, s11  }
0x6a: {  	[tilespmem:s25], [sflag:$0x2] =	stream.indirect.gather [hbm4b:s5+s23], $0x80, s22, s23, $0xb8;
	[tilespmem:$0x1F800] =	vst v63  }
0x6b: {  	v2 =	vld [tilespmem:s11+$0x14900];
	_ =	sdelay $0x7  }
0x6c: {  	[tilespmem:v2+s26+$0x0] =	vst.idx.add.f32.msk $0xffff, v1  }
0x6d: {  	v2 =	vld [tilespmem:s11+$0x14910];
	_ =	sdelay $0x7  }
0x6e: {  	[tilespmem:v2+s26+$0x0] =	vst.idx.add.f32.msk $0xffff, v1  }
0x6f: {  	v2 =	vld [tilespmem:s11+$0x14920];
	_ =	sdelay $0x7  }
0x70: {  	[tilespmem:v2+s26+$0x0] =	vst.idx.add.f32.msk $0xffff, v1  }
0x71: {  	v2 =	vld [tilespmem:s11+$0x14930];
	_ =	sdelay $0x7  }
0x72: {  	[tilespmem:v2+s26+$0x0] =	vst.idx.add.f32.msk $0xffff, v1  }
0x73: {  	v2 =	vld [tilespmem:s11+$0x14940];
	_ =	sdelay $0x7  }
0x74: {  	[tilespmem:v2+s26+$0x0] =	vst.idx.add.f32.msk $0xffff, v1  }
0x75: {  	v2 =	vld [tilespmem:s11+$0x14950];
	_ =	sdelay $0x7  }
0x76: {  	[tilespmem:v2+s26+$0x0] =	vst.idx.add.f32.msk $0xffff, v1  }
0x77: {  	v2 =	vld [tilespmem:s11+$0x14960];
	_ =	sdelay $0x7  }
0x78: {  	[tilespmem:v2+s26+$0x0] =	vst.idx.add.f32.msk $0xffff, v1  }
0x79: {  	v2 =	vld [tilespmem:s11+$0x14970];
	_ =	sdelay $0x7  }
0x7a: {  	[tilespmem:v2+s26+$0x0] =	vst.idx.add.f32.msk $0xffff, v1  }
0x7b: {  	_ =	swait.ge [sflag:s28], $0x4000  }
0x7c: {  	[sflag:s28] =	ssyncset.done $0x0  }
0x7d: {  	s17 =	sor.u32 $0x14900, s11;
	[sflag:s28] =	ssyncadd.s32 $0xFFFFC000  }
0x7e: {  	[spmem:s3] =	stream.indirect.scatter.add.f32 [tilespmem:s24], [sflag:$0x3], $0x80, s17, s23, $0xb8;
	[tilespmem:$0x1F800] =	vst v63  }
0x7f: {  	_ =	swait.ge [sflag:s29], $0x4000  }
0x80: {  	[sflag:s29] =	ssyncset.done $0x0  }
0x81: {  	s21 =	sor.u32 $0x14200, s11;
	[sflag:s29] =	ssyncadd.s32 $0xFFFFC000  }
0x82: {  	[tilespmem:s24], [sflag:$0x1] =	stream.indirect.gather [hbm4b:s5+s23], $0x80, s21, s23, $0xb8;
	[tilespmem:$0x1F800] =	vst v63  }
0x83: {  	v2 =	vld [tilespmem:s11+$0x14980];
	_ =	sdelay $0x7  }
0x84: {  	[tilespmem:v2+s26+$0x0] =	vst.idx.add.f32.msk $0xffff, v1  }
0x85: {  	v2 =	vld [tilespmem:s11+$0x14990];
	_ =	sdelay $0x7  }
0x86: {  	[tilespmem:v2+s26+$0x0] =	vst.idx.add.f32.msk $0xffff, v1  }
0x87: {  	v2 =	vld [tilespmem:s11+$0x149A0];
	_ =	sdelay $0x7  }
0x88: {  	[tilespmem:v2+s26+$0x0] =	vst.idx.add.f32.msk $0xffff, v1  }
0x89: {  	v2 =	vld [tilespmem:s11+$0x149B0];
	_ =	sdelay $0x7  }
0x8a: {  	[tilespmem:v2+s26+$0x0] =	vst.idx.add.f32.msk $0xffff, v1  }
0x8b: {  	v2 =	vld [tilespmem:s11+$0x149C0];
	_ =	sdelay $0x7  }
0x8c: {  	[tilespmem:v2+s26+$0x0] =	vst.idx.add.f32.msk $0xffff, v1  }
0x8d: {  	v2 =	vld [tilespmem:s11+$0x149D0];
	_ =	sdelay $0x7  }
0x8e: {  	[tilespmem:v2+s26+$0x0] =	vst.idx.add.f32.msk $0xffff, v1  }
0x8f: {  	v2 =	vld [tilespmem:s11+$0x149E0];
	_ =	sdelay $0x7  }
0x90: {  	[tilespmem:v2+s26+$0x0] =	vst.idx.add.f32.msk $0xffff, v1  }
0x91: {  	v2 =	vld [tilespmem:s11+$0x149F0];
	_ =	sdelay $0x7  }
0x92: {  	[tilespmem:v2+s26+$0x0] =	vst.idx.add.f32.msk $0xffff, v1  }
0x93: {  	_ =	swait.ge [sflag:s30], $0x4000  }
0x94: {  	[sflag:s30] =	ssyncset.done $0x0  }
0x95: {  	s22 =	sor.u32 $0x14980, s11;
	[sflag:s30] =	ssyncadd.s32 $0xFFFFC000  }
0x96: {  	[spmem:s3] =	stream.indirect.scatter.add.f32 [tilespmem:s25], [sflag:$0x4], $0x80, s22, s23, $0xb8;
	[tilespmem:$0x1F800] =	vst v63  }
0x97: {  	_ =	swait.ge [sflag:s31], $0x4000  }
0x98: {  	[sflag:s31] =	ssyncset.done $0x0  }
0x99: {  	s17 =	sor.u32 $0x14280, s11;
	[sflag:s31] =	ssyncadd.s32 $0xFFFFC000  }
0x9a: {  	[tilespmem:s25], [sflag:$0x2] =	stream.indirect.gather [hbm4b:s5+s23], $0x80, s17, s23, $0xb8;
	[tilespmem:$0x1F800] =	vst v63  }
0x9b: {  	v2 =	vld [tilespmem:s11+$0x14A00];
	_ =	sdelay $0x7  }
0x9c: {  	[tilespmem:v2+s26+$0x0] =	vst.idx.add.f32.msk $0xffff, v1  }
0x9d: {  	v2 =	vld [tilespmem:s11+$0x14A10];
	_ =	sdelay $0x7  }
0x9e: {  	[tilespmem:v2+s26+$0x0] =	vst.idx.add.f32.msk $0xffff, v1  }
0x9f: {  	v2 =	vld [tilespmem:s11+$0x14A20];
	_ =	sdelay $0x7  }
0xa0: {  	[tilespmem:v2+s26+$0x0] =	vst.idx.add.f32.msk $0xffff, v1  }
0xa1: {  	v2 =	vld [tilespmem:s11+$0x14A30];
	_ =	sdelay $0x7  }
0xa2: {  	[tilespmem:v2+s26+$0x0] =	vst.idx.add.f32.msk $0xffff, v1  }
0xa3: {  	v2 =	vld [tilespmem:s11+$0x14A40];
	_ =	sdelay $0x7  }
0xa4: {  	[tilespmem:v2+s26+$0x0] =	vst.idx.add.f32.msk $0xffff, v1  }
0xa5: {  	v2 =	vld [tilespmem:s11+$0x14A50];
	_ =	sdelay $0x7  }
0xa6: {  	[tilespmem:v2+s26+$0x0] =	vst.idx.add.f32.msk $0xffff, v1  }
0xa7: {  	v2 =	vld [tilespmem:s11+$0x14A60];
	_ =	sdelay $0x7  }
0xa8: {  	[tilespmem:v2+s26+$0x0] =	vst.idx.add.f32.msk $0xffff, v1  }
0xa9: {  	v2 =	vld [tilespmem:s11+$0x14A70];
	_ =	sdelay $0x7  }
0xaa: {  	[tilespmem:v2+s26+$0x0] =	vst.idx.add.f32.msk $0xffff, v1  }
0xab: {  	_ =	swait.ge [sflag:s28], $0x4000  }
0xac: {  	[sflag:s28] =	ssyncset.done $0x0  }
0xad: {  	s21 =	sor.u32 $0x14A00, s11;
	[sflag:s28] =	ssyncadd.s32 $0xFFFFC000  }
0xae: {  	[spmem:s3] =	stream.indirect.scatter.add.f32 [tilespmem:s24], [sflag:$0x3], $0x80, s21, s23, $0xb8;
	[tilespmem:$0x1F800] =	vst v63  }
0xaf: {  	_ =	swait.ge [sflag:s29], $0x4000  }
0xb0: {  	[sflag:s29] =	ssyncset.done $0x0  }
0xb1: {  	s22 =	sor.u32 $0x14300, s11;
	[sflag:s29] =	ssyncadd.s32 $0xFFFFC000  }
0xb2: {  	[tilespmem:s24], [sflag:$0x1] =	stream.indirect.gather [hbm4b:s5+s23], $0x80, s22, s23, $0xb8;
	[tilespmem:$0x1F800] =	vst v63  }
0xb3: {  	v2 =	vld [tilespmem:s11+$0x14A80];
	_ =	sdelay $0x7  }
0xb4: {  	[tilespmem:v2+s26+$0x0] =	vst.idx.add.f32.msk $0xffff, v1  }
0xb5: {  	v2 =	vld [tilespmem:s11+$0x14A90];
	_ =	sdelay $0x7  }
0xb6: {  	[tilespmem:v2+s26+$0x0] =	vst.idx.add.f32.msk $0xffff, v1  }
0xb7: {  	v2 =	vld [tilespmem:s11+$0x14AA0];
	_ =	sdelay $0x7  }
0xb8: {  	[tilespmem:v2+s26+$0x0] =	vst.idx.add.f32.msk $0xffff, v1  }
0xb9: {  	v2 =	vld [tilespmem:s11+$0x14AB0];
	_ =	sdelay $0x7  }
0xba: {  	[tilespmem:v2+s26+$0x0] =	vst.idx.add.f32.msk $0xffff, v1  }
0xbb: {  	v2 =	vld [tilespmem:s11+$0x14AC0];
	_ =	sdelay $0x7  }
0xbc: {  	[tilespmem:v2+s26+$0x0] =	vst.idx.add.f32.msk $0xffff, v1  }
0xbd: {  	v2 =	vld [tilespmem:s11+$0x14AD0];
	_ =	sdelay $0x7  }
0xbe: {  	[tilespmem:v2+s26+$0x0] =	vst.idx.add.f32.msk $0xffff, v1  }
0xbf: {  	v2 =	vld [tilespmem:s11+$0x14AE0];
	_ =	sdelay $0x7  }
0xc0: {  	[tilespmem:v2+s26+$0x0] =	vst.idx.add.f32.msk $0xffff, v1  }
0xc1: {  	v2 =	vld [tilespmem:s11+$0x14AF0];
	_ =	sdelay $0x7  }
0xc2: {  	[tilespmem:v2+s26+$0x0] =	vst.idx.add.f32.msk $0xffff, v1  }
0xc3: {  	_ =	swait.ge [sflag:s30], $0x4000  }
0xc4: {  	[sflag:s30] =	ssyncset.done $0x0  }
0xc5: {  	s17 =	sor.u32 $0x14A80, s11;
	[sflag:s30] =	ssyncadd.s32 $0xFFFFC000  }
0xc6: {  	[spmem:s3] =	stream.indirect.scatter.add.f32 [tilespmem:s25], [sflag:$0x4], $0x80, s17, s23, $0xb8;
	[tilespmem:$0x1F800] =	vst v63  }
0xc7: {  	_ =	swait.ge [sflag:s31], $0x4000  }
0xc8: {  	[sflag:s31] =	ssyncset.done $0x0  }
0xc9: {  	s21 =	sor.u32 $0x14380, s11;
	[sflag:s31] =	ssyncadd.s32 $0xFFFFC000  }
0xca: {  	[tilespmem:s25], [sflag:$0x2] =	stream.indirect.gather [hbm4b:s5+s23], $0x80, s21, s23, $0xb8;
	[tilespmem:$0x1F800] =	vst v63  }
0xcb: {  	v2 =	vld [tilespmem:s11+$0x14B00];
	_ =	sdelay $0x7  }
0xcc: {  	[tilespmem:v2+s26+$0x0] =	vst.idx.add.f32.msk $0xffff, v1  }
0xcd: {  	v2 =	vld [tilespmem:s11+$0x14B10];
	_ =	sdelay $0x7  }
0xce: {  	[tilespmem:v2+s26+$0x0] =	vst.idx.add.f32.msk $0xffff, v1  }
0xcf: {  	v2 =	vld [tilespmem:s11+$0x14B20];
	_ =	sdelay $0x7  }
0xd0: {  	[tilespmem:v2+s26+$0x0] =	vst.idx.add.f32.msk $0xffff, v1  }
0xd1: {  	v2 =	vld [tilespmem:s11+$0x14B30];
	_ =	sdelay $0x7  }
0xd2: {  	[tilespmem:v2+s26+$0x0] =	vst.idx.add.f32.msk $0xffff, v1  }
0xd3: {  	v2 =	vld [tilespmem:s11+$0x14B40];
	_ =	sdelay $0x7  }
0xd4: {  	[tilespmem:v2+s26+$0x0] =	vst.idx.add.f32.msk $0xffff, v1  }
0xd5: {  	v2 =	vld [tilespmem:s11+$0x14B50];
	_ =	sdelay $0x7  }
0xd6: {  	[tilespmem:v2+s26+$0x0] =	vst.idx.add.f32.msk $0xffff, v1  }
0xd7: {  	v2 =	vld [tilespmem:s11+$0x14B60];
	_ =	sdelay $0x7  }
0xd8: {  	[tilespmem:v2+s26+$0x0] =	vst.idx.add.f32.msk $0xffff, v1  }
0xd9: {  	v2 =	vld [tilespmem:s11+$0x14B70];
	_ =	sdelay $0x7  }
0xda: {  	[tilespmem:v2+s26+$0x0] =	vst.idx.add.f32.msk $0xffff, v1  }
0xdb: {  	_ =	swait.ge [sflag:s28], $0x4000  }
0xdc: {  	[sflag:s28] =	ssyncset.done $0x0  }
0xdd: {  	s22 =	sor.u32 $0x14B00, s11;
	[sflag:s28] =	ssyncadd.s32 $0xFFFFC000  }
0xde: {  	[spmem:s3] =	stream.indirect.scatter.add.f32 [tilespmem:s24], [sflag:$0x3], $0x80, s22, s23, $0xb8;
	[tilespmem:$0x1F800] =	vst v63  }
0xdf: {  	_ =	swait.ge [sflag:s29], $0x4000  }
0xe0: {  	[sflag:s29] =	ssyncset.done $0x0  }
0xe1: {  	[sflag:s29] =	ssyncadd.s32 $0xFFFFC000  }
0xe2: {  	_ =	swait.ge [sflag:s0], $0x400  }
0xe3: {  	[sflag:s0] =	ssyncset.done $0x0  }
0xe4: {  	[sflag:s0] =	ssyncadd.s32 $0xFFFFFC00  }
0xe5: {  	_ =	swait.ge [sflag:s0], $0x400  }
0xe6: {  	[sflag:s0] =	ssyncset.done $0x0  }
0xe7: {  	[sflag:s0] =	ssyncadd.s32 $0xFFFFFC00  }
0xe8: {  	[tilespmem:s24], [sflag:$0x1] =	stream.indirect.gather [hbm4b:s5+s23], $0x80, s15, s23, $0xb8;
	[tilespmem:$0x1F800] =	vst v63  }
0xe9: {  	v2 =	vld [tilespmem:s11+$0x14B80];
	_ =	sdelay $0x7  }
0xea: {  	[tilespmem:v2+s26+$0x0] =	vst.idx.add.f32.msk $0xffff, v1  }
0xeb: {  	v2 =	vld [tilespmem:s11+$0x14B90];
	_ =	sdelay $0x7  }
0xec: {  	[tilespmem:v2+s26+$0x0] =	vst.idx.add.f32.msk $0xffff, v1  }
0xed: {  	v2 =	vld [tilespmem:s11+$0x14BA0];
	_ =	sdelay $0x7  }
0xee: {  	[tilespmem:v2+s26+$0x0] =	vst.idx.add.f32.msk $0xffff, v1  }
0xef: {  	v2 =	vld [tilespmem:s11+$0x14BB0];
	_ =	sdelay $0x7  }
0xf0: {  	[tilespmem:v2+s26+$0x0] =	vst.idx.add.f32.msk $0xffff, v1  }
0xf1: {  	v2 =	vld [tilespmem:s11+$0x14BC0];
	_ =	sdelay $0x7  }
0xf2: {  	[tilespmem:v2+s26+$0x0] =	vst.idx.add.f32.msk $0xffff, v1  }
0xf3: {  	v2 =	vld [tilespmem:s11+$0x14BD0];
	_ =	sdelay $0x7  }
0xf4: {  	[tilespmem:v2+s26+$0x0] =	vst.idx.add.f32.msk $0xffff, v1  }
0xf5: {  	v2 =	vld [tilespmem:s11+$0x14BE0];
	_ =	sdelay $0x7  }
0xf6: {  	[tilespmem:v2+s26+$0x0] =	vst.idx.add.f32.msk $0xffff, v1  }
0xf7: {  	v2 =	vld [tilespmem:s11+$0x14BF0];
	_ =	sdelay $0x6  }
0xf8: {  	p0 =	sne.s32 s13, $0x5000  }
.Ltmp1:
0xf9: {  	[tilespmem:v2+s26+$0x0] =	vst.idx.add.f32.msk $0xffff, v1;
	(pc) =	sbr.rel @p0 .LBB2_4-.Ltmp1, $4  }
0xfa: {  	_ =	swait.ge [sflag:s30], $0x4000  }
0xfb: {  	[sflag:s30] =	ssyncset.done $0x0  }
0xfc: {  	s11 =	sor.u32 $0x14B80, s11;
	[sflag:s30] =	ssyncadd.s32 $0xFFFFC000  }
0xfd: {  	[spmem:s3] =	stream.indirect.scatter.add.f32 [tilespmem:s25], [sflag:$0x4], $0x80, s11, s23, $0xb8;
	[tilespmem:$0x1F800] =	vst v63  }
0xfe: {  	_ =	swait.ge [sflag:s28], $0x4000  }
0xff: {  	[sflag:s28] =	ssyncset.done $0x0  }
0x100: {  	[sflag:s28] =	ssyncadd.s32 $0xFFFFC000  }
0x101: {  	_ =	swait.ge [sflag:s31], $0x4000  }
0x102: {  	[sflag:s31] =	ssyncset.done $0x0  }
0x103: {  	[sflag:s31] =	ssyncadd.s32 $0xFFFFC000  }
0x104: {  	[bflag:$0x0] =	sbarrier.arrive $0xFFFF  }
0x105: {  	s11 =	rddreg [dreg:$0x7]  }
0x106: {  	[hbm:s11], [sflag:s10] =	dma.local [spmem:s19], $0x2800  }
0x107: {  	_ =	swait.ge [sflag:s20], $0x2800  }
0x108: {  	[sflag:s20] =	ssyncset.done $0x0  }
0x109: {  	s13 =	simm.s32 $0x400;
	s22 =	rddreg [dreg:$0x8];
	[sflag:s20] =	ssyncadd.s32 $0xFFFFD800  }
0x10a: {  	[hbm4b:s22+s23] =	stream.strided.scatter [tilespmem:s26], [sflag:$0x6], $0x2800, s13, s23, $0x38;
	[tilespmem:$0x1F800] =	vst v63  }
0x10b: {  	_ =	swait.ge [sflag:s20], $0x2800  }
0x10c: {  	[sflag:s20] =	ssyncset.done $0x0  }
0x10d: {  	[sflag:s20] =	ssyncadd.s32 $0xFFFFD800  }
0x10e: {  	[bflag:$0x0] =	sbarrier.arrive $0xFFFF  }
0x10f: {  	[spmem:s19], [sflag:s10] =	dma.local [hbm:s9], $0x2800  }
0x110: {  	_ =	swait.ge [sflag:s20], $0x2800  }
0x111: {  	[sflag:s20] =	ssyncset.done $0x0  }
0x112: {  	[sflag:s20] =	ssyncadd.s32 $0xFFFFD800  }
0x113: {  	[bflag:$0x0] =	sbarrier.arrive $0xFFFF  }
0x114: {  	s15 =	simm.s32 $0x0;
	s16 =	rddreg [dreg:$0x9]  }
0x115: {  	[tilespmem:s18], [sflag:$0x6] =	stream.linear.gather [hbm4b:s16+s15], $0x400, $0x38;
	[tilespmem:$0x1F800] =	vst v63  }
0x116: {  	_ =	swait.ge [sflag:s20], $0x400  }
0x117: {  	[sflag:s20] =	ssyncset.done $0x0  }
0x118: {  	s17 =	simm.s32 $0x14800;
	[sflag:s20] =	ssyncadd.s32 $0xFFFFFC00  }
0x119: {  	[tilespmem:s17], [sflag:$0x6] =	stream.linear.gather [hbm4b:s12+s15], $0x400, $0x38;
	[tilespmem:$0x1F800] =	vst v63  }
0x11a: {  	_ =	swait.ge [sflag:s20], $0x400  }
0x11b: {  	p0 =	por $0x1, $0x1;
	[sflag:s20] =	ssyncset.done $0x0  }
0x11c: {  	s13 =	simm.s32 @!p0 $0x4;
	[sflag:s20] =	ssyncadd.s32 $0xFFFFFC00  }
0x11d: {  	[tilespmem:s24], [sflag:$0x1] =	stream.indirect.gather [hbm4b:s5+s23], $0x80, s18, s23, $0xb8;
	[tilespmem:$0x1F800] =	vst v63  }
0x11e: {  	_ =	swait.ge @!p0 [sflag:s13], $0x4000  }
0x11f: {  	s11 =	sand.u32 $0x400, s15;
	[sflag:s13] =	ssyncset.done @!p0 $0x0  }
0x120: {  	s15 =	sor.u32 $0x14080, s11;
	[sflag:s13] =	ssyncadd.s32 @!p0 $0xFFFFC000  }
0x121: {  	[tilespmem:s25], [sflag:$0x2] =	stream.indirect.gather [hbm4b:s5+s23], $0x80, s15, s23, $0xb8;
	[tilespmem:$0x1F800] =	vst v63  }
0x122: {  	_ =	swait.ge [sflag:s28], $0x4000  }
0x123: {  	[sflag:s28] =	ssyncset.done $0x0  }
0x124: {  	s18 =	sor.u32 $0x14800, s11;
	[sflag:s28] =	ssyncadd.s32 $0xFFFFC000  }
0x125: {  	[spmem:s3] =	stream.indirect.scatter.add.f32 [tilespmem:s24], [sflag:$0x3], $0x80, s18, s23, $0xb8;
	[tilespmem:$0x1F800] =	vst v63  }
0x126: {  	_ =	swait.ge [sflag:s29], $0x4000  }
0x127: {  	[sflag:s29] =	ssyncset.done $0x0  }
0x128: {  	s22 =	sor.u32 $0x14100, s11;
	[sflag:s29] =	ssyncadd.s32 $0xFFFFC000  }
0x129: {  	[tilespmem:s24], [sflag:$0x1] =	stream.indirect.gather [hbm4b:s5+s23], $0x80, s22, s23, $0xb8;
	[tilespmem:$0x1F800] =	vst v63  }
0x12a: {  	s21 =	smov.u32 s12;
	s9 =	sor.u32 $0x14880, s11;
	_ =	swait.ge [sflag:s30], $0x4000  }
0x12b: {  	p0 =	por $0x0, $0x0;
	s15 =	simm.s32 $0x400;
	[sflag:s30] =	ssyncset.done $0x0  }
0x12c: {  	s16 =	sxor.u32 $0x400, s11;
	s15 =	simm.s32 @p0 $0x0;
	[sflag:s30] =	ssyncadd.s32 $0xFFFFC000  }
0x12d: {  	[spmem:s3] =	stream.indirect.scatter.add.f32 [tilespmem:s25], [sflag:$0x4], $0x80, s9, s23, $0xb8;
	[tilespmem:$0x1F800] =	vst v63  }
0x12e: {  	s13 =	sor.u32 $0x14000, s16;
	s12 =	sadd.s32 s14, s15;
	_ =	swait.ge [sflag:s31], $0x4000  }
0x12f: {  	s15 =	sadd.s32 s7, s15;
	s17 =	sshrl.u32 s12, $0x3;
	[sflag:s31] =	ssyncset.done $0x0  }
0x130: {  	s15 =	sshrl.u32 s15, $0x3;
	s17 =	sadd.s32 s6, s17;
	[sflag:s31] =	ssyncadd.s32 $0xFFFFC000  }
0x131: {  	[tilespmem:s13], [sflag:$0x5] =	stream.linear.gather [hbm4b:s17+s4], $0x400, $0x38;
	[tilespmem:$0x1F800] =	vst v63  }
0x132: {  	s16 =	sor.u32 $0x14800, s16;
	s15 =	sadd.s32 s1, s15  }
0x133: {  	[tilespmem:s16], [sflag:$0x5] =	stream.linear.gather [hbm4b:s15+s4], $0x400, $0x38;
	[tilespmem:$0x1F800] =	vst v63  }
0x134: {  	s16 =	sor.u32 $0x14180, s11  }
0x135: {  	[tilespmem:s25], [sflag:$0x2] =	stream.indirect.gather [hbm4b:s5+s23], $0x80, s16, s23, $0xb8;
	[tilespmem:$0x1F800] =	vst v63  }
0x136: {  	_ =	swait.ge [sflag:s28], $0x4000  }
0x137: {  	[sflag:s28] =	ssyncset.done $0x0  }
0x138: {  	s17 =	sor.u32 $0x14900, s11;
	[sflag:s28] =	ssyncadd.s32 $0xFFFFC000  }
0x139: {  	[spmem:s3] =	stream.indirect.scatter.add.f32 [tilespmem:s24], [sflag:$0x3], $0x80, s17, s23, $0xb8;
	[tilespmem:$0x1F800] =	vst v63  }
0x13a: {  	_ =	swait.ge [sflag:s29], $0x4000  }
0x13b: {  	[sflag:s29] =	ssyncset.done $0x0  }
0x13c: {  	s18 =	sor.u32 $0x14200, s11;
	[sflag:s29] =	ssyncadd.s32 $0xFFFFC000  }
0x13d: {  	[tilespmem:s24], [sflag:$0x1] =	stream.indirect.gather [hbm4b:s5+s23], $0x80, s18, s23, $0xb8;
	[tilespmem:$0x1F800] =	vst v63  }
0x13e: {  	_ =	swait.ge [sflag:s30], $0x4000  }
0x13f: {  	[sflag:s30] =	ssyncset.done $0x0  }
0x140: {  	s22 =	sor.u32 $0x14980, s11;
	[sflag:s30] =	ssyncadd.s32 $0xFFFFC000  }
0x141: {  	[spmem:s3] =	stream.indirect.scatter.add.f32 [tilespmem:s25], [sflag:$0x4], $0x80, s22, s23, $0xb8;
	[tilespmem:$0x1F800] =	vst v63  }
0x142: {  	_ =	swait.ge [sflag:s31], $0x4000  }
0x143: {  	[sflag:s31] =	ssyncset.done $0x0  }
0x144: {  	s9 =	sor.u32 $0x14280, s11;
	[sflag:s31] =	ssyncadd.s32 $0xFFFFC000  }
0x145: {  	[tilespmem:s25], [sflag:$0x2] =	stream.indirect.gather [hbm4b:s5+s23], $0x80, s9, s23, $0xb8;
	[tilespmem:$0x1F800] =	vst v63  }
0x146: {  	_ =	swait.ge [sflag:s28], $0x4000  }
0x147: {  	[sflag:s28] =	ssyncset.done $0x0  }
0x148: {  	s12 =	sor.u32 $0x14A00, s11;
	[sflag:s28] =	ssyncadd.s32 $0xFFFFC000  }
0x149: {  	[spmem:s3] =	stream.indirect.scatter.add.f32 [tilespmem:s24], [sflag:$0x3], $0x80, s12, s23, $0xb8;
	[tilespmem:$0x1F800] =	vst v63  }
0x14a: {  	_ =	swait.ge [sflag:s29], $0x4000  }
0x14b: {  	[sflag:s29] =	ssyncset.done $0x0  }
0x14c: {  	s16 =	sor.u32 $0x14300, s11;
	[sflag:s29] =	ssyncadd.s32 $0xFFFFC000  }
0x14d: {  	[tilespmem:s24], [sflag:$0x1] =	stream.indirect.gather [hbm4b:s5+s23], $0x80, s16, s23, $0xb8;
	[tilespmem:$0x1F800] =	vst v63  }
0x14e: {  	_ =	swait.ge [sflag:s30], $0x4000  }
0x14f: {  	[sflag:s30] =	ssyncset.done $0x0  }
0x150: {  	s17 =	sor.u32 $0x14A80, s11;
	[sflag:s30] =	ssyncadd.s32 $0xFFFFC000  }
0x151: {  	[spmem:s3] =	stream.indirect.scatter.add.f32 [tilespmem:s25], [sflag:$0x4], $0x80, s17, s23, $0xb8;
	[tilespmem:$0x1F800] =	vst v63  }
0x152: {  	_ =	swait.ge [sflag:s31], $0x4000  }
0x153: {  	[sflag:s31] =	ssyncset.done $0x0  }
0x154: {  	s18 =	sor.u32 $0x14380, s11;
	[sflag:s31] =	ssyncadd.s32 $0xFFFFC000  }
0x155: {  	[tilespmem:s25], [sflag:$0x2] =	stream.indirect.gather [hbm4b:s5+s23], $0x80, s18, s23, $0xb8;
	[tilespmem:$0x1F800] =	vst v63  }
0x156: {  	_ =	swait.ge [sflag:s28], $0x4000  }
0x157: {  	[sflag:s28] =	ssyncset.done $0x0  }
0x158: {  	s22 =	sor.u32 $0x14B00, s11;
	[sflag:s28] =	ssyncadd.s32 $0xFFFFC000  }
0x159: {  	[spmem:s3] =	stream.indirect.scatter.add.f32 [tilespmem:s24], [sflag:$0x3], $0x80, s22, s23, $0xb8;
	[tilespmem:$0x1F800] =	vst v63  }
0x15a: {  	_ =	swait.ge [sflag:s29], $0x4000  }
0x15b: {  	[sflag:s29] =	ssyncset.done $0x0  }
0x15c: {  	[sflag:s29] =	ssyncadd.s32 $0xFFFFC000  }
0x15d: {  	_ =	swait.ge [sflag:s0], $0x400  }
0x15e: {  	[sflag:s0] =	ssyncset.done $0x0  }
0x15f: {  	[sflag:s0] =	ssyncadd.s32 $0xFFFFFC00  }
0x160: {  	_ =	swait.ge [sflag:s0], $0x400  }
0x161: {  	[sflag:s0] =	ssyncset.done $0x0  }
0x162: {  	p1 =	por $0x0, $0x0;
	[sflag:s0] =	ssyncadd.s32 $0xFFFFFC00  }
0x163: {  	[tilespmem:s24], [sflag:$0x1] =	stream.indirect.gather [hbm4b:s5+s23], $0x80, s13, s23, $0xb8;
	[tilespmem:$0x1F800] =	vst v63  }
0x164: {  	s15 =	simm.s32 $0x400;
	s22 =	simm.s32 $0x800;
	s13 =	simm.s32 $0x800  }
.LBB2_6:
0x165: {  	s16 =	simm.s32 @!p1 $0x4  }
0x166: {  	_ =	swait.ge [sflag:s30], $0x4000;
	s17 =	smov.u32 s22;
	s22 =	sadd.s32 $0x400, s22  }
0x167: {  	p0 =	sne.s32 s22, $0x5000;
	[sflag:s30] =	ssyncset.done $0x0  }
0x168: {  	s18 =	sor.u32 $0x14B80, s11;
	s11 =	sand.u32 $0x400, s15;
	[sflag:s30] =	ssyncadd.s32 $0xFFFFC000  }
0x169: {  	[spmem:s3] =	stream.indirect.scatter.add.f32 [tilespmem:s25], [sflag:$0x4], $0x80, s18, s23, $0xb8;
	[tilespmem:$0x1F800] =	vst v63  }
0x16a: {  	s18 =	sor.u32 $0x14080, s11;
	_ =	swait.ge @!p1 [sflag:s16], $0x4000  }
0x16b: {  	[sflag:s16] =	ssyncset.done @!p1 $0x0  }
0x16c: {  	[sflag:s16] =	ssyncadd.s32 @!p1 $0xFFFFC000  }
0x16d: {  	[tilespmem:s25], [sflag:$0x2] =	stream.indirect.gather [hbm4b:s5+s23], $0x80, s18, s23, $0xb8;
	[tilespmem:$0x1F800] =	vst v63  }
0x16e: {  	s16 =	sor.u32 $0x14800, s11;
	_ =	swait.ge [sflag:s28], $0x4000  }
0x16f: {  	[sflag:s28] =	ssyncset.done $0x0  }
0x170: {  	[sflag:s28] =	ssyncadd.s32 $0xFFFFC000  }
0x171: {  	[spmem:s3] =	stream.indirect.scatter.add.f32 [tilespmem:s24], [sflag:$0x3], $0x80, s16, s23, $0xb8;
	[tilespmem:$0x1F800] =	vst v63  }
0x172: {  	s16 =	sor.u32 $0x14100, s11;
	_ =	swait.ge [sflag:s29], $0x4000  }
0x173: {  	[sflag:s29] =	ssyncset.done $0x0  }
0x174: {  	[sflag:s29] =	ssyncadd.s32 $0xFFFFC000  }
0x175: {  	[tilespmem:s24], [sflag:$0x1] =	stream.indirect.gather [hbm4b:s5+s23], $0x80, s16, s23, $0xb8;
	[tilespmem:$0x1F800] =	vst v63  }
0x176: {  	p1 =	seq.s32 s15, $0x4C00;
	s15 =	sor.u32 $0x14880, s11;
	_ =	swait.ge [sflag:s30], $0x4000  }
0x177: {  	s13 =	simm.s32 @p1 $0x0;
	s18 =	sxor.u32 $0x400, s11;
	[sflag:s30] =	ssyncset.done $0x0  }
0x178: {  	s9 =	sadd.s32 s14, s13;
	s13 =	sadd.s32 s7, s13;
	[sflag:s30] =	ssyncadd.s32 $0xFFFFC000  }
0x179: {  	[spmem:s3] =	stream.indirect.scatter.add.f32 [tilespmem:s25], [sflag:$0x4], $0x80, s15, s23, $0xb8;
	[tilespmem:$0x1F800] =	vst v63  }
0x17a: {  	s9 =	sshrl.u32 s9, $0x3;
	s16 =	sor.u32 $0x14000, s18;
	_ =	swait.ge [sflag:s31], $0x4000  }
0x17b: {  	s13 =	sshrl.u32 s13, $0x3;
	s9 =	sadd.s32 s6, s9;
	[sflag:s31] =	ssyncset.done $0x0  }
0x17c: {  	s12 =	sadd.s32 s1, s13;
	s18 =	sor.u32 $0x14800, s18;
	[sflag:s31] =	ssyncadd.s32 $0xFFFFC000  }
0x17d: {  	[tilespmem:s16], [sflag:$0x5] =	stream.linear.gather [hbm4b:s9+s4], $0x400, $0x38;
	[tilespmem:$0x1F800] =	vst v63  }
0x17e: {  	s13 =	smov.u32 s22;
	s15 =	smov.u32 s17;
	s9 =	sor.u32 $0x14180, s11  }
0x17f: {  	[tilespmem:s18], [sflag:$0x5] =	stream.linear.gather [hbm4b:s12+s4], $0x400, $0x38;
	[tilespmem:$0x1F800] =	vst v63  }
0x180: {  	_ = 	snop  }
0x181: {  	[tilespmem:s25], [sflag:$0x2] =	stream.indirect.gather [hbm4b:s5+s23], $0x80, s9, s23, $0xb8;
	[tilespmem:$0x1F800] =	vst v63  }
0x182: {  	s9 =	sor.u32 $0x14900, s11;
	_ =	swait.ge [sflag:s28], $0x4000  }
0x183: {  	[sflag:s28] =	ssyncset.done $0x0  }
0x184: {  	[sflag:s28] =	ssyncadd.s32 $0xFFFFC000  }
0x185: {  	[spmem:s3] =	stream.indirect.scatter.add.f32 [tilespmem:s24], [sflag:$0x3], $0x80, s9, s23, $0xb8;
	[tilespmem:$0x1F800] =	vst v63  }
0x186: {  	s9 =	sor.u32 $0x14200, s11;
	_ =	swait.ge [sflag:s29], $0x4000  }
0x187: {  	[sflag:s29] =	ssyncset.done $0x0  }
0x188: {  	[sflag:s29] =	ssyncadd.s32 $0xFFFFC000  }
0x189: {  	[tilespmem:s24], [sflag:$0x1] =	stream.indirect.gather [hbm4b:s5+s23], $0x80, s9, s23, $0xb8;
	[tilespmem:$0x1F800] =	vst v63  }
0x18a: {  	s9 =	sor.u32 $0x14980, s11;
	_ =	swait.ge [sflag:s30], $0x4000  }
0x18b: {  	[sflag:s30] =	ssyncset.done $0x0  }
0x18c: {  	[sflag:s30] =	ssyncadd.s32 $0xFFFFC000  }
0x18d: {  	[spmem:s3] =	stream.indirect.scatter.add.f32 [tilespmem:s25], [sflag:$0x4], $0x80, s9, s23, $0xb8;
	[tilespmem:$0x1F800] =	vst v63  }
0x18e: {  	s9 =	sor.u32 $0x14280, s11;
	_ =	swait.ge [sflag:s31], $0x4000  }
0x18f: {  	[sflag:s31] =	ssyncset.done $0x0  }
0x190: {  	[sflag:s31] =	ssyncadd.s32 $0xFFFFC000  }
0x191: {  	[tilespmem:s25], [sflag:$0x2] =	stream.indirect.gather [hbm4b:s5+s23], $0x80, s9, s23, $0xb8;
	[tilespmem:$0x1F800] =	vst v63  }
0x192: {  	s9 =	sor.u32 $0x14A00, s11;
	_ =	swait.ge [sflag:s28], $0x4000  }
0x193: {  	[sflag:s28] =	ssyncset.done $0x0  }
0x194: {  	[sflag:s28] =	ssyncadd.s32 $0xFFFFC000  }
0x195: {  	[spmem:s3] =	stream.indirect.scatter.add.f32 [tilespmem:s24], [sflag:$0x3], $0x80, s9, s23, $0xb8;
	[tilespmem:$0x1F800] =	vst v63  }
0x196: {  	s9 =	sor.u32 $0x14300, s11;
	_ =	swait.ge [sflag:s29], $0x4000  }
0x197: {  	[sflag:s29] =	ssyncset.done $0x0  }
0x198: {  	[sflag:s29] =	ssyncadd.s32 $0xFFFFC000  }
0x199: {  	[tilespmem:s24], [sflag:$0x1] =	stream.indirect.gather [hbm4b:s5+s23], $0x80, s9, s23, $0xb8;
	[tilespmem:$0x1F800] =	vst v63  }
0x19a: {  	s9 =	sor.u32 $0x14A80, s11;
	_ =	swait.ge [sflag:s30], $0x4000  }
0x19b: {  	[sflag:s30] =	ssyncset.done $0x0  }
0x19c: {  	[sflag:s30] =	ssyncadd.s32 $0xFFFFC000  }
0x19d: {  	[spmem:s3] =	stream.indirect.scatter.add.f32 [tilespmem:s25], [sflag:$0x4], $0x80, s9, s23, $0xb8;
	[tilespmem:$0x1F800] =	vst v63  }
0x19e: {  	s9 =	sor.u32 $0x14380, s11;
	_ =	swait.ge [sflag:s31], $0x4000  }
0x19f: {  	[sflag:s31] =	ssyncset.done $0x0  }
0x1a0: {  	[sflag:s31] =	ssyncadd.s32 $0xFFFFC000  }
0x1a1: {  	[tilespmem:s25], [sflag:$0x2] =	stream.indirect.gather [hbm4b:s5+s23], $0x80, s9, s23, $0xb8;
	[tilespmem:$0x1F800] =	vst v63  }
0x1a2: {  	s9 =	sor.u32 $0x14B00, s11;
	_ =	swait.ge [sflag:s28], $0x4000  }
0x1a3: {  	[sflag:s28] =	ssyncset.done $0x0  }
0x1a4: {  	[sflag:s28] =	ssyncadd.s32 $0xFFFFC000  }
0x1a5: {  	[spmem:s3] =	stream.indirect.scatter.add.f32 [tilespmem:s24], [sflag:$0x3], $0x80, s9, s23, $0xb8;
	[tilespmem:$0x1F800] =	vst v63  }
0x1a6: {  	_ =	swait.ge [sflag:s29], $0x4000  }
0x1a7: {  	[sflag:s29] =	ssyncset.done $0x0  }
0x1a8: {  	[sflag:s29] =	ssyncadd.s32 $0xFFFFC000  }
0x1a9: {  	_ =	swait.ge [sflag:s0], $0x400  }
0x1aa: {  	[sflag:s0] =	ssyncset.done $0x0  }
.Ltmp2:
0x1ab: {  	[sflag:s0] =	ssyncadd.s32 $0xFFFFFC00;
	(pc) =	sbr.rel @p0 .LBB2_6-.Ltmp2, $4  }
0x1ac: {  	_ =	swait.ge [sflag:s0], $0x400  }
0x1ad: {  	[sflag:s0] =	ssyncset.done $0x0  }
0x1ae: {  	p1 =	seq.s32 s15, $0x0;
	[sflag:s0] =	ssyncadd.s32 $0xFFFFFC00  }
0x1af: {  	[tilespmem:s24], [sflag:$0x1] =	stream.indirect.gather [hbm4b:s5+s23], $0x80, s16, s23, $0xb8;
	[tilespmem:$0x1F800] =	vst v63  }
0x1b0: {  	_ =	swait.ge [sflag:s30], $0x4000  }
0x1b1: {  	[sflag:s30] =	ssyncset.done $0x0  }
0x1b2: {  	s9 =	simm.s32 @!p1 $0x4;
	s11 =	sor.u32 $0x14B80, s11;
	[sflag:s30] =	ssyncadd.s32 $0xFFFFC000  }
0x1b3: {  	[spmem:s3] =	stream.indirect.scatter.add.f32 [tilespmem:s25], [sflag:$0x4], $0x80, s11, s23, $0xb8;
	[tilespmem:$0x1F800] =	vst v63  }
0x1b4: {  	_ =	swait.ge @!p1 [sflag:s9], $0x4000  }
0x1b5: {  	s11 =	sand.u32 $0x400, s15;
	[sflag:s9] =	ssyncset.done @!p1 $0x0  }
0x1b6: {  	s12 =	sor.u32 $0x14080, s11;
	[sflag:s9] =	ssyncadd.s32 @!p1 $0xFFFFC000  }
0x1b7: {  	[tilespmem:s25], [sflag:$0x2] =	stream.indirect.gather [hbm4b:s5+s23], $0x80, s12, s23, $0xb8;
	[tilespmem:$0x1F800] =	vst v63  }
0x1b8: {  	_ =	swait.ge [sflag:s28], $0x4000  }
0x1b9: {  	[sflag:s28] =	ssyncset.done $0x0  }
0x1ba: {  	s16 =	sor.u32 $0x14800, s11;
	[sflag:s28] =	ssyncadd.s32 $0xFFFFC000  }
0x1bb: {  	[spmem:s3] =	stream.indirect.scatter.add.f32 [tilespmem:s24], [sflag:$0x3], $0x80, s16, s23, $0xb8;
	[tilespmem:$0x1F800] =	vst v63  }
0x1bc: {  	_ =	swait.ge [sflag:s29], $0x4000  }
0x1bd: {  	[sflag:s29] =	ssyncset.done $0x0  }
0x1be: {  	s17 =	sor.u32 $0x14100, s11;
	[sflag:s29] =	ssyncadd.s32 $0xFFFFC000  }
0x1bf: {  	[tilespmem:s24], [sflag:$0x1] =	stream.indirect.gather [hbm4b:s5+s23], $0x80, s17, s23, $0xb8;
	[tilespmem:$0x1F800] =	vst v63  }
0x1c0: {  	p0 =	seq.s32 s15, $0x4C00;
	_ =	swait.ge [sflag:s30], $0x4000  }
0x1c1: {  	s13 =	simm.s32 @p0 $0x0;
	[sflag:s30] =	ssyncset.done $0x0  }
0x1c2: {  	s15 =	sadd.s32 s14, s13;
	s18 =	sor.u32 $0x14880, s11;
	[sflag:s30] =	ssyncadd.s32 $0xFFFFC000  }
0x1c3: {  	[spmem:s3] =	stream.indirect.scatter.add.f32 [tilespmem:s25], [sflag:$0x4], $0x80, s18, s23, $0xb8;
	[tilespmem:$0x1F800] =	vst v63  }
0x1c4: {  	s22 =	sxor.u32 $0x400, s11;
	s9 =	sshrl.u32 s15, $0x3;
	_ =	swait.ge [sflag:s31], $0x4000  }
0x1c5: {  	s9 =	sadd.s32 s6, s9;
	s16 =	sadd.s32 s7, s13;
	[sflag:s31] =	ssyncset.done $0x0  }
0x1c6: {  	s13 =	sor.u32 $0x14000, s22;
	s15 =	sshrl.u32 s16, $0x3;
	[sflag:s31] =	ssyncadd.s32 $0xFFFFC000  }
0x1c7: {  	[tilespmem:s13], [sflag:$0x5] =	stream.linear.gather [hbm4b:s9+s4], $0x400, $0x38;
	[tilespmem:$0x1F800] =	vst v63  }
0x1c8: {  	s17 =	sor.u32 $0x14800, s22;
	s18 =	sadd.s32 s1, s15  }
0x1c9: {  	[tilespmem:s17], [sflag:$0x5] =	stream.linear.gather [hbm4b:s18+s4], $0x400, $0x38;
	[tilespmem:$0x1F800] =	vst v63  }
0x1ca: {  	s22 =	sor.u32 $0x14180, s11  }
0x1cb: {  	[tilespmem:s25], [sflag:$0x2] =	stream.indirect.gather [hbm4b:s5+s23], $0x80, s22, s23, $0xb8;
	[tilespmem:$0x1F800] =	vst v63  }
0x1cc: {  	_ =	swait.ge [sflag:s28], $0x4000  }
0x1cd: {  	[sflag:s28] =	ssyncset.done $0x0  }
0x1ce: {  	s12 =	sor.u32 $0x14900, s11;
	[sflag:s28] =	ssyncadd.s32 $0xFFFFC000  }
0x1cf: {  	[spmem:s3] =	stream.indirect.scatter.add.f32 [tilespmem:s24], [sflag:$0x3], $0x80, s12, s23, $0xb8;
	[tilespmem:$0x1F800] =	vst v63  }
0x1d0: {  	_ =	swait.ge [sflag:s29], $0x4000  }
0x1d1: {  	[sflag:s29] =	ssyncset.done $0x0  }
0x1d2: {  	s15 =	sor.u32 $0x14200, s11;
	[sflag:s29] =	ssyncadd.s32 $0xFFFFC000  }
0x1d3: {  	[tilespmem:s24], [sflag:$0x1] =	stream.indirect.gather [hbm4b:s5+s23], $0x80, s15, s23, $0xb8;
	[tilespmem:$0x1F800] =	vst v63  }
0x1d4: {  	_ =	swait.ge [sflag:s30], $0x4000  }
0x1d5: {  	[sflag:s30] =	ssyncset.done $0x0  }
0x1d6: {  	s16 =	sor.u32 $0x14980, s11;
	[sflag:s30] =	ssyncadd.s32 $0xFFFFC000  }
0x1d7: {  	[spmem:s3] =	stream.indirect.scatter.add.f32 [tilespmem:s25], [sflag:$0x4], $0x80, s16, s23, $0xb8;
	[tilespmem:$0x1F800] =	vst v63  }
0x1d8: {  	_ =	swait.ge [sflag:s31], $0x4000  }
0x1d9: {  	[sflag:s31] =	ssyncset.done $0x0  }
0x1da: {  	s17 =	sor.u32 $0x14280, s11;
	[sflag:s31] =	ssyncadd.s32 $0xFFFFC000  }
0x1db: {  	[tilespmem:s25], [sflag:$0x2] =	stream.indirect.gather [hbm4b:s5+s23], $0x80, s17, s23, $0xb8;
	[tilespmem:$0x1F800] =	vst v63  }
0x1dc: {  	_ =	swait.ge [sflag:s28], $0x4000  }
0x1dd: {  	[sflag:s28] =	ssyncset.done $0x0  }
0x1de: {  	s18 =	sor.u32 $0x14A00, s11;
	[sflag:s28] =	ssyncadd.s32 $0xFFFFC000  }
0x1df: {  	[spmem:s3] =	stream.indirect.scatter.add.f32 [tilespmem:s24], [sflag:$0x3], $0x80, s18, s23, $0xb8;
	[tilespmem:$0x1F800] =	vst v63  }
0x1e0: {  	_ =	swait.ge [sflag:s29], $0x4000  }
0x1e1: {  	[sflag:s29] =	ssyncset.done $0x0  }
0x1e2: {  	s22 =	sor.u32 $0x14300, s11;
	[sflag:s29] =	ssyncadd.s32 $0xFFFFC000  }
0x1e3: {  	[tilespmem:s24], [sflag:$0x1] =	stream.indirect.gather [hbm4b:s5+s23], $0x80, s22, s23, $0xb8;
	[tilespmem:$0x1F800] =	vst v63  }
0x1e4: {  	_ =	swait.ge [sflag:s30], $0x4000  }
0x1e5: {  	[sflag:s30] =	ssyncset.done $0x0  }
0x1e6: {  	s12 =	sor.u32 $0x14A80, s11;
	[sflag:s30] =	ssyncadd.s32 $0xFFFFC000  }
0x1e7: {  	[spmem:s3] =	stream.indirect.scatter.add.f32 [tilespmem:s25], [sflag:$0x4], $0x80, s12, s23, $0xb8;
	[tilespmem:$0x1F800] =	vst v63  }
0x1e8: {  	_ =	swait.ge [sflag:s31], $0x4000  }
0x1e9: {  	[sflag:s31] =	ssyncset.done $0x0  }
0x1ea: {  	s15 =	sor.u32 $0x14380, s11;
	[sflag:s31] =	ssyncadd.s32 $0xFFFFC000  }
0x1eb: {  	[tilespmem:s25], [sflag:$0x2] =	stream.indirect.gather [hbm4b:s5+s23], $0x80, s15, s23, $0xb8;
	[tilespmem:$0x1F800] =	vst v63  }
0x1ec: {  	_ =	swait.ge [sflag:s28], $0x4000  }
0x1ed: {  	[sflag:s28] =	ssyncset.done $0x0  }
0x1ee: {  	s16 =	sor.u32 $0x14B00, s11;
	[sflag:s28] =	ssyncadd.s32 $0xFFFFC000  }
0x1ef: {  	[spmem:s3] =	stream.indirect.scatter.add.f32 [tilespmem:s24], [sflag:$0x3], $0x80, s16, s23, $0xb8;
	[tilespmem:$0x1F800] =	vst v63  }
0x1f0: {  	_ =	swait.ge [sflag:s29], $0x4000  }
0x1f1: {  	[sflag:s29] =	ssyncset.done $0x0  }
0x1f2: {  	[sflag:s29] =	ssyncadd.s32 $0xFFFFC000  }
0x1f3: {  	_ =	swait.ge [sflag:s0], $0x400  }
0x1f4: {  	[sflag:s0] =	ssyncset.done $0x0  }
0x1f5: {  	[sflag:s0] =	ssyncadd.s32 $0xFFFFFC00  }
0x1f6: {  	_ =	swait.ge [sflag:s0], $0x400  }
0x1f7: {  	[sflag:s0] =	ssyncset.done $0x0  }
0x1f8: {  	[sflag:s0] =	ssyncadd.s32 $0xFFFFFC00  }
0x1f9: {  	[tilespmem:s24], [sflag:$0x1] =	stream.indirect.gather [hbm4b:s5+s23], $0x80, s13, s23, $0xb8;
	[tilespmem:$0x1F800] =	vst v63  }
0x1fa: {  	_ =	swait.ge [sflag:s30], $0x4000  }
0x1fb: {  	[sflag:s30] =	ssyncset.done $0x0  }
0x1fc: {  	s17 =	sor.u32 $0x14B80, s11;
	[sflag:s30] =	ssyncadd.s32 $0xFFFFC000  }
0x1fd: {  	[spmem:s3] =	stream.indirect.scatter.add.f32 [tilespmem:s25], [sflag:$0x4], $0x80, s17, s23, $0xb8;
	[tilespmem:$0x1F800] =	vst v63  }
0x1fe: {  	_ =	swait.ge [sflag:s28], $0x4000  }
0x1ff: {  	[sflag:s28] =	ssyncset.done $0x0  }
0x200: {  	[sflag:s28] =	ssyncadd.s32 $0xFFFFC000  }
0x201: {  	_ =	swait.ge [sflag:s31], $0x4000  }
0x202: {  	[sflag:s31] =	ssyncset.done $0x0  }
0x203: {  	[sflag:s31] =	ssyncadd.s32 $0xFFFFC000  }
0x204: {  	[bflag:$0x0] =	sbarrier.arrive $0xFFFF  }
0x205: {  	s18 =	rddreg [dreg:$0xa]  }
0x206: {  	[hbm:s18], [sflag:s10] =	dma.local [spmem:s19], $0x2800  }
0x207: {  	_ =	swait.ge [sflag:s20], $0x2800  }
0x208: {  	s2 =	sadd.s32 $0x1, s2;
	s22 =	rddreg [dreg:$0xb]  }
0x209: {  	p0 =	sne.s32 s2, s22  }
.Ltmp3:
0x20a: {  	_ = 	snop;
	(pc) =	sbr.rel @p0 .LBB2_1-.Ltmp3, $4  }
0x20b: {  	[sflag:s20] =	ssyncset.done $0x0  }
0x20c: {  	[sflag:s20] =	ssyncadd.s32 $0xFFFFD800  }
0x20d: {  	[bflag:$0x0] =	sbarrier.arrive $0xFFFF  }
0x20e: {  	s12 =	smov.u32 s21;
	s18 =	simm.s32 $0x14000;
	s9 =	rddreg [dreg:$0x6]  }
0x20f: {  	_ =	sfence.sel $0x180000  }
0x210: {  	[bflag:$0x0] =	sbarrier.arrive $0xFFFF  }
0x211: {  	_ =	strace $0x90000047  }
0x212: {  	s0 =	stileid.u32;
	[bflag:$0x2] =	sbarrier.arrive $0xFFFF  }
0x213: {  	p0 =	sne.s32 s0, $0x0;
	s0 =	rddreg [dreg:$0x4]  }
0x214: {  	s0 =	sadd.s32 @!p0 $0x100000, s0  }
0x215: {  	[sflag:s0] =	ssyncadd.tile.s32 @!p0 $0x1;
	_ =	shalt  }
.Lfunc_end2:
_tile_overlayer_lowered:
.L_overlay_start_2:
0x216: {  	(tag) =	ssettag $0x2  }
0x217: {  	s0 =	rddreg [dreg:$0x0];
	s2 =	stileid.u32  }
0x218: {  	s1 =	rddreg [dreg:$0x1];
	p0 =	sne.s32 s2, $0x0  }
0x219: {  	s3 =	rddreg [dreg:$0x2];
	[bflag:$0x3] =	sbarrier.arrive $0xFFFF;
	s2 =	simm.s32 @!p0 $0x1C06  }
0x21a: {  	[timem:s3], [sflag:s2] =	dma.local @!p0 [hbm:s0], s1  }
0x21b: {  	s0 =	simm.s32 @!p0 $0x6  }
0x21c: {  	_ =	swait.ge @!p0 [sflag:s0], s1  }
0x21d: {  	s1 =	ssub.s32 @!p0 $0x0, s1;
	[sflag:s0] =	ssyncset.done @!p0 $0x0  }
0x21e: {  	[sflag:s0] =	ssyncadd.s32 @!p0 s1  }
0x21f: {  	[bflag:$0x3] =	sbarrier.arrive $0xFFFF  }
0x220: {  	_ =	shalt  }

</sc_bundles>
